<compile_context>
chip_gen: v7x
topology: tpu7x:2x2x1
jax: 0.10.2.dev20260603
libtpu: 0.0.44.dev20260713+nightly
codegen_flags: <defaults>
</compile_context>

<pallas_src>
import functools

import jax
import jax.numpy as jnp
import numpy as np
from jax import lax
from jax.experimental import pallas as pl
from jax.experimental.pallas import tpu as pltpu
from jax.experimental.pallas import tpu_sc as plsc

N = 10000
E = 320000
D = 128
H = 128
BN_EPS = 1e-5

NC = 2
NS = 16
NW = NC * NS
CH = 128
K = 80
EPAD = NW * K * CH
NPAD = 10240
RPT = NPAD // NS

_mesh = plsc.VectorSubcoreMesh(core_axis_name="c", subcore_axis_name="s")


@functools.partial(
    pl.kernel,
    out_type=jax.ShapeDtypeStruct((2 * NPAD, D), jnp.float32),
    mesh=_mesh,
    scratch_types=[
        pltpu.VMEM((K // 2, CH), jnp.int32),
        pltpu.VMEM((K // 2, CH), jnp.int32),
        pltpu.VMEM((CH, D), jnp.float32),
        pltpu.VMEM((CH, D), jnp.float32),
        pltpu.VMEM_SHARED((NPAD, D), jnp.float32),
        pltpu.SemaphoreType.DMA,
        pltpu.SemaphoreType.DMA,
    ],
)
def _segsum_sc(x_hbm, src_hbm, dst_hbm, out_hbm,
               src_v, dst_v, rows0_v, rows1_v, acc, sem0, sem1):
    c = lax.axis_index("c")
    s = lax.axis_index("s")
    w = s * NC + c

    def zbody(r, carry):
        for q in range(D // 16):
            rows0_v[r, pl.ds(q * 16, 16)] = jnp.zeros((16,), jnp.float32)
        return carry

    lax.fori_loop(0, CH, zbody, 0)
    for t in range(RPT // CH):
        pltpu.async_copy(rows0_v, acc.at[pl.ds(s * RPT + t * CH, CH)], sem0)
    for t in range(RPT // CH):
        pltpu.make_async_copy(
            rows0_v, acc.at[pl.ds(s * RPT + t * CH, CH)], sem0).wait()
    plsc.subcore_barrier()

    K2 = K // 2
    for h in range(2):
        pltpu.sync_copy(src_hbm.at[w, pl.ds(h * K2, K2)], src_v)
        pltpu.sync_copy(dst_hbm.at[w, pl.ds(h * K2, K2)], dst_v)
        pltpu.async_copy(x_hbm.at[src_v.at[0]], rows0_v, sem0)

        def body(i, carry):
            j = 2 * i
            pltpu.make_async_copy(x_hbm.at[src_v.at[j]], rows0_v, sem0).wait()
            pltpu.async_copy(x_hbm.at[src_v.at[j + 1]], rows1_v, sem1)
            pltpu.sync_copy(rows0_v, acc.at[dst_v.at[j]], add=True)
            pltpu.make_async_copy(x_hbm.at[src_v.at[j + 1]], rows1_v, sem1).wait()

            @pl.when(j + 2 < K2)
            def _():
                pltpu.async_copy(x_hbm.at[src_v.at[j + 2]], rows0_v, sem0)

            pltpu.sync_copy(rows1_v, acc.at[dst_v.at[j + 1]], add=True)
            return carry

        lax.fori_loop(0, K2 // 2, body, 0)
    plsc.subcore_barrier()
    pltpu.sync_copy(acc.at[pl.ds(s * RPT, RPT)],
                    out_hbm.at[pl.ds(c * NPAD + s * RPT, RPT)])


BN_ROWS = 2048
_GRID = NPAD // BN_ROWS


def _mlp_body(x_ref, p0_ref, p1_ref, w0_ref, b0_ref, w1_ref, b1_ref, o_ref):
    h = x_ref[...] + p0_ref[...] + p1_ref[...]
    h = jnp.dot(h, w0_ref[...], preferred_element_type=jnp.float32) + b0_ref[...]
    h = jnp.maximum(h, 0.0)
    h = jnp.dot(h, w1_ref[...], preferred_element_type=jnp.float32) + b1_ref[...]
    o_ref[...] = jnp.maximum(h, 0.0)


_mlp_call = pl.pallas_call(
    _mlp_body,
    grid=(_GRID,),
    in_specs=[
        pl.BlockSpec((BN_ROWS, D), lambda i: (i, 0)),
        pl.BlockSpec((BN_ROWS, D), lambda i: (i, 0)),
        pl.BlockSpec((BN_ROWS, D), lambda i: (i + _GRID, 0)),
        pl.BlockSpec((D, H), lambda i: (0, 0)),
        pl.BlockSpec((1, H), lambda i: (0, 0)),
        pl.BlockSpec((H, H), lambda i: (0, 0)),
        pl.BlockSpec((1, H), lambda i: (0, 0)),
    ],
    out_specs=pl.BlockSpec((BN_ROWS, H), lambda i: (i, 0)),
    out_shape=jax.ShapeDtypeStruct((NPAD, H), jnp.float32),
)


def _head_body(x1_ref, x2_ref, x3_ref, wa_ref, wb_ref, wc_ref, b1_ref,
               w2_ref, b2_ref, wo_ref, bo_ref, o_ref):
    h = (jnp.dot(x1_ref[...], wa_ref[...], preferred_element_type=jnp.float32)
         + jnp.dot(x2_ref[...], wb_ref[...], preferred_element_type=jnp.float32)
         + jnp.dot(x3_ref[...], wc_ref[...], preferred_element_type=jnp.float32)
         + b1_ref[...])
    h = jnp.maximum(h, 0.0)
    h = jnp.dot(h, w2_ref[...], preferred_element_type=jnp.float32) + b2_ref[...]
    h = jnp.maximum(h, 0.0)
    o = jnp.dot(h, wo_ref[...], preferred_element_type=jnp.float32) + bo_ref[...]
    o_ref[...] = jnp.maximum(o, 0.0)


_head_call = pl.pallas_call(
    _head_body,
    grid=(_GRID,),
    in_specs=[
        pl.BlockSpec((BN_ROWS, H), lambda i: (i, 0)),
        pl.BlockSpec((BN_ROWS, H), lambda i: (i, 0)),
        pl.BlockSpec((BN_ROWS, H), lambda i: (i, 0)),
        pl.BlockSpec((H, 3 * H), lambda i: (0, 0)),
        pl.BlockSpec((H, 3 * H), lambda i: (0, 0)),
        pl.BlockSpec((H, 3 * H), lambda i: (0, 0)),
        pl.BlockSpec((1, 3 * H), lambda i: (0, 0)),
        pl.BlockSpec((3 * H, 3 * H), lambda i: (0, 0)),
        pl.BlockSpec((1, 3 * H), lambda i: (0, 0)),
        pl.BlockSpec((3 * H, 128), lambda i: (0, 0)),
        pl.BlockSpec((1, 128), lambda i: (0, 0)),
    ],
    out_specs=pl.BlockSpec((BN_ROWS, 128), lambda i: (i, 0)),
    out_shape=jax.ShapeDtypeStruct((NPAD, 128), jnp.float32),
)


def _fold_bn(Wl, bl, g, be):
    sc = g * (1.0 / np.sqrt(1.0 + BN_EPS))
    return Wl * sc[None, :], bl * sc + be


def kernel(x, edge_index, batch,
           c1_W0, c1_b0, c1_g0, c1_be0, c1_W1, c1_b1, c1_g1, c1_be1,
           c2_W0, c2_b0, c2_g0, c2_be0, c2_W1, c2_b1, c2_g1, c2_be1,
           c3_W0, c3_b0, c3_g0, c3_be0, c3_W1, c3_b1, c3_g1, c3_be1,
           lin1_W, lin1_b, lin2_W, lin2_b, out_W, out_b):
    del batch
    layers = []
    for (W0, b0, g0, be0, W1, b1, g1, be1) in (
        (c1_W0, c1_b0, c1_g0, c1_be0, c1_W1, c1_b1, c1_g1, c1_be1),
        (c2_W0, c2_b0, c2_g0, c2_be0, c2_W1, c2_b1, c2_g1, c2_be1),
        (c3_W0, c3_b0, c3_g0, c3_be0, c3_W1, c3_b1, c3_g1, c3_be1),
    ):
        W0f, b0f = _fold_bn(W0, b0, g0, be0)
        W1f, b1f = _fold_bn(W1, b1, g1, be1)
        layers.append((W0f, b0f.reshape(1, H), W1f, b1f.reshape(1, H)))

    x_pad = jnp.pad(x, ((0, NPAD - N), (0, 0)))
    junk = N + jnp.arange(EPAD - E, dtype=jnp.int32) % (NPAD - N)
    src = jnp.concatenate([edge_index[0], junk]).reshape(NW, K, CH)
    dst = jnp.concatenate([edge_index[1], junk]).reshape(NW, K, CH)

    h = x_pad
    feats = []
    for (W0f, b0f, W1f, b1f) in layers:
        parts = _segsum_sc(h, src, dst)
        h = _mlp_call(h, parts, parts, W0f, b0f, W1f, b1f)
        feats.append(h)

    x1, x2, x3 = feats
    wa, wb, wc = lin1_W[:H], lin1_W[H:2 * H], lin1_W[2 * H:]
    wo = jnp.pad(out_W, ((0, 0), (0, 127)))
    bo = jnp.pad(out_b, (0, 127)).reshape(1, 128)
    out = _head_call(x1, x2, x3, wa, wb, wc, lin1_b.reshape(1, 3 * H),
                     lin2_W, lin2_b.reshape(1, 3 * H), wo, bo)
    return out[:N, :1]

# --- scband reference (transcript-rebuilt; emitter-appended) ---
"""Pipeline reference for scband-ginconv-net-79611513798693 (READ-ONLY COPY).

The authoritative reference and input builder live on the scoring server;
editing this copy changes nothing except your own understanding.
"""

import jax, jax.numpy as jnp
import numpy as np

N = 10000
E = 320000
D = 128
H = 128
BN_EPS = 1e-5

def _lin_init(k, fin, fout):
    W = jax.random.normal(k, (fin, fout), dtype=jnp.float32) * (1.0 / np.sqrt(fin))
    b = jnp.zeros((fout,), dtype=jnp.float32)
    return W, b

def setup_inputs(seed: int = 0) -> dict:
    key = jax.random.key(seed)
    ks = jax.random.split(key, 16)
    inp = {}
    inp["x"] = jax.random.normal(ks[0], (N, D), dtype=jnp.float32)
    inp["edge_index"] = jax.random.randint(ks[1], (2, E), 0, N, dtype=jnp.int32)
    inp["batch"] = jnp.sort(jax.random.randint(ks[2], (N,), 0, 16, dtype=jnp.int32))
    ki = 3
    for c in (1, 2, 3):
        for l in (0, 1):
            fin = D if (c == 1 and l == 0) else H
            W, b = _lin_init(ks[ki], fin, H); ki += 1
            inp["c%d_W%d" % (c, l)] = W
            inp["c%d_b%d" % (c, l)] = b
            inp["c%d_g%d" % (c, l)] = jnp.ones((H,), dtype=jnp.float32)
            inp["c%d_be%d" % (c, l)] = jnp.zeros((H,), dtype=jnp.float32)
    W, b = _lin_init(ks[ki], 3 * H, 3 * H); ki += 1
    inp["lin1_W"], inp["lin1_b"] = W, b
    W, b = _lin_init(ks[ki], 3 * H, 3 * H); ki += 1
    inp["lin2_W"], inp["lin2_b"] = W, b
    W, b = _lin_init(ks[ki], 3 * H, 1)
    inp["out_W"], inp["out_b"] = W, b
    return inp

def _bn(h, g, be):
    # BatchNorm1d in eval mode: running_mean=0, running_var=1
    return g * h / jnp.sqrt(1.0 + BN_EPS) + be

def _mlp2(h, p, pre):
    h = h @ p[pre + "_W0"] + p[pre + "_b0"]
    h = _bn(h, p[pre + "_g0"], p[pre + "_be0"])
    h = jax.nn.relu(h)
    h = h @ p[pre + "_W1"] + p[pre + "_b1"]
    h = _bn(h, p[pre + "_g1"], p[pre + "_be1"])
    return jax.nn.relu(h)

def _gin(x, src, dst, p, pre, eps=0.0):
    # GINConv: sum-aggregate neighbor messages, then (1+eps)*x + agg through MLP
    agg = jax.ops.segment_sum(x[src], dst, num_segments=x.shape[0])
    return _mlp2((1.0 + eps) * x + agg, p, pre)

def _forward(x, edge_index, p):
    src, dst = edge_index[0], edge_index[1]
    x1 = jax.nn.relu(_gin(x, src, dst, p, "c1"))
    x2 = jax.nn.relu(_gin(x1, src, dst, p, "c2"))
    x3 = jax.nn.relu(_gin(x2, src, dst, p, "c3"))
    h = jnp.concatenate([x1, x2, x3], axis=1)
    h = jax.nn.relu(h @ p["lin1_W"] + p["lin1_b"])
    h = jax.nn.relu(h @ p["lin2_W"] + p["lin2_b"])  # dropout is identity in eval
    return jax.nn.relu(h @ p["out_W"] + p["out_b"])

def reference(x, edge_index, batch,
              c1_W0, c1_b0, c1_g0, c1_be0, c1_W1, c1_b1, c1_g1, c1_be1,
              c2_W0, c2_b0, c2_g0, c2_be0, c2_W1, c2_b1, c2_g1, c2_be1,
              c3_W0, c3_b0, c3_g0, c3_be0, c3_W1, c3_b1, c3_g1, c3_be1,
              lin1_W, lin1_b, lin2_W, lin2_b, out_W, out_b):
    p = {
        "c1_W0": c1_W0, "c1_b0": c1_b0, "c1_g0": c1_g0, "c1_be0": c1_be0,
        "c1_W1": c1_W1, "c1_b1": c1_b1, "c1_g1": c1_g1, "c1_be1": c1_be1,
        "c2_W0": c2_W0, "c2_b0": c2_b0, "c2_g0": c2_g0, "c2_be0": c2_be0,
        "c2_W1": c2_W1, "c2_b1": c2_b1, "c2_g1": c2_g1, "c2_be1": c2_be1,
        "c3_W0": c3_W0, "c3_b0": c3_b0, "c3_g0": c3_g0, "c3_be0": c3_be0,
        "c3_W1": c3_W1, "c3_b1": c3_b1, "c3_g1": c3_g1, "c3_be1": c3_be1,
        "lin1_W": lin1_W, "lin1_b": lin1_b,
        "lin2_W": lin2_W, "lin2_b": lin2_b,
        "out_W": out_W, "out_b": out_b,
    }
    return _forward(x, edge_index, p)

if __name__ == "__main__":
    import jax
    _d = setup_inputs()
    print(jax.jit(kernel)(*tuple(_d.values())))

</pallas_src>

<mosaic_0001>
#map = affine_map<(d0, d1) -> (0, 0)>
#map1 = affine_map<(d0, d1) -> (0, 0, 0)>
module attributes {stable_mosaic.version = 14 : i64} {
  func.func @_segsum_sc(%arg0: i32, %arg1: i32, %arg2: memref<10240x128xf32, #tpu.memory_space<hbm>>, %arg3: memref<32x80x128xi32, #tpu.memory_space<hbm>>, %arg4: memref<32x80x128xi32, #tpu.memory_space<hbm>>, %arg5: memref<20480x128xf32, #tpu.memory_space<hbm>>, %arg6: memref<40x128xi32, #tpu.memory_space<vmem>>, %arg7: memref<40x128xi32, #tpu.memory_space<vmem>>, %arg8: memref<128x128xf32, #tpu.memory_space<vmem>>, %arg9: memref<128x128xf32, #tpu.memory_space<vmem>>, %arg10: memref<10240x128xf32, #tpu.memory_space<vmem_shared>>, %arg11: memref<!tpu.dma_semaphore, #tpu.memory_space<semaphore_mem>>, %arg12: memref<!tpu.dma_semaphore, #tpu.memory_space<semaphore_mem>>) attributes {dimension_semantics = [#tpu.dimension_semantics<core_parallel>, #tpu.dimension_semantics<subcore_parallel>], iteration_bounds = array<i64: 2, 16>, scalar_prefetch = 0 : i64, scratch_operands = 7 : i64, tpu.core_type = #tpu.core_type<sc_vector_subcore>, window_params = [{transform_indices = #map}, {transform_indices = #map1}, {transform_indices = #map1}, {transform_indices = #map}]} {
    %mul3A = arith.constant 2 : i32
    %mul3A_0 = arith.muli %arg1, %mul3A : i32
    %add3A = arith.addi %mul3A_0, %arg0 : i32
    %scan3A = arith.constant 0 : i32
    %scan3A_1 = arith.constant 0 : i32
    %scan3A_2 = arith.constant 128 : i32
    %scan3A_3 = arith.addi %scan3A_1, %scan3A_2 : i32
    %scan3A_4 = arith.constant 1 : i32
    scf.for %scan3A_118 = %scan3A_1 to %scan3A_3 step %scan3A_4  : i32 {
      %broadcast_in_dim3A = arith.constant 0.000000e+00 : f32
      %broadcast_in_dim3A_119 = vector.broadcast %broadcast_in_dim3A : f32 to vector<16xf32>
      %swap3A = arith.index_cast %scan3A_118 : i32 to index
      %swap3A_120 = arith.constant 0 : index
      %swap3A_121 = tpu.vector_load %arg8[%swap3A, %swap3A_120] {strides = array<i32>} : memref<128x128xf32, #tpu.memory_space<vmem>>, vector<1x16xf32>,
      %swap3A_122 = vector.shape_cast %swap3A_121 : vector<1x16xf32> to vector<16xf32>
      %swap3A_123 = vector.shape_cast %broadcast_in_dim3A_119 : vector<16xf32> to vector<1x16xf32>
      tpu.vector_store %arg8[%swap3A, %swap3A_120], %swap3A_123 {strides = array<i32>} : memref<128x128xf32, #tpu.memory_space<vmem>>, vector<1x16xf32>,
      %broadcast_in_dim3A_124 = arith.constant 0.000000e+00 : f32
      %broadcast_in_dim3A_125 = vector.broadcast %broadcast_in_dim3A_124 : f32 to vector<16xf32>
      %swap3A_126 = arith.index_cast %scan3A_118 : i32 to index
      %swap3A_127 = arith.constant 16 : index
      %swap3A_128 = tpu.vector_load %arg8[%swap3A_126, %swap3A_127] {strides = array<i32>} : memref<128x128xf32, #tpu.memory_space<vmem>>, vector<1x16xf32>,
      %swap3A_129 = vector.shape_cast %swap3A_128 : vector<1x16xf32> to vector<16xf32>
      %swap3A_130 = vector.shape_cast %broadcast_in_dim3A_125 : vector<16xf32> to vector<1x16xf32>
      tpu.vector_store %arg8[%swap3A_126, %swap3A_127], %swap3A_130 {strides = array<i32>} : memref<128x128xf32, #tpu.memory_space<vmem>>, vector<1x16xf32>,
      %broadcast_in_dim3A_131 = arith.constant 0.000000e+00 : f32
      %broadcast_in_dim3A_132 = vector.broadcast %broadcast_in_dim3A_131 : f32 to vector<16xf32>
      %swap3A_133 = arith.index_cast %scan3A_118 : i32 to index
      %swap3A_134 = arith.constant 32 : index
      %swap3A_135 = tpu.vector_load %arg8[%swap3A_133, %swap3A_134] {strides = array<i32>} : memref<128x128xf32, #tpu.memory_space<vmem>>, vector<1x16xf32>,
      %swap3A_136 = vector.shape_cast %swap3A_135 : vector<1x16xf32> to vector<16xf32>
      %swap3A_137 = vector.shape_cast %broadcast_in_dim3A_132 : vector<16xf32> to vector<1x16xf32>
      tpu.vector_store %arg8[%swap3A_133, %swap3A_134], %swap3A_137 {strides = array<i32>} : memref<128x128xf32, #tpu.memory_space<vmem>>, vector<1x16xf32>,
      %broadcast_in_dim3A_138 = arith.constant 0.000000e+00 : f32
      %broadcast_in_dim3A_139 = vector.broadcast %broadcast_in_dim3A_138 : f32 to vector<16xf32>
      %swap3A_140 = arith.index_cast %scan3A_118 : i32 to index
      %swap3A_141 = arith.constant 48 : index
      %swap3A_142 = tpu.vector_load %arg8[%swap3A_140, %swap3A_141] {strides = array<i32>} : memref<128x128xf32, #tpu.memory_space<vmem>>, vector<1x16xf32>,
      %swap3A_143 = vector.shape_cast %swap3A_142 : vector<1x16xf32> to vector<16xf32>
      %swap3A_144 = vector.shape_cast %broadcast_in_dim3A_139 : vector<16xf32> to vector<1x16xf32>
      tpu.vector_store %arg8[%swap3A_140, %swap3A_141], %swap3A_144 {strides = array<i32>} : memref<128x128xf32, #tpu.memory_space<vmem>>, vector<1x16xf32>,
      %broadcast_in_dim3A_145 = arith.constant 0.000000e+00 : f32
      %broadcast_in_dim3A_146 = vector.broadcast %broadcast_in_dim3A_145 : f32 to vector<16xf32>
      %swap3A_147 = arith.index_cast %scan3A_118 : i32 to index
      %swap3A_148 = arith.constant 64 : index
      %swap3A_149 = tpu.vector_load %arg8[%swap3A_147, %swap3A_148] {strides = array<i32>} : memref<128x128xf32, #tpu.memory_space<vmem>>, vector<1x16xf32>,
      %swap3A_150 = vector.shape_cast %swap3A_149 : vector<1x16xf32> to vector<16xf32>
      %swap3A_151 = vector.shape_cast %broadcast_in_dim3A_146 : vector<16xf32> to vector<1x16xf32>
      tpu.vector_store %arg8[%swap3A_147, %swap3A_148], %swap3A_151 {strides = array<i32>} : memref<128x128xf32, #tpu.memory_space<vmem>>, vector<1x16xf32>,
      %broadcast_in_dim3A_152 = arith.constant 0.000000e+00 : f32
      %broadcast_in_dim3A_153 = vector.broadcast %broadcast_in_dim3A_152 : f32 to vector<16xf32>
      %swap3A_154 = arith.index_cast %scan3A_118 : i32 to index
      %swap3A_155 = arith.constant 80 : index
      %swap3A_156 = tpu.vector_load %arg8[%swap3A_154, %swap3A_155] {strides = array<i32>} : memref<128x128xf32, #tpu.memory_space<vmem>>, vector<1x16xf32>,
      %swap3A_157 = vector.shape_cast %swap3A_156 : vector<1x16xf32> to vector<16xf32>
      %swap3A_158 = vector.shape_cast %broadcast_in_dim3A_153 : vector<16xf32> to vector<1x16xf32>
      tpu.vector_store %arg8[%swap3A_154, %swap3A_155], %swap3A_158 {strides = array<i32>} : memref<128x128xf32, #tpu.memory_space<vmem>>, vector<1x16xf32>,
      %broadcast_in_dim3A_159 = arith.constant 0.000000e+00 : f32
      %broadcast_in_dim3A_160 = vector.broadcast %broadcast_in_dim3A_159 : f32 to vector<16xf32>
      %swap3A_161 = arith.index_cast %scan3A_118 : i32 to index
      %swap3A_162 = arith.constant 96 : index
      %swap3A_163 = tpu.vector_load %arg8[%swap3A_161, %swap3A_162] {strides = array<i32>} : memref<128x128xf32, #tpu.memory_space<vmem>>, vector<1x16xf32>,
      %swap3A_164 = vector.shape_cast %swap3A_163 : vector<1x16xf32> to vector<16xf32>
      %swap3A_165 = vector.shape_cast %broadcast_in_dim3A_160 : vector<16xf32> to vector<1x16xf32>
      tpu.vector_store %arg8[%swap3A_161, %swap3A_162], %swap3A_165 {strides = array<i32>} : memref<128x128xf32, #tpu.memory_space<vmem>>, vector<1x16xf32>,
      %broadcast_in_dim3A_166 = arith.constant 0.000000e+00 : f32
      %broadcast_in_dim3A_167 = vector.broadcast %broadcast_in_dim3A_166 : f32 to vector<16xf32>
      %swap3A_168 = arith.index_cast %scan3A_118 : i32 to index
      %swap3A_169 = arith.constant 112 : index
      %swap3A_170 = tpu.vector_load %arg8[%swap3A_168, %swap3A_169] {strides = array<i32>} : memref<128x128xf32, #tpu.memory_space<vmem>>, vector<1x16xf32>,
      %swap3A_171 = vector.shape_cast %swap3A_170 : vector<1x16xf32> to vector<16xf32>
      %swap3A_172 = vector.shape_cast %broadcast_in_dim3A_167 : vector<16xf32> to vector<1x16xf32>
      tpu.vector_store %arg8[%swap3A_168, %swap3A_169], %swap3A_172 {strides = array<i32>} : memref<128x128xf32, #tpu.memory_space<vmem>>, vector<1x16xf32>,
    }
    %scan3A_5 = arith.constant 128 : i32
    %mul3A_6 = arith.constant 640 : i32
    %mul3A_7 = arith.muli %arg1, %mul3A_6 : i32
    %add3A_8 = arith.constant 0 : i32
    %add3A_9 = arith.addi %mul3A_7, %add3A_8 : i32
    %dma_start3A = arith.constant 0 : i32
    %dma_start3A_10 = tpu.memref_slice %arg10[%add3A_9, %dma_start3A] : memref<10240x128xf32, #tpu.memory_space<vmem_shared>> -> memref<128x128xf32, #tpu.memory_space<vmem_shared>>
    %dma_start3A_11 = arith.constant 0 : i32
    %dma_start3A_12 = tpu.memref_slice %arg10[%add3A_9, %dma_start3A_11] : memref<10240x128xf32, #tpu.memory_space<vmem_shared>> -> memref<128x128xf32, #tpu.memory_space<vmem_shared>>
    tpu.enqueue_dma source(%arg8 : memref<128x128xf32, #tpu.memory_space<vmem>>) target(%dma_start3A_12 : memref<128x128xf32, #tpu.memory_space<vmem_shared>>) target_semaphore(%arg11 : memref<!tpu.dma_semaphore, #tpu.memory_space<semaphore_mem>>)
    %mul3A_13 = arith.constant 640 : i32
    %mul3A_14 = arith.muli %arg1, %mul3A_13 : i32
    %add3A_15 = arith.constant 128 : i32
    %add3A_16 = arith.addi %mul3A_14, %add3A_15 : i32
    %dma_start3A_17 = arith.constant 0 : i32
    %dma_start3A_18 = tpu.memref_slice %arg10[%add3A_16, %dma_start3A_17] : memref<10240x128xf32, #tpu.memory_space<vmem_shared>> -> memref<128x128xf32, #tpu.memory_space<vmem_shared>>
    %dma_start3A_19 = arith.constant 0 : i32
    %dma_start3A_20 = tpu.memref_slice %arg10[%add3A_16, %dma_start3A_19] : memref<10240x128xf32, #tpu.memory_space<vmem_shared>> -> memref<128x128xf32, #tpu.memory_space<vmem_shared>>
    tpu.enqueue_dma source(%arg8 : memref<128x128xf32, #tpu.memory_space<vmem>>) target(%dma_start3A_20 : memref<128x128xf32, #tpu.memory_space<vmem_shared>>) target_semaphore(%arg11 : memref<!tpu.dma_semaphore, #tpu.memory_space<semaphore_mem>>)
    %mul3A_21 = arith.constant 640 : i32
    %mul3A_22 = arith.muli %arg1, %mul3A_21 : i32
    %add3A_23 = arith.constant 256 : i32
    %add3A_24 = arith.addi %mul3A_22, %add3A_23 : i32
    %dma_start3A_25 = arith.constant 0 : i32
    %dma_start3A_26 = tpu.memref_slice %arg10[%add3A_24, %dma_start3A_25] : memref<10240x128xf32, #tpu.memory_space<vmem_shared>> -> memref<128x128xf32, #tpu.memory_space<vmem_shared>>
    %dma_start3A_27 = arith.constant 0 : i32
    %dma_start3A_28 = tpu.memref_slice %arg10[%add3A_24, %dma_start3A_27] : memref<10240x128xf32, #tpu.memory_space<vmem_shared>> -> memref<128x128xf32, #tpu.memory_space<vmem_shared>>
    tpu.enqueue_dma source(%arg8 : memref<128x128xf32, #tpu.memory_space<vmem>>) target(%dma_start3A_28 : memref<128x128xf32, #tpu.memory_space<vmem_shared>>) target_semaphore(%arg11 : memref<!tpu.dma_semaphore, #tpu.memory_space<semaphore_mem>>)
    %mul3A_29 = arith.constant 640 : i32
    %mul3A_30 = arith.muli %arg1, %mul3A_29 : i32
    %add3A_31 = arith.constant 384 : i32
    %add3A_32 = arith.addi %mul3A_30, %add3A_31 : i32
    %dma_start3A_33 = arith.constant 0 : i32
    %dma_start3A_34 = tpu.memref_slice %arg10[%add3A_32, %dma_start3A_33] : memref<10240x128xf32, #tpu.memory_space<vmem_shared>> -> memref<128x128xf32, #tpu.memory_space<vmem_shared>>
    %dma_start3A_35 = arith.constant 0 : i32
    %dma_start3A_36 = tpu.memref_slice %arg10[%add3A_32, %dma_start3A_35] : memref<10240x128xf32, #tpu.memory_space<vmem_shared>> -> memref<128x128xf32, #tpu.memory_space<vmem_shared>>
    tpu.enqueue_dma source(%arg8 : memref<128x128xf32, #tpu.memory_space<vmem>>) target(%dma_start3A_36 : memref<128x128xf32, #tpu.memory_space<vmem_shared>>) target_semaphore(%arg11 : memref<!tpu.dma_semaphore, #tpu.memory_space<semaphore_mem>>)
    %mul3A_37 = arith.constant 640 : i32
    %mul3A_38 = arith.muli %arg1, %mul3A_37 : i32
    %add3A_39 = arith.constant 512 : i32
    %add3A_40 = arith.addi %mul3A_38, %add3A_39 : i32
    %dma_start3A_41 = arith.constant 0 : i32
    %dma_start3A_42 = tpu.memref_slice %arg10[%add3A_40, %dma_start3A_41] : memref<10240x128xf32, #tpu.memory_space<vmem_shared>> -> memref<128x128xf32, #tpu.memory_space<vmem_shared>>
    %dma_start3A_43 = arith.constant 0 : i32
    %dma_start3A_44 = tpu.memref_slice %arg10[%add3A_40, %dma_start3A_43] : memref<10240x128xf32, #tpu.memory_space<vmem_shared>> -> memref<128x128xf32, #tpu.memory_space<vmem_shared>>
    tpu.enqueue_dma source(%arg8 : memref<128x128xf32, #tpu.memory_space<vmem>>) target(%dma_start3A_44 : memref<128x128xf32, #tpu.memory_space<vmem_shared>>) target_semaphore(%arg11 : memref<!tpu.dma_semaphore, #tpu.memory_space<semaphore_mem>>)
    %mul3A_45 = arith.constant 640 : i32
    %mul3A_46 = arith.muli %arg1, %mul3A_45 : i32
    %add3A_47 = arith.constant 0 : i32
    %add3A_48 = arith.addi %mul3A_46, %add3A_47 : i32
    %dma_wait3A = arith.constant 0 : i32
    %dma_wait3A_49 = tpu.memref_slice %arg10[%add3A_48, %dma_wait3A] : memref<10240x128xf32, #tpu.memory_space<vmem_shared>> -> memref<128x128xf32, #tpu.memory_space<vmem_shared>>
    %dma_wait3A_50 = arith.constant 0 : i32
    %dma_wait3A_51 = tpu.memref_slice %arg10[%add3A_48, %dma_wait3A_50] : memref<10240x128xf32, #tpu.memory_space<vmem_shared>> -> memref<128x128xf32, #tpu.memory_space<vmem_shared>>
    tpu.wait_dma2 semaphore(%arg11 : memref<!tpu.dma_semaphore, #tpu.memory_space<semaphore_mem>>) src(%arg8 : memref<128x128xf32, #tpu.memory_space<vmem>>) dst(%dma_wait3A_51 : memref<128x128xf32, #tpu.memory_space<vmem_shared>>)
    %mul3A_52 = arith.constant 640 : i32
    %mul3A_53 = arith.muli %arg1, %mul3A_52 : i32
    %add3A_54 = arith.constant 128 : i32
    %add3A_55 = arith.addi %mul3A_53, %add3A_54 : i32
    %dma_wait3A_56 = arith.constant 0 : i32
    %dma_wait3A_57 = tpu.memref_slice %arg10[%add3A_55, %dma_wait3A_56] : memref<10240x128xf32, #tpu.memory_space<vmem_shared>> -> memref<128x128xf32, #tpu.memory_space<vmem_shared>>
    %dma_wait3A_58 = arith.constant 0 : i32
    %dma_wait3A_59 = tpu.memref_slice %arg10[%add3A_55, %dma_wait3A_58] : memref<10240x128xf32, #tpu.memory_space<vmem_shared>> -> memref<128x128xf32, #tpu.memory_space<vmem_shared>>
    tpu.wait_dma2 semaphore(%arg11 : memref<!tpu.dma_semaphore, #tpu.memory_space<semaphore_mem>>) src(%arg8 : memref<128x128xf32, #tpu.memory_space<vmem>>) dst(%dma_wait3A_59 : memref<128x128xf32, #tpu.memory_space<vmem_shared>>)
    %mul3A_60 = arith.constant 640 : i32
    %mul3A_61 = arith.muli %arg1, %mul3A_60 : i32
    %add3A_62 = arith.constant 256 : i32
    %add3A_63 = arith.addi %mul3A_61, %add3A_62 : i32
    %dma_wait3A_64 = arith.constant 0 : i32
    %dma_wait3A_65 = tpu.memref_slice %arg10[%add3A_63, %dma_wait3A_64] : memref<10240x128xf32, #tpu.memory_space<vmem_shared>> -> memref<128x128xf32, #tpu.memory_space<vmem_shared>>
    %dma_wait3A_66 = arith.constant 0 : i32
    %dma_wait3A_67 = tpu.memref_slice %arg10[%add3A_63, %dma_wait3A_66] : memref<10240x128xf32, #tpu.memory_space<vmem_shared>> -> memref<128x128xf32, #tpu.memory_space<vmem_shared>>
    tpu.wait_dma2 semaphore(%arg11 : memref<!tpu.dma_semaphore, #tpu.memory_space<semaphore_mem>>) src(%arg8 : memref<128x128xf32, #tpu.memory_space<vmem>>) dst(%dma_wait3A_67 : memref<128x128xf32, #tpu.memory_space<vmem_shared>>)
    %mul3A_68 = arith.constant 640 : i32
    %mul3A_69 = arith.muli %arg1, %mul3A_68 : i32
    %add3A_70 = arith.constant 384 : i32
    %add3A_71 = arith.addi %mul3A_69, %add3A_70 : i32
    %dma_wait3A_72 = arith.constant 0 : i32
    %dma_wait3A_73 = tpu.memref_slice %arg10[%add3A_71, %dma_wait3A_72] : memref<10240x128xf32, #tpu.memory_space<vmem_shared>> -> memref<128x128xf32, #tpu.memory_space<vmem_shared>>
    %dma_wait3A_74 = arith.constant 0 : i32
    %dma_wait3A_75 = tpu.memref_slice %arg10[%add3A_71, %dma_wait3A_74] : memref<10240x128xf32, #tpu.memory_space<vmem_shared>> -> memref<128x128xf32, #tpu.memory_space<vmem_shared>>
    tpu.wait_dma2 semaphore(%arg11 : memref<!tpu.dma_semaphore, #tpu.memory_space<semaphore_mem>>) src(%arg8 : memref<128x128xf32, #tpu.memory_space<vmem>>) dst(%dma_wait3A_75 : memref<128x128xf32, #tpu.memory_space<vmem_shared>>)
    %mul3A_76 = arith.constant 640 : i32
    %mul3A_77 = arith.muli %arg1, %mul3A_76 : i32
    %add3A_78 = arith.constant 512 : i32
    %add3A_79 = arith.addi %mul3A_77, %add3A_78 : i32
    %dma_wait3A_80 = arith.constant 0 : i32
    %dma_wait3A_81 = tpu.memref_slice %arg10[%add3A_79, %dma_wait3A_80] : memref<10240x128xf32, #tpu.memory_space<vmem_shared>> -> memref<128x128xf32, #tpu.memory_space<vmem_shared>>
    %dma_wait3A_82 = arith.constant 0 : i32
    %dma_wait3A_83 = tpu.memref_slice %arg10[%add3A_79, %dma_wait3A_82] : memref<10240x128xf32, #tpu.memory_space<vmem_shared>> -> memref<128x128xf32, #tpu.memory_space<vmem_shared>>
    tpu.wait_dma2 semaphore(%arg11 : memref<!tpu.dma_semaphore, #tpu.memory_space<semaphore_mem>>) src(%arg8 : memref<128x128xf32, #tpu.memory_space<vmem>>) dst(%dma_wait3A_83 : memref<128x128xf32, #tpu.memory_space<vmem_shared>>)
    %barrier3A = arith.constant 0 : index
    tpu.barrier barrier_id(%barrier3A)
    "tpu.region"() ({
      %run_scoped3A = tpu.sem_alloc : memref<!tpu.dma_semaphore, #tpu.memory_space<semaphore_mem>>
      %dma_start3A_118 = arith.constant 0 : i32
      %dma_start3A_119 = arith.constant 0 : i32
      %dma_start3A_120 = tpu.memref_slice %arg3[%add3A, %dma_start3A_118, %dma_start3A_119] : memref<32x80x128xi32, #tpu.memory_space<hbm>> -> memref<1x40x128xi32, #tpu.memory_space<hbm>>
      %dma_start3A_121 = tpu.memref_squeeze %dma_start3A_120 : memref<1x40x128xi32, #tpu.memory_space<hbm>> -> memref<40x128xi32, #tpu.memory_space<hbm>>
      %dma_start3A_122 = arith.constant 0 : i32
      %dma_start3A_123 = arith.constant 0 : i32
      %dma_start3A_124 = tpu.memref_slice %arg3[%add3A, %dma_start3A_122, %dma_start3A_123] : memref<32x80x128xi32, #tpu.memory_space<hbm>> -> memref<1x40x128xi32, #tpu.memory_space<hbm>>
      %dma_start3A_125 = tpu.memref_squeeze %dma_start3A_124 : memref<1x40x128xi32, #tpu.memory_space<hbm>> -> memref<40x128xi32, #tpu.memory_space<hbm>>
      tpu.enqueue_dma source(%dma_start3A_125 : memref<40x128xi32, #tpu.memory_space<hbm>>) target(%arg6 : memref<40x128xi32, #tpu.memory_space<vmem>>) target_semaphore(%run_scoped3A : memref<!tpu.dma_semaphore, #tpu.memory_space<semaphore_mem>>)
      %dma_wait3A_126 = arith.constant 0 : i32
      %dma_wait3A_127 = arith.constant 0 : i32
      %dma_wait3A_128 = tpu.memref_slice %arg3[%add3A, %dma_wait3A_126, %dma_wait3A_127] : memref<32x80x128xi32, #tpu.memory_space<hbm>> -> memref<1x40x128xi32, #tpu.memory_space<hbm>>
      %dma_wait3A_129 = tpu.memref_squeeze %dma_wait3A_128 : memref<1x40x128xi32, #tpu.memory_space<hbm>> -> memref<40x128xi32, #tpu.memory_space<hbm>>
      %dma_wait3A_130 = arith.constant 0 : i32
      %dma_wait3A_131 = arith.constant 0 : i32
      %dma_wait3A_132 = tpu.memref_slice %arg3[%add3A, %dma_wait3A_130, %dma_wait3A_131] : memref<32x80x128xi32, #tpu.memory_space<hbm>> -> memref<1x40x128xi32, #tpu.memory_space<hbm>>
      %dma_wait3A_133 = tpu.memref_squeeze %dma_wait3A_132 : memref<1x40x128xi32, #tpu.memory_space<hbm>> -> memref<40x128xi32, #tpu.memory_space<hbm>>
      tpu.wait_dma2 semaphore(%run_scoped3A : memref<!tpu.dma_semaphore, #tpu.memory_space<semaphore_mem>>) src(%dma_wait3A_133 : memref<40x128xi32, #tpu.memory_space<hbm>>) dst(%arg6 : memref<40x128xi32, #tpu.memory_space<vmem>>)
      tpu.yield
    }) : () -> ()
    "tpu.region"() ({
      %run_scoped3A = tpu.sem_alloc : memref<!tpu.dma_semaphore, #tpu.memory_space<semaphore_mem>>
      %dma_start3A_118 = arith.constant 0 : i32
      %dma_start3A_119 = arith.constant 0 : i32
      %dma_start3A_120 = tpu.memref_slice %arg4[%add3A, %dma_start3A_118, %dma_start3A_119] : memref<32x80x128xi32, #tpu.memory_space<hbm>> -> memref<1x40x128xi32, #tpu.memory_space<hbm>>
      %dma_start3A_121 = tpu.memref_squeeze %dma_start3A_120 : memref<1x40x128xi32, #tpu.memory_space<hbm>> -> memref<40x128xi32, #tpu.memory_space<hbm>>
      %dma_start3A_122 = arith.constant 0 : i32
      %dma_start3A_123 = arith.constant 0 : i32
      %dma_start3A_124 = tpu.memref_slice %arg4[%add3A, %dma_start3A_122, %dma_start3A_123] : memref<32x80x128xi32, #tpu.memory_space<hbm>> -> memref<1x40x128xi32, #tpu.memory_space<hbm>>
      %dma_start3A_125 = tpu.memref_squeeze %dma_start3A_124 : memref<1x40x128xi32, #tpu.memory_space<hbm>> -> memref<40x128xi32, #tpu.memory_space<hbm>>
      tpu.enqueue_dma source(%dma_start3A_125 : memref<40x128xi32, #tpu.memory_space<hbm>>) target(%arg7 : memref<40x128xi32, #tpu.memory_space<vmem>>) target_semaphore(%run_scoped3A : memref<!tpu.dma_semaphore, #tpu.memory_space<semaphore_mem>>)
      %dma_wait3A_126 = arith.constant 0 : i32
      %dma_wait3A_127 = arith.constant 0 : i32
      %dma_wait3A_128 = tpu.memref_slice %arg4[%add3A, %dma_wait3A_126, %dma_wait3A_127] : memref<32x80x128xi32, #tpu.memory_space<hbm>> -> memref<1x40x128xi32, #tpu.memory_space<hbm>>
      %dma_wait3A_129 = tpu.memref_squeeze %dma_wait3A_128 : memref<1x40x128xi32, #tpu.memory_space<hbm>> -> memref<40x128xi32, #tpu.memory_space<hbm>>
      %dma_wait3A_130 = arith.constant 0 : i32
      %dma_wait3A_131 = arith.constant 0 : i32
      %dma_wait3A_132 = tpu.memref_slice %arg4[%add3A, %dma_wait3A_130, %dma_wait3A_131] : memref<32x80x128xi32, #tpu.memory_space<hbm>> -> memref<1x40x128xi32, #tpu.memory_space<hbm>>
      %dma_wait3A_133 = tpu.memref_squeeze %dma_wait3A_132 : memref<1x40x128xi32, #tpu.memory_space<hbm>> -> memref<40x128xi32, #tpu.memory_space<hbm>>
      tpu.wait_dma2 semaphore(%run_scoped3A : memref<!tpu.dma_semaphore, #tpu.memory_space<semaphore_mem>>) src(%dma_wait3A_133 : memref<40x128xi32, #tpu.memory_space<hbm>>) dst(%arg7 : memref<40x128xi32, #tpu.memory_space<vmem>>)
      tpu.yield
    }) : () -> ()
    %dma_start3A_84 = arith.constant 0 : i32
    %dma_start3A_85 = arith.constant 0 : i32
    %dma_start3A_86 = tpu.memref_slice %arg6[%dma_start3A_84, %dma_start3A_85] : memref<40x128xi32, #tpu.memory_space<vmem>> -> memref<1x128xi32, #tpu.memory_space<vmem>>
    %dma_start3A_87 = tpu.memref_squeeze %dma_start3A_86 : memref<1x128xi32, #tpu.memory_space<vmem>> -> memref<128xi32, #tpu.memory_space<vmem>>
    %dma_start3A_88 = arith.constant 0 : i32
    %dma_start3A_89 = arith.constant 0 : i32
    %dma_start3A_90 = tpu.memref_slice %arg2[%dma_start3A_88, %dma_start3A_89] : memref<10240x128xf32, #tpu.memory_space<hbm>> -> memref<10240x128xf32, #tpu.memory_space<hbm>>
    tpu.enqueue_indirect_dma source(%dma_start3A_90 : memref<10240x128xf32, #tpu.memory_space<hbm>>) target(%arg8 : memref<128x128xf32, #tpu.memory_space<vmem>>) offsets(%dma_start3A_87 : memref<128xi32, #tpu.memory_space<vmem>>) semaphore(%arg11 : memref<!tpu.dma_semaphore, #tpu.memory_space<semaphore_mem>>)
    %scan3A_91 = arith.constant 0 : i32
    %scan3A_92 = arith.constant 0 : i32
    %scan3A_93 = arith.constant 20 : i32
    %scan3A_94 = arith.addi %scan3A_92, %scan3A_93 : i32
    %scan3A_95 = arith.constant 1 : i32
    scf.for %scan3A_118 = %scan3A_92 to %scan3A_94 step %scan3A_95  : i32 {
      %mul3A_119 = arith.constant 2 : i32
      %mul3A_120 = arith.muli %mul3A_119, %scan3A_118 : i32
      %dma_wait3A_121 = arith.constant 0 : i32
      %dma_wait3A_122 = tpu.memref_slice %arg6[%mul3A_120, %dma_wait3A_121] : memref<40x128xi32, #tpu.memory_space<vmem>> -> memref<1x128xi32, #tpu.memory_space<vmem>>
      %dma_wait3A_123 = tpu.memref_squeeze %dma_wait3A_122 : memref<1x128xi32, #tpu.memory_space<vmem>> -> memref<128xi32, #tpu.memory_space<vmem>>
      %dma_wait3A_124 = arith.constant 0 : i32
      %dma_wait3A_125 = arith.constant 0 : i32
      %dma_wait3A_126 = tpu.memref_slice %arg2[%dma_wait3A_124, %dma_wait3A_125] : memref<10240x128xf32, #tpu.memory_space<hbm>> -> memref<10240x128xf32, #tpu.memory_space<hbm>>
      tpu.wait_indirect_dma semaphore(%arg11 : memref<!tpu.dma_semaphore, #tpu.memory_space<semaphore_mem>>) src(%dma_wait3A_126 : memref<10240x128xf32, #tpu.memory_space<hbm>>) dst(%arg8 : memref<128x128xf32, #tpu.memory_space<vmem>>)
      %add3A_127 = arith.constant 1 : i32
      %add3A_128 = arith.addi %mul3A_120, %add3A_127 : i32
      %dma_start3A_129 = arith.constant 0 : i32
      %dma_start3A_130 = tpu.memref_slice %arg6[%add3A_128, %dma_start3A_129] : memref<40x128xi32, #tpu.memory_space<vmem>> -> memref<1x128xi32, #tpu.memory_space<vmem>>
      %dma_start3A_131 = tpu.memref_squeeze %dma_start3A_130 : memref<1x128xi32, #tpu.memory_space<vmem>> -> memref<128xi32, #tpu.memory_space<vmem>>
      %dma_start3A_132 = arith.constant 0 : i32
      %dma_start3A_133 = arith.constant 0 : i32
      %dma_start3A_134 = tpu.memref_slice %arg2[%dma_start3A_132, %dma_start3A_133] : memref<10240x128xf32, #tpu.memory_space<hbm>> -> memref<10240x128xf32, #tpu.memory_space<hbm>>
      tpu.enqueue_indirect_dma source(%dma_start3A_134 : memref<10240x128xf32, #tpu.memory_space<hbm>>) target(%arg9 : memref<128x128xf32, #tpu.memory_space<vmem>>) offsets(%dma_start3A_131 : memref<128xi32, #tpu.memory_space<vmem>>) semaphore(%arg12 : memref<!tpu.dma_semaphore, #tpu.memory_space<semaphore_mem>>)
      "tpu.region"() ({
        %run_scoped3A = tpu.sem_alloc : memref<!tpu.dma_semaphore, #tpu.memory_space<semaphore_mem>>
        %dma_start3A_149 = arith.constant 0 : i32
        %dma_start3A_150 = tpu.memref_slice %arg7[%mul3A_120, %dma_start3A_149] : memref<40x128xi32, #tpu.memory_space<vmem>> -> memref<1x128xi32, #tpu.memory_space<vmem>>
        %dma_start3A_151 = tpu.memref_squeeze %dma_start3A_150 : memref<1x128xi32, #tpu.memory_space<vmem>> -> memref<128xi32, #tpu.memory_space<vmem>>
        %dma_start3A_152 = arith.constant 0 : i32
        %dma_start3A_153 = arith.constant 0 : i32
        %dma_start3A_154 = tpu.memref_slice %arg10[%dma_start3A_152, %dma_start3A_153] : memref<10240x128xf32, #tpu.memory_space<vmem_shared>> -> memref<10240x128xf32, #tpu.memory_space<vmem_shared>>
        tpu.enqueue_indirect_dma source(%arg8 : memref<128x128xf32, #tpu.memory_space<vmem>>) target(%dma_start3A_154 : memref<10240x128xf32, #tpu.memory_space<vmem_shared>>) offsets(%dma_start3A_151 : memref<128xi32, #tpu.memory_space<vmem>>) semaphore(%run_scoped3A : memref<!tpu.dma_semaphore, #tpu.memory_space<semaphore_mem>>) {add = true}
        %dma_wait3A_155 = arith.constant 0 : i32
        %dma_wait3A_156 = tpu.memref_slice %arg7[%mul3A_120, %dma_wait3A_155] : memref<40x128xi32, #tpu.memory_space<vmem>> -> memref<1x128xi32, #tpu.memory_space<vmem>>
        %dma_wait3A_157 = tpu.memref_squeeze %dma_wait3A_156 : memref<1x128xi32, #tpu.memory_space<vmem>> -> memref<128xi32, #tpu.memory_space<vmem>>
        %dma_wait3A_158 = arith.constant 0 : i32
        %dma_wait3A_159 = arith.constant 0 : i32
        %dma_wait3A_160 = tpu.memref_slice %arg10[%dma_wait3A_158, %dma_wait3A_159] : memref<10240x128xf32, #tpu.memory_space<vmem_shared>> -> memref<10240x128xf32, #tpu.memory_space<vmem_shared>>
        tpu.wait_indirect_dma semaphore(%run_scoped3A : memref<!tpu.dma_semaphore, #tpu.memory_space<semaphore_mem>>) src(%arg8 : memref<128x128xf32, #tpu.memory_space<vmem>>) dst(%dma_wait3A_160 : memref<10240x128xf32, #tpu.memory_space<vmem_shared>>)
        tpu.yield
      }) : () -> ()
      %add3A_135 = arith.constant 1 : i32
      %add3A_136 = arith.addi %mul3A_120, %add3A_135 : i32
      %dma_wait3A_137 = arith.constant 0 : i32
      %dma_wait3A_138 = tpu.memref_slice %arg6[%add3A_136, %dma_wait3A_137] : memref<40x128xi32, #tpu.memory_space<vmem>> -> memref<1x128xi32, #tpu.memory_space<vmem>>
      %dma_wait3A_139 = tpu.memref_squeeze %dma_wait3A_138 : memref<1x128xi32, #tpu.memory_space<vmem>> -> memref<128xi32, #tpu.memory_space<vmem>>
      %dma_wait3A_140 = arith.constant 0 : i32
      %dma_wait3A_141 = arith.constant 0 : i32
      %dma_wait3A_142 = tpu.memref_slice %arg2[%dma_wait3A_140, %dma_wait3A_141] : memref<10240x128xf32, #tpu.memory_space<hbm>> -> memref<10240x128xf32, #tpu.memory_space<hbm>>
      tpu.wait_indirect_dma semaphore(%arg12 : memref<!tpu.dma_semaphore, #tpu.memory_space<semaphore_mem>>) src(%dma_wait3A_142 : memref<10240x128xf32, #tpu.memory_space<hbm>>) dst(%arg9 : memref<128x128xf32, #tpu.memory_space<vmem>>)
      %add3A_143 = arith.constant 2 : i32
      %add3A_144 = arith.addi %mul3A_120, %add3A_143 : i32
      %lt3A = arith.constant 40 : i32
      %lt3A_145 = arith.cmpi slt, %add3A_144, %lt3A : i32
      %convert_element_type3A = arith.extui %lt3A_145 : i1 to i32
      %cond3A = arith.constant 0 : i32
      %cond3A_146 = arith.cmpi ne, %convert_element_type3A, %cond3A : i32
      scf.if %cond3A_146 {
        %add3A_149 = arith.constant 2 : i32
        %add3A_150 = arith.addi %mul3A_120, %add3A_149 : i32
        %dma_start3A_151 = arith.constant 0 : i32
        %dma_start3A_152 = tpu.memref_slice %arg6[%add3A_150, %dma_start3A_151] : memref<40x128xi32, #tpu.memory_space<vmem>> -> memref<1x128xi32, #tpu.memory_space<vmem>>
        %dma_start3A_153 = tpu.memref_squeeze %dma_start3A_152 : memref<1x128xi32, #tpu.memory_space<vmem>> -> memref<128xi32, #tpu.memory_space<vmem>>
        %dma_start3A_154 = arith.constant 0 : i32
        %dma_start3A_155 = arith.constant 0 : i32
        %dma_start3A_156 = tpu.memref_slice %arg2[%dma_start3A_154, %dma_start3A_155] : memref<10240x128xf32, #tpu.memory_space<hbm>> -> memref<10240x128xf32, #tpu.memory_space<hbm>>
        tpu.enqueue_indirect_dma source(%dma_start3A_156 : memref<10240x128xf32, #tpu.memory_space<hbm>>) target(%arg8 : memref<128x128xf32, #tpu.memory_space<vmem>>) offsets(%dma_start3A_153 : memref<128xi32, #tpu.memory_space<vmem>>) semaphore(%arg11 : memref<!tpu.dma_semaphore, #tpu.memory_space<semaphore_mem>>)
      } else {
      }
      %add3A_147 = arith.constant 1 : i32
      %add3A_148 = arith.addi %mul3A_120, %add3A_147 : i32
      "tpu.region"() ({
        %run_scoped3A = tpu.sem_alloc : memref<!tpu.dma_semaphore, #tpu.memory_space<semaphore_mem>>
        %dma_start3A_149 = arith.constant 0 : i32
        %dma_start3A_150 = tpu.memref_slice %arg7[%add3A_148, %dma_start3A_149] : memref<40x128xi32, #tpu.memory_space<vmem>> -> memref<1x128xi32, #tpu.memory_space<vmem>>
        %dma_start3A_151 = tpu.memref_squeeze %dma_start3A_150 : memref<1x128xi32, #tpu.memory_space<vmem>> -> memref<128xi32, #tpu.memory_space<vmem>>
        %dma_start3A_152 = arith.constant 0 : i32
        %dma_start3A_153 = arith.constant 0 : i32
        %dma_start3A_154 = tpu.memref_slice %arg10[%dma_start3A_152, %dma_start3A_153] : memref<10240x128xf32, #tpu.memory_space<vmem_shared>> -> memref<10240x128xf32, #tpu.memory_space<vmem_shared>>
        tpu.enqueue_indirect_dma source(%arg9 : memref<128x128xf32, #tpu.memory_space<vmem>>) target(%dma_start3A_154 : memref<10240x128xf32, #tpu.memory_space<vmem_shared>>) offsets(%dma_start3A_151 : memref<128xi32, #tpu.memory_space<vmem>>) semaphore(%run_scoped3A : memref<!tpu.dma_semaphore, #tpu.memory_space<semaphore_mem>>) {add = true}
        %dma_wait3A_155 = arith.constant 0 : i32
        %dma_wait3A_156 = tpu.memref_slice %arg7[%add3A_148, %dma_wait3A_155] : memref<40x128xi32, #tpu.memory_space<vmem>> -> memref<1x128xi32, #tpu.memory_space<vmem>>
        %dma_wait3A_157 = tpu.memref_squeeze %dma_wait3A_156 : memref<1x128xi32, #tpu.memory_space<vmem>> -> memref<128xi32, #tpu.memory_space<vmem>>
        %dma_wait3A_158 = arith.constant 0 : i32
        %dma_wait3A_159 = arith.constant 0 : i32
        %dma_wait3A_160 = tpu.memref_slice %arg10[%dma_wait3A_158, %dma_wait3A_159] : memref<10240x128xf32, #tpu.memory_space<vmem_shared>> -> memref<10240x128xf32, #tpu.memory_space<vmem_shared>>
        tpu.wait_indirect_dma semaphore(%run_scoped3A : memref<!tpu.dma_semaphore, #tpu.memory_space<semaphore_mem>>) src(%arg9 : memref<128x128xf32, #tpu.memory_space<vmem>>) dst(%dma_wait3A_160 : memref<10240x128xf32, #tpu.memory_space<vmem_shared>>)
        tpu.yield
      }) : () -> ()
    }
    %scan3A_96 = arith.constant 20 : i32
    "tpu.region"() ({
      %run_scoped3A = tpu.sem_alloc : memref<!tpu.dma_semaphore, #tpu.memory_space<semaphore_mem>>
      %dma_start3A_118 = arith.constant 40 : i32
      %dma_start3A_119 = arith.constant 0 : i32
      %dma_start3A_120 = tpu.memref_slice %arg3[%add3A, %dma_start3A_118, %dma_start3A_119] : memref<32x80x128xi32, #tpu.memory_space<hbm>> -> memref<1x40x128xi32, #tpu.memory_space<hbm>>
      %dma_start3A_121 = tpu.memref_squeeze %dma_start3A_120 : memref<1x40x128xi32, #tpu.memory_space<hbm>> -> memref<40x128xi32, #tpu.memory_space<hbm>>
      %dma_start3A_122 = arith.constant 40 : i32
      %dma_start3A_123 = arith.constant 0 : i32
      %dma_start3A_124 = tpu.memref_slice %arg3[%add3A, %dma_start3A_122, %dma_start3A_123] : memref<32x80x128xi32, #tpu.memory_space<hbm>> -> memref<1x40x128xi32, #tpu.memory_space<hbm>>
      %dma_start3A_125 = tpu.memref_squeeze %dma_start3A_124 : memref<1x40x128xi32, #tpu.memory_space<hbm>> -> memref<40x128xi32, #tpu.memory_space<hbm>>
      tpu.enqueue_dma source(%dma_start3A_125 : memref<40x128xi32, #tpu.memory_space<hbm>>) target(%arg6 : memref<40x128xi32, #tpu.memory_space<vmem>>) target_semaphore(%run_scoped3A : memref<!tpu.dma_semaphore, #tpu.memory_space<semaphore_mem>>)
      %dma_wait3A_126 = arith.constant 40 : i32
      %dma_wait3A_127 = arith.constant 0 : i32
      %dma_wait3A_128 = tpu.memref_slice %arg3[%add3A, %dma_wait3A_126, %dma_wait3A_127] : memref<32x80x128xi32, #tpu.memory_space<hbm>> -> memref<1x40x128xi32, #tpu.memory_space<hbm>>
      %dma_wait3A_129 = tpu.memref_squeeze %dma_wait3A_128 : memref<1x40x128xi32, #tpu.memory_space<hbm>> -> memref<40x128xi32, #tpu.memory_space<hbm>>
      %dma_wait3A_130 = arith.constant 40 : i32
      %dma_wait3A_131 = arith.constant 0 : i32
      %dma_wait3A_132 = tpu.memref_slice %arg3[%add3A, %dma_wait3A_130, %dma_wait3A_131] : memref<32x80x128xi32, #tpu.memory_space<hbm>> -> memref<1x40x128xi32, #tpu.memory_space<hbm>>
      %dma_wait3A_133 = tpu.memref_squeeze %dma_wait3A_132 : memref<1x40x128xi32, #tpu.memory_space<hbm>> -> memref<40x128xi32, #tpu.memory_space<hbm>>
      tpu.wait_dma2 semaphore(%run_scoped3A : memref<!tpu.dma_semaphore, #tpu.memory_space<semaphore_mem>>) src(%dma_wait3A_133 : memref<40x128xi32, #tpu.memory_space<hbm>>) dst(%arg6 : memref<40x128xi32, #tpu.memory_space<vmem>>)
      tpu.yield
    }) : () -> ()
    "tpu.region"() ({
      %run_scoped3A = tpu.sem_alloc : memref<!tpu.dma_semaphore, #tpu.memory_space<semaphore_mem>>
      %dma_start3A_118 = arith.constant 40 : i32
      %dma_start3A_119 = arith.constant 0 : i32
      %dma_start3A_120 = tpu.memref_slice %arg4[%add3A, %dma_start3A_118, %dma_start3A_119] : memref<32x80x128xi32, #tpu.memory_space<hbm>> -> memref<1x40x128xi32, #tpu.memory_space<hbm>>
      %dma_start3A_121 = tpu.memref_squeeze %dma_start3A_120 : memref<1x40x128xi32, #tpu.memory_space<hbm>> -> memref<40x128xi32, #tpu.memory_space<hbm>>
      %dma_start3A_122 = arith.constant 40 : i32
      %dma_start3A_123 = arith.constant 0 : i32
      %dma_start3A_124 = tpu.memref_slice %arg4[%add3A, %dma_start3A_122, %dma_start3A_123] : memref<32x80x128xi32, #tpu.memory_space<hbm>> -> memref<1x40x128xi32, #tpu.memory_space<hbm>>
      %dma_start3A_125 = tpu.memref_squeeze %dma_start3A_124 : memref<1x40x128xi32, #tpu.memory_space<hbm>> -> memref<40x128xi32, #tpu.memory_space<hbm>>
      tpu.enqueue_dma source(%dma_start3A_125 : memref<40x128xi32, #tpu.memory_space<hbm>>) target(%arg7 : memref<40x128xi32, #tpu.memory_space<vmem>>) target_semaphore(%run_scoped3A : memref<!tpu.dma_semaphore, #tpu.memory_space<semaphore_mem>>)
      %dma_wait3A_126 = arith.constant 40 : i32
      %dma_wait3A_127 = arith.constant 0 : i32
      %dma_wait3A_128 = tpu.memref_slice %arg4[%add3A, %dma_wait3A_126, %dma_wait3A_127] : memref<32x80x128xi32, #tpu.memory_space<hbm>> -> memref<1x40x128xi32, #tpu.memory_space<hbm>>
      %dma_wait3A_129 = tpu.memref_squeeze %dma_wait3A_128 : memref<1x40x128xi32, #tpu.memory_space<hbm>> -> memref<40x128xi32, #tpu.memory_space<hbm>>
      %dma_wait3A_130 = arith.constant 40 : i32
      %dma_wait3A_131 = arith.constant 0 : i32
      %dma_wait3A_132 = tpu.memref_slice %arg4[%add3A, %dma_wait3A_130, %dma_wait3A_131] : memref<32x80x128xi32, #tpu.memory_space<hbm>> -> memref<1x40x128xi32, #tpu.memory_space<hbm>>
      %dma_wait3A_133 = tpu.memref_squeeze %dma_wait3A_132 : memref<1x40x128xi32, #tpu.memory_space<hbm>> -> memref<40x128xi32, #tpu.memory_space<hbm>>
      tpu.wait_dma2 semaphore(%run_scoped3A : memref<!tpu.dma_semaphore, #tpu.memory_space<semaphore_mem>>) src(%dma_wait3A_133 : memref<40x128xi32, #tpu.memory_space<hbm>>) dst(%arg7 : memref<40x128xi32, #tpu.memory_space<vmem>>)
      tpu.yield
    }) : () -> ()
    %dma_start3A_97 = arith.constant 0 : i32
    %dma_start3A_98 = arith.constant 0 : i32
    %dma_start3A_99 = tpu.memref_slice %arg6[%dma_start3A_97, %dma_start3A_98] : memref<40x128xi32, #tpu.memory_space<vmem>> -> memref<1x128xi32, #tpu.memory_space<vmem>>
    %dma_start3A_100 = tpu.memref_squeeze %dma_start3A_99 : memref<1x128xi32, #tpu.memory_space<vmem>> -> memref<128xi32, #tpu.memory_space<vmem>>
    %dma_start3A_101 = arith.constant 0 : i32
    %dma_start3A_102 = arith.constant 0 : i32
    %dma_start3A_103 = tpu.memref_slice %arg2[%dma_start3A_101, %dma_start3A_102] : memref<10240x128xf32, #tpu.memory_space<hbm>> -> memref<10240x128xf32, #tpu.memory_space<hbm>>
    tpu.enqueue_indirect_dma source(%dma_start3A_103 : memref<10240x128xf32, #tpu.memory_space<hbm>>) target(%arg8 : memref<128x128xf32, #tpu.memory_space<vmem>>) offsets(%dma_start3A_100 : memref<128xi32, #tpu.memory_space<vmem>>) semaphore(%arg11 : memref<!tpu.dma_semaphore, #tpu.memory_space<semaphore_mem>>)
    %scan3A_104 = arith.constant 0 : i32
    %scan3A_105 = arith.constant 0 : i32
    %scan3A_106 = arith.constant 20 : i32
    %scan3A_107 = arith.addi %scan3A_105, %scan3A_106 : i32
    %scan3A_108 = arith.constant 1 : i32
    scf.for %scan3A_118 = %scan3A_105 to %scan3A_107 step %scan3A_108  : i32 {
      %mul3A_119 = arith.constant 2 : i32
      %mul3A_120 = arith.muli %mul3A_119, %scan3A_118 : i32
      %dma_wait3A_121 = arith.constant 0 : i32
      %dma_wait3A_122 = tpu.memref_slice %arg6[%mul3A_120, %dma_wait3A_121] : memref<40x128xi32, #tpu.memory_space<vmem>> -> memref<1x128xi32, #tpu.memory_space<vmem>>
      %dma_wait3A_123 = tpu.memref_squeeze %dma_wait3A_122 : memref<1x128xi32, #tpu.memory_space<vmem>> -> memref<128xi32, #tpu.memory_space<vmem>>
      %dma_wait3A_124 = arith.constant 0 : i32
      %dma_wait3A_125 = arith.constant 0 : i32
      %dma_wait3A_126 = tpu.memref_slice %arg2[%dma_wait3A_124, %dma_wait3A_125] : memref<10240x128xf32, #tpu.memory_space<hbm>> -> memref<10240x128xf32, #tpu.memory_space<hbm>>
      tpu.wait_indirect_dma semaphore(%arg11 : memref<!tpu.dma_semaphore, #tpu.memory_space<semaphore_mem>>) src(%dma_wait3A_126 : memref<10240x128xf32, #tpu.memory_space<hbm>>) dst(%arg8 : memref<128x128xf32, #tpu.memory_space<vmem>>)
      %add3A_127 = arith.constant 1 : i32
      %add3A_128 = arith.addi %mul3A_120, %add3A_127 : i32
      %dma_start3A_129 = arith.constant 0 : i32
      %dma_start3A_130 = tpu.memref_slice %arg6[%add3A_128, %dma_start3A_129] : memref<40x128xi32, #tpu.memory_space<vmem>> -> memref<1x128xi32, #tpu.memory_space<vmem>>
      %dma_start3A_131 = tpu.memref_squeeze %dma_start3A_130 : memref<1x128xi32, #tpu.memory_space<vmem>> -> memref<128xi32, #tpu.memory_space<vmem>>
      %dma_start3A_132 = arith.constant 0 : i32
      %dma_start3A_133 = arith.constant 0 : i32
      %dma_start3A_134 = tpu.memref_slice %arg2[%dma_start3A_132, %dma_start3A_133] : memref<10240x128xf32, #tpu.memory_space<hbm>> -> memref<10240x128xf32, #tpu.memory_space<hbm>>
      tpu.enqueue_indirect_dma source(%dma_start3A_134 : memref<10240x128xf32, #tpu.memory_space<hbm>>) target(%arg9 : memref<128x128xf32, #tpu.memory_space<vmem>>) offsets(%dma_start3A_131 : memref<128xi32, #tpu.memory_space<vmem>>) semaphore(%arg12 : memref<!tpu.dma_semaphore, #tpu.memory_space<semaphore_mem>>)
      "tpu.region"() ({
        %run_scoped3A = tpu.sem_alloc : memref<!tpu.dma_semaphore, #tpu.memory_space<semaphore_mem>>
        %dma_start3A_149 = arith.constant 0 : i32
        %dma_start3A_150 = tpu.memref_slice %arg7[%mul3A_120, %dma_start3A_149] : memref<40x128xi32, #tpu.memory_space<vmem>> -> memref<1x128xi32, #tpu.memory_space<vmem>>
        %dma_start3A_151 = tpu.memref_squeeze %dma_start3A_150 : memref<1x128xi32, #tpu.memory_space<vmem>> -> memref<128xi32, #tpu.memory_space<vmem>>
        %dma_start3A_152 = arith.constant 0 : i32
        %dma_start3A_153 = arith.constant 0 : i32
        %dma_start3A_154 = tpu.memref_slice %arg10[%dma_start3A_152, %dma_start3A_153] : memref<10240x128xf32, #tpu.memory_space<vmem_shared>> -> memref<10240x128xf32, #tpu.memory_space<vmem_shared>>
        tpu.enqueue_indirect_dma source(%arg8 : memref<128x128xf32, #tpu.memory_space<vmem>>) target(%dma_start3A_154 : memref<10240x128xf32, #tpu.memory_space<vmem_shared>>) offsets(%dma_start3A_151 : memref<128xi32, #tpu.memory_space<vmem>>) semaphore(%run_scoped3A : memref<!tpu.dma_semaphore, #tpu.memory_space<semaphore_mem>>) {add = true}
        %dma_wait3A_155 = arith.constant 0 : i32
        %dma_wait3A_156 = tpu.memref_slice %arg7[%mul3A_120, %dma_wait3A_155] : memref<40x128xi32, #tpu.memory_space<vmem>> -> memref<1x128xi32, #tpu.memory_space<vmem>>
        %dma_wait3A_157 = tpu.memref_squeeze %dma_wait3A_156 : memref<1x128xi32, #tpu.memory_space<vmem>> -> memref<128xi32, #tpu.memory_space<vmem>>
        %dma_wait3A_158 = arith.constant 0 : i32
        %dma_wait3A_159 = arith.constant 0 : i32
        %dma_wait3A_160 = tpu.memref_slice %arg10[%dma_wait3A_158, %dma_wait3A_159] : memref<10240x128xf32, #tpu.memory_space<vmem_shared>> -> memref<10240x128xf32, #tpu.memory_space<vmem_shared>>
        tpu.wait_indirect_dma semaphore(%run_scoped3A : memref<!tpu.dma_semaphore, #tpu.memory_space<semaphore_mem>>) src(%arg8 : memref<128x128xf32, #tpu.memory_space<vmem>>) dst(%dma_wait3A_160 : memref<10240x128xf32, #tpu.memory_space<vmem_shared>>)
        tpu.yield
      }) : () -> ()
      %add3A_135 = arith.constant 1 : i32
      %add3A_136 = arith.addi %mul3A_120, %add3A_135 : i32
      %dma_wait3A_137 = arith.constant 0 : i32
      %dma_wait3A_138 = tpu.memref_slice %arg6[%add3A_136, %dma_wait3A_137] : memref<40x128xi32, #tpu.memory_space<vmem>> -> memref<1x128xi32, #tpu.memory_space<vmem>>
      %dma_wait3A_139 = tpu.memref_squeeze %dma_wait3A_138 : memref<1x128xi32, #tpu.memory_space<vmem>> -> memref<128xi32, #tpu.memory_space<vmem>>
      %dma_wait3A_140 = arith.constant 0 : i32
      %dma_wait3A_141 = arith.constant 0 : i32
      %dma_wait3A_142 = tpu.memref_slice %arg2[%dma_wait3A_140, %dma_wait3A_141] : memref<10240x128xf32, #tpu.memory_space<hbm>> -> memref<10240x128xf32, #tpu.memory_space<hbm>>
      tpu.wait_indirect_dma semaphore(%arg12 : memref<!tpu.dma_semaphore, #tpu.memory_space<semaphore_mem>>) src(%dma_wait3A_142 : memref<10240x128xf32, #tpu.memory_space<hbm>>) dst(%arg9 : memref<128x128xf32, #tpu.memory_space<vmem>>)
      %add3A_143 = arith.constant 2 : i32
      %add3A_144 = arith.addi %mul3A_120, %add3A_143 : i32
      %lt3A = arith.constant 40 : i32
      %lt3A_145 = arith.cmpi slt, %add3A_144, %lt3A : i32
      %convert_element_type3A = arith.extui %lt3A_145 : i1 to i32
      %cond3A = arith.constant 0 : i32
      %cond3A_146 = arith.cmpi ne, %convert_element_type3A, %cond3A : i32
      scf.if %cond3A_146 {
        %add3A_149 = arith.constant 2 : i32
        %add3A_150 = arith.addi %mul3A_120, %add3A_149 : i32
        %dma_start3A_151 = arith.constant 0 : i32
        %dma_start3A_152 = tpu.memref_slice %arg6[%add3A_150, %dma_start3A_151] : memref<40x128xi32, #tpu.memory_space<vmem>> -> memref<1x128xi32, #tpu.memory_space<vmem>>
        %dma_start3A_153 = tpu.memref_squeeze %dma_start3A_152 : memref<1x128xi32, #tpu.memory_space<vmem>> -> memref<128xi32, #tpu.memory_space<vmem>>
        %dma_start3A_154 = arith.constant 0 : i32
        %dma_start3A_155 = arith.constant 0 : i32
        %dma_start3A_156 = tpu.memref_slice %arg2[%dma_start3A_154, %dma_start3A_155] : memref<10240x128xf32, #tpu.memory_space<hbm>> -> memref<10240x128xf32, #tpu.memory_space<hbm>>
        tpu.enqueue_indirect_dma source(%dma_start3A_156 : memref<10240x128xf32, #tpu.memory_space<hbm>>) target(%arg8 : memref<128x128xf32, #tpu.memory_space<vmem>>) offsets(%dma_start3A_153 : memref<128xi32, #tpu.memory_space<vmem>>) semaphore(%arg11 : memref<!tpu.dma_semaphore, #tpu.memory_space<semaphore_mem>>)
      } else {
      }
      %add3A_147 = arith.constant 1 : i32
      %add3A_148 = arith.addi %mul3A_120, %add3A_147 : i32
      "tpu.region"() ({
        %run_scoped3A = tpu.sem_alloc : memref<!tpu.dma_semaphore, #tpu.memory_space<semaphore_mem>>
        %dma_start3A_149 = arith.constant 0 : i32
        %dma_start3A_150 = tpu.memref_slice %arg7[%add3A_148, %dma_start3A_149] : memref<40x128xi32, #tpu.memory_space<vmem>> -> memref<1x128xi32, #tpu.memory_space<vmem>>
        %dma_start3A_151 = tpu.memref_squeeze %dma_start3A_150 : memref<1x128xi32, #tpu.memory_space<vmem>> -> memref<128xi32, #tpu.memory_space<vmem>>
        %dma_start3A_152 = arith.constant 0 : i32
        %dma_start3A_153 = arith.constant 0 : i32
        %dma_start3A_154 = tpu.memref_slice %arg10[%dma_start3A_152, %dma_start3A_153] : memref<10240x128xf32, #tpu.memory_space<vmem_shared>> -> memref<10240x128xf32, #tpu.memory_space<vmem_shared>>
        tpu.enqueue_indirect_dma source(%arg9 : memref<128x128xf32, #tpu.memory_space<vmem>>) target(%dma_start3A_154 : memref<10240x128xf32, #tpu.memory_space<vmem_shared>>) offsets(%dma_start3A_151 : memref<128xi32, #tpu.memory_space<vmem>>) semaphore(%run_scoped3A : memref<!tpu.dma_semaphore, #tpu.memory_space<semaphore_mem>>) {add = true}
        %dma_wait3A_155 = arith.constant 0 : i32
        %dma_wait3A_156 = tpu.memref_slice %arg7[%add3A_148, %dma_wait3A_155] : memref<40x128xi32, #tpu.memory_space<vmem>> -> memref<1x128xi32, #tpu.memory_space<vmem>>
        %dma_wait3A_157 = tpu.memref_squeeze %dma_wait3A_156 : memref<1x128xi32, #tpu.memory_space<vmem>> -> memref<128xi32, #tpu.memory_space<vmem>>
        %dma_wait3A_158 = arith.constant 0 : i32
        %dma_wait3A_159 = arith.constant 0 : i32
        %dma_wait3A_160 = tpu.memref_slice %arg10[%dma_wait3A_158, %dma_wait3A_159] : memref<10240x128xf32, #tpu.memory_space<vmem_shared>> -> memref<10240x128xf32, #tpu.memory_space<vmem_shared>>
        tpu.wait_indirect_dma semaphore(%run_scoped3A : memref<!tpu.dma_semaphore, #tpu.memory_space<semaphore_mem>>) src(%arg9 : memref<128x128xf32, #tpu.memory_space<vmem>>) dst(%dma_wait3A_160 : memref<10240x128xf32, #tpu.memory_space<vmem_shared>>)
        tpu.yield
      }) : () -> ()
    }
    %scan3A_109 = arith.constant 20 : i32
    %barrier3A_110 = arith.constant 0 : index
    tpu.barrier barrier_id(%barrier3A_110)
    %mul3A_111 = arith.constant 640 : i32
    %mul3A_112 = arith.muli %arg1, %mul3A_111 : i32
    %mul3A_113 = arith.constant 10240 : i32
    %mul3A_114 = arith.muli %arg0, %mul3A_113 : i32
    %mul3A_115 = arith.constant 640 : i32
    %mul3A_116 = arith.muli %arg1, %mul3A_115 : i32
    %add3A_117 = arith.addi %mul3A_114, %mul3A_116 : i32
    "tpu.region"() ({
      %run_scoped3A = tpu.sem_alloc : memref<!tpu.dma_semaphore, #tpu.memory_space<semaphore_mem>>
      %dma_start3A_118 = arith.constant 0 : i32
      %dma_start3A_119 = tpu.memref_slice %arg5[%add3A_117, %dma_start3A_118] : memref<20480x128xf32, #tpu.memory_space<hbm>> -> memref<640x128xf32, #tpu.memory_space<hbm>>
      %dma_start3A_120 = arith.constant 0 : i32
      %dma_start3A_121 = tpu.memref_slice %arg10[%mul3A_112, %dma_start3A_120] : memref<10240x128xf32, #tpu.memory_space<vmem_shared>> -> memref<640x128xf32, #tpu.memory_space<vmem_shared>>
      tpu.enqueue_dma source(%dma_start3A_121 : memref<640x128xf32, #tpu.memory_space<vmem_shared>>) target(%dma_start3A_119 : memref<640x128xf32, #tpu.memory_space<hbm>>) target_semaphore(%run_scoped3A : memref<!tpu.dma_semaphore, #tpu.memory_space<semaphore_mem>>)
      %dma_wait3A_122 = arith.constant 0 : i32
      %dma_wait3A_123 = tpu.memref_slice %arg5[%add3A_117, %dma_wait3A_122] : memref<20480x128xf32, #tpu.memory_space<hbm>> -> memref<640x128xf32, #tpu.memory_space<hbm>>
      %dma_wait3A_124 = arith.constant 0 : i32
      %dma_wait3A_125 = tpu.memref_slice %arg10[%mul3A_112, %dma_wait3A_124] : memref<10240x128xf32, #tpu.memory_space<vmem_shared>> -> memref<640x128xf32, #tpu.memory_space<vmem_shared>>
      tpu.wait_dma2 semaphore(%run_scoped3A : memref<!tpu.dma_semaphore, #tpu.memory_space<semaphore_mem>>) src(%dma_wait3A_125 : memref<640x128xf32, #tpu.memory_space<vmem_shared>>) dst(%dma_wait3A_123 : memref<640x128xf32, #tpu.memory_space<hbm>>)
      tpu.yield
    }) : () -> ()
    return
  }
}

#map = affine_map<(d0, d1) -> (0, 0)>
#map1 = affine_map<(d0, d1) -> (0, 0, 0)>
module attributes {stable_mosaic.version = 14 : i64} {
  func.func @_segsum_sc(%arg0: i32, %arg1: i32, %arg2: memref<10240x128xf32, #tpu.memory_space<hbm>>, %arg3: memref<32x80x128xi32, #tpu.memory_space<hbm>>, %arg4: memref<32x80x128xi32, #tpu.memory_space<hbm>>, %arg5: memref<20480x128xf32, #tpu.memory_space<hbm>>, %arg6: memref<40x128xi32, #tpu.memory_space<vmem>>, %arg7: memref<40x128xi32, #tpu.memory_space<vmem>>, %arg8: memref<128x128xf32, #tpu.memory_space<vmem>>, %arg9: memref<128x128xf32, #tpu.memory_space<vmem>>, %arg10: memref<10240x128xf32, #tpu.memory_space<vmem_shared>>, %arg11: memref<!tpu.dma_semaphore, #tpu.memory_space<semaphore_mem>>, %arg12: memref<!tpu.dma_semaphore, #tpu.memory_space<semaphore_mem>>) attributes {dimension_semantics = [#tpu.dimension_semantics<core_parallel>, #tpu.dimension_semantics<subcore_parallel>], iteration_bounds = array<i64: 2, 16>, scalar_prefetch = 0 : i64, scratch_operands = 7 : i64, tpu.core_type = #tpu.core_type<sc_vector_subcore>, window_params = [{transform_indices = #map}, {transform_indices = #map1}, {transform_indices = #map1}, {transform_indices = #map}]} {
    %mul3A = arith.constant 2 : i32
    %mul3A_0 = arith.muli %arg1, %mul3A : i32
    %add3A = arith.addi %mul3A_0, %arg0 : i32
    %scan3A = arith.constant 0 : i32
    %scan3A_1 = arith.constant 0 : i32
    %scan3A_2 = arith.constant 128 : i32
    %scan3A_3 = arith.addi %scan3A_1, %scan3A_2 : i32
    %scan3A_4 = arith.constant 1 : i32
    scf.for %scan3A_118 = %scan3A_1 to %scan3A_3 step %scan3A_4  : i32 {
      %broadcast_in_dim3A = arith.constant 0.000000e+00 : f32
      %broadcast_in_dim3A_119 = vector.broadcast %broadcast_in_dim3A : f32 to vector<16xf32>
      %swap3A = arith.index_cast %scan3A_118 : i32 to index
      %swap3A_120 = arith.constant 0 : index
      %swap3A_121 = tpu.vector_load %arg8[%swap3A, %swap3A_120] {strides = array<i32>} : memref<128x128xf32, #tpu.memory_space<vmem>>, vector<1x16xf32>,
      %swap3A_122 = vector.shape_cast %swap3A_121 : vector<1x16xf32> to vector<16xf32>
      %swap3A_123 = vector.shape_cast %broadcast_in_dim3A_119 : vector<16xf32> to vector<1x16xf32>
      tpu.vector_store %arg8[%swap3A, %swap3A_120], %swap3A_123 {strides = array<i32>} : memref<128x128xf32, #tpu.memory_space<vmem>>, vector<1x16xf32>,
      %broadcast_in_dim3A_124 = arith.constant 0.000000e+00 : f32
      %broadcast_in_dim3A_125 = vector.broadcast %broadcast_in_dim3A_124 : f32 to vector<16xf32>
      %swap3A_126 = arith.index_cast %scan3A_118 : i32 to index
      %swap3A_127 = arith.constant 16 : index
      %swap3A_128 = tpu.vector_load %arg8[%swap3A_126, %swap3A_127] {strides = array<i32>} : memref<128x128xf32, #tpu.memory_space<vmem>>, vector<1x16xf32>,
      %swap3A_129 = vector.shape_cast %swap3A_128 : vector<1x16xf32> to vector<16xf32>
      %swap3A_130 = vector.shape_cast %broadcast_in_dim3A_125 : vector<16xf32> to vector<1x16xf32>
      tpu.vector_store %arg8[%swap3A_126, %swap3A_127], %swap3A_130 {strides = array<i32>} : memref<128x128xf32, #tpu.memory_space<vmem>>, vector<1x16xf32>,
      %broadcast_in_dim3A_131 = arith.constant 0.000000e+00 : f32
      %broadcast_in_dim3A_132 = vector.broadcast %broadcast_in_dim3A_131 : f32 to vector<16xf32>
      %swap3A_133 = arith.index_cast %scan3A_118 : i32 to index
      %swap3A_134 = arith.constant 32 : index
      %swap3A_135 = tpu.vector_load %arg8[%swap3A_133, %swap3A_134] {strides = array<i32>} : memref<128x128xf32, #tpu.memory_space<vmem>>, vector<1x16xf32>,
      %swap3A_136 = vector.shape_cast %swap3A_135 : vector<1x16xf32> to vector<16xf32>
      %swap3A_137 = vector.shape_cast %broadcast_in_dim3A_132 : vector<16xf32> to vector<1x16xf32>
      tpu.vector_store %arg8[%swap3A_133, %swap3A_134], %swap3A_137 {strides = array<i32>} : memref<128x128xf32, #tpu.memory_space<vmem>>, vector<1x16xf32>,
      %broadcast_in_dim3A_138 = arith.constant 0.000000e+00 : f32
      %broadcast_in_dim3A_139 = vector.broadcast %broadcast_in_dim3A_138 : f32 to vector<16xf32>
      %swap3A_140 = arith.index_cast %scan3A_118 : i32 to index
      %swap3A_141 = arith.constant 48 : index
      %swap3A_142 = tpu.vector_load %arg8[%swap3A_140, %swap3A_141] {strides = array<i32>} : memref<128x128xf32, #tpu.memory_space<vmem>>, vector<1x16xf32>,
      %swap3A_143 = vector.shape_cast %swap3A_142 : vector<1x16xf32> to vector<16xf32>
      %swap3A_144 = vector.shape_cast %broadcast_in_dim3A_139 : vector<16xf32> to vector<1x16xf32>
      tpu.vector_store %arg8[%swap3A_140, %swap3A_141], %swap3A_144 {strides = array<i32>} : memref<128x128xf32, #tpu.memory_space<vmem>>, vector<1x16xf32>,
      %broadcast_in_dim3A_145 = arith.constant 0.000000e+00 : f32
      %broadcast_in_dim3A_146 = vector.broadcast %broadcast_in_dim3A_145 : f32 to vector<16xf32>
      %swap3A_147 = arith.index_cast %scan3A_118 : i32 to index
      %swap3A_148 = arith.constant 64 : index
      %swap3A_149 = tpu.vector_load %arg8[%swap3A_147, %swap3A_148] {strides = array<i32>} : memref<128x128xf32, #tpu.memory_space<vmem>>, vector<1x16xf32>,
      %swap3A_150 = vector.shape_cast %swap3A_149 : vector<1x16xf32> to vector<16xf32>
      %swap3A_151 = vector.shape_cast %broadcast_in_dim3A_146 : vector<16xf32> to vector<1x16xf32>
      tpu.vector_store %arg8[%swap3A_147, %swap3A_148], %swap3A_151 {strides = array<i32>} : memref<128x128xf32, #tpu.memory_space<vmem>>, vector<1x16xf32>,
      %broadcast_in_dim3A_152 = arith.constant 0.000000e+00 : f32
      %broadcast_in_dim3A_153 = vector.broadcast %broadcast_in_dim3A_152 : f32 to vector<16xf32>
      %swap3A_154 = arith.index_cast %scan3A_118 : i32 to index
      %swap3A_155 = arith.constant 80 : index
      %swap3A_156 = tpu.vector_load %arg8[%swap3A_154, %swap3A_155] {strides = array<i32>} : memref<128x128xf32, #tpu.memory_space<vmem>>, vector<1x16xf32>,
      %swap3A_157 = vector.shape_cast %swap3A_156 : vector<1x16xf32> to vector<16xf32>
      %swap3A_158 = vector.shape_cast %broadcast_in_dim3A_153 : vector<16xf32> to vector<1x16xf32>
      tpu.vector_store %arg8[%swap3A_154, %swap3A_155], %swap3A_158 {strides = array<i32>} : memref<128x128xf32, #tpu.memory_space<vmem>>, vector<1x16xf32>,
      %broadcast_in_dim3A_159 = arith.constant 0.000000e+00 : f32
      %broadcast_in_dim3A_160 = vector.broadcast %broadcast_in_dim3A_159 : f32 to vector<16xf32>
      %swap3A_161 = arith.index_cast %scan3A_118 : i32 to index
      %swap3A_162 = arith.constant 96 : index
      %swap3A_163 = tpu.vector_load %arg8[%swap3A_161, %swap3A_162] {strides = array<i32>} : memref<128x128xf32, #tpu.memory_space<vmem>>, vector<1x16xf32>,
      %swap3A_164 = vector.shape_cast %swap3A_163 : vector<1x16xf32> to vector<16xf32>
      %swap3A_165 = vector.shape_cast %broadcast_in_dim3A_160 : vector<16xf32> to vector<1x16xf32>
      tpu.vector_store %arg8[%swap3A_161, %swap3A_162], %swap3A_165 {strides = array<i32>} : memref<128x128xf32, #tpu.memory_space<vmem>>, vector<1x16xf32>,
      %broadcast_in_dim3A_166 = arith.constant 0.000000e+00 : f32
      %broadcast_in_dim3A_167 = vector.broadcast %broadcast_in_dim3A_166 : f32 to vector<16xf32>
      %swap3A_168 = arith.index_cast %scan3A_118 : i32 to index
      %swap3A_169 = arith.constant 112 : index
      %swap3A_170 = tpu.vector_load %arg8[%swap3A_168, %swap3A_169] {strides = array<i32>} : memref<128x128xf32, #tpu.memory_space<vmem>>, vector<1x16xf32>,
      %swap3A_171 = vector.shape_cast %swap3A_170 : vector<1x16xf32> to vector<16xf32>
      %swap3A_172 = vector.shape_cast %broadcast_in_dim3A_167 : vector<16xf32> to vector<1x16xf32>
      tpu.vector_store %arg8[%swap3A_168, %swap3A_169], %swap3A_172 {strides = array<i32>} : memref<128x128xf32, #tpu.memory_space<vmem>>, vector<1x16xf32>,
    }
    %scan3A_5 = arith.constant 128 : i32
    %mul3A_6 = arith.constant 640 : i32
    %mul3A_7 = arith.muli %arg1, %mul3A_6 : i32
    %add3A_8 = arith.constant 0 : i32
    %add3A_9 = arith.addi %mul3A_7, %add3A_8 : i32
    %dma_start3A = arith.constant 0 : i32
    %dma_start3A_10 = tpu.memref_slice %arg10[%add3A_9, %dma_start3A] : memref<10240x128xf32, #tpu.memory_space<vmem_shared>> -> memref<128x128xf32, #tpu.memory_space<vmem_shared>>
    %dma_start3A_11 = arith.constant 0 : i32
    %dma_start3A_12 = tpu.memref_slice %arg10[%add3A_9, %dma_start3A_11] : memref<10240x128xf32, #tpu.memory_space<vmem_shared>> -> memref<128x128xf32, #tpu.memory_space<vmem_shared>>
    tpu.enqueue_dma source(%arg8 : memref<128x128xf32, #tpu.memory_space<vmem>>) target(%dma_start3A_12 : memref<128x128xf32, #tpu.memory_space<vmem_shared>>) target_semaphore(%arg11 : memref<!tpu.dma_semaphore, #tpu.memory_space<semaphore_mem>>)
    %mul3A_13 = arith.constant 640 : i32
    %mul3A_14 = arith.muli %arg1, %mul3A_13 : i32
    %add3A_15 = arith.constant 128 : i32
    %add3A_16 = arith.addi %mul3A_14, %add3A_15 : i32
    %dma_start3A_17 = arith.constant 0 : i32
    %dma_start3A_18 = tpu.memref_slice %arg10[%add3A_16, %dma_start3A_17] : memref<10240x128xf32, #tpu.memory_space<vmem_shared>> -> memref<128x128xf32, #tpu.memory_space<vmem_shared>>
    %dma_start3A_19 = arith.constant 0 : i32
    %dma_start3A_20 = tpu.memref_slice %arg10[%add3A_16, %dma_start3A_19] : memref<10240x128xf32, #tpu.memory_space<vmem_shared>> -> memref<128x128xf32, #tpu.memory_space<vmem_shared>>
    tpu.enqueue_dma source(%arg8 : memref<128x128xf32, #tpu.memory_space<vmem>>) target(%dma_start3A_20 : memref<128x128xf32, #tpu.memory_space<vmem_shared>>) target_semaphore(%arg11 : memref<!tpu.dma_semaphore, #tpu.memory_space<semaphore_mem>>)
    %mul3A_21 = arith.constant 640 : i32
    %mul3A_22 = arith.muli %arg1, %mul3A_21 : i32
    %add3A_23 = arith.constant 256 : i32
    %add3A_24 = arith.addi %mul3A_22, %add3A_23 : i32
    %dma_start3A_25 = arith.constant 0 : i32
    %dma_start3A_26 = tpu.memref_slice %arg10[%add3A_24, %dma_start3A_25] : memref<10240x128xf32, #tpu.memory_space<vmem_shared>> -> memref<128x128xf32, #tpu.memory_space<vmem_shared>>
    %dma_start3A_27 = arith.constant 0 : i32
    %dma_start3A_28 = tpu.memref_slice %arg10[%add3A_24, %dma_start3A_27] : memref<10240x128xf32, #tpu.memory_space<vmem_shared>> -> memref<128x128xf32, #tpu.memory_space<vmem_shared>>
    tpu.enqueue_dma source(%arg8 : memref<128x128xf32, #tpu.memory_space<vmem>>) target(%dma_start3A_28 : memref<128x128xf32, #tpu.memory_space<vmem_shared>>) target_semaphore(%arg11 : memref<!tpu.dma_semaphore, #tpu.memory_space<semaphore_mem>>)
    %mul3A_29 = arith.constant 640 : i32
    %mul3A_30 = arith.muli %arg1, %mul3A_29 : i32
    %add3A_31 = arith.constant 384 : i32
    %add3A_32 = arith.addi %mul3A_30, %add3A_31 : i32
    %dma_start3A_33 = arith.constant 0 : i32
    %dma_start3A_34 = tpu.memref_slice %arg10[%add3A_32, %dma_start3A_33] : memref<10240x128xf32, #tpu.memory_space<vmem_shared>> -> memref<128x128xf32, #tpu.memory_space<vmem_shared>>
    %dma_start3A_35 = arith.constant 0 : i32
    %dma_start3A_36 = tpu.memref_slice %arg10[%add3A_32, %dma_start3A_35] : memref<10240x128xf32, #tpu.memory_space<vmem_shared>> -> memref<128x128xf32, #tpu.memory_space<vmem_shared>>
    tpu.enqueue_dma source(%arg8 : memref<128x128xf32, #tpu.memory_space<vmem>>) target(%dma_start3A_36 : memref<128x128xf32, #tpu.memory_space<vmem_shared>>) target_semaphore(%arg11 : memref<!tpu.dma_semaphore, #tpu.memory_space<semaphore_mem>>)
    %mul3A_37 = arith.constant 640 : i32
    %mul3A_38 = arith.muli %arg1, %mul3A_37 : i32
    %add3A_39 = arith.constant 512 : i32
    %add3A_40 = arith.addi %mul3A_38, %add3A_39 : i32
    %dma_start3A_41 = arith.constant 0 : i32
    %dma_start3A_42 = tpu.memref_slice %arg10[%add3A_40, %dma_start3A_41] : memref<10240x128xf32, #tpu.memory_space<vmem_shared>> -> memref<128x128xf32, #tpu.memory_space<vmem_shared>>
    %dma_start3A_43 = arith.constant 0 : i32
    %dma_start3A_44 = tpu.memref_slice %arg10[%add3A_40, %dma_start3A_43] : memref<10240x128xf32, #tpu.memory_space<vmem_shared>> -> memref<128x128xf32, #tpu.memory_space<vmem_shared>>
    tpu.enqueue_dma source(%arg8 : memref<128x128xf32, #tpu.memory_space<vmem>>) target(%dma_start3A_44 : memref<128x128xf32, #tpu.memory_space<vmem_shared>>) target_semaphore(%arg11 : memref<!tpu.dma_semaphore, #tpu.memory_space<semaphore_mem>>)
    %mul3A_45 = arith.constant 640 : i32
    %mul3A_46 = arith.muli %arg1, %mul3A_45 : i32
    %add3A_47 = arith.constant 0 : i32
    %add3A_48 = arith.addi %mul3A_46, %add3A_47 : i32
    %dma_wait3A = arith.constant 0 : i32
    %dma_wait3A_49 = tpu.memref_slice %arg10[%add3A_48, %dma_wait3A] : memref<10240x128xf32, #tpu.memory_space<vmem_shared>> -> memref<128x128xf32, #tpu.memory_space<vmem_shared>>
    %dma_wait3A_50 = arith.constant 0 : i32
    %dma_wait3A_51 = tpu.memref_slice %arg10[%add3A_48, %dma_wait3A_50] : memref<10240x128xf32, #tpu.memory_space<vmem_shared>> -> memref<128x128xf32, #tpu.memory_space<vmem_shared>>
    tpu.wait_dma2 semaphore(%arg11 : memref<!tpu.dma_semaphore, #tpu.memory_space<semaphore_mem>>) src(%arg8 : memref<128x128xf32, #tpu.memory_space<vmem>>) dst(%dma_wait3A_51 : memref<128x128xf32, #tpu.memory_space<vmem_shared>>)
    %mul3A_52 = arith.constant 640 : i32
    %mul3A_53 = arith.muli %arg1, %mul3A_52 : i32
    %add3A_54 = arith.constant 128 : i32
    %add3A_55 = arith.addi %mul3A_53, %add3A_54 : i32
    %dma_wait3A_56 = arith.constant 0 : i32
    %dma_wait3A_57 = tpu.memref_slice %arg10[%add3A_55, %dma_wait3A_56] : memref<10240x128xf32, #tpu.memory_space<vmem_shared>> -> memref<128x128xf32, #tpu.memory_space<vmem_shared>>
    %dma_wait3A_58 = arith.constant 0 : i32
    %dma_wait3A_59 = tpu.memref_slice %arg10[%add3A_55, %dma_wait3A_58] : memref<10240x128xf32, #tpu.memory_space<vmem_shared>> -> memref<128x128xf32, #tpu.memory_space<vmem_shared>>
    tpu.wait_dma2 semaphore(%arg11 : memref<!tpu.dma_semaphore, #tpu.memory_space<semaphore_mem>>) src(%arg8 : memref<128x128xf32, #tpu.memory_space<vmem>>) dst(%dma_wait3A_59 : memref<128x128xf32, #tpu.memory_space<vmem_shared>>)
    %mul3A_60 = arith.constant 640 : i32
    %mul3A_61 = arith.muli %arg1, %mul3A_60 : i32
    %add3A_62 = arith.constant 256 : i32
    %add3A_63 = arith.addi %mul3A_61, %add3A_62 : i32
    %dma_wait3A_64 = arith.constant 0 : i32
    %dma_wait3A_65 = tpu.memref_slice %arg10[%add3A_63, %dma_wait3A_64] : memref<10240x128xf32, #tpu.memory_space<vmem_shared>> -> memref<128x128xf32, #tpu.memory_space<vmem_shared>>
    %dma_wait3A_66 = arith.constant 0 : i32
    %dma_wait3A_67 = tpu.memref_slice %arg10[%add3A_63, %dma_wait3A_66] : memref<10240x128xf32, #tpu.memory_space<vmem_shared>> -> memref<128x128xf32, #tpu.memory_space<vmem_shared>>
    tpu.wait_dma2 semaphore(%arg11 : memref<!tpu.dma_semaphore, #tpu.memory_space<semaphore_mem>>) src(%arg8 : memref<128x128xf32, #tpu.memory_space<vmem>>) dst(%dma_wait3A_67 : memref<128x128xf32, #tpu.memory_space<vmem_shared>>)
    %mul3A_68 = arith.constant 640 : i32
    %mul3A_69 = arith.muli %arg1, %mul3A_68 : i32
    %add3A_70 = arith.constant 384 : i32
    %add3A_71 = arith.addi %mul3A_69, %add3A_70 : i32
    %dma_wait3A_72 = arith.constant 0 : i32
    %dma_wait3A_73 = tpu.memref_slice %arg10[%add3A_71, %dma_wait3A_72] : memref<10240x128xf32, #tpu.memory_space<vmem_shared>> -> memref<128x128xf32, #tpu.memory_space<vmem_shared>>
    %dma_wait3A_74 = arith.constant 0 : i32
    %dma_wait3A_75 = tpu.memref_slice %arg10[%add3A_71, %dma_wait3A_74] : memref<10240x128xf32, #tpu.memory_space<vmem_shared>> -> memref<128x128xf32, #tpu.memory_space<vmem_shared>>
    tpu.wait_dma2 semaphore(%arg11 : memref<!tpu.dma_semaphore, #tpu.memory_space<semaphore_mem>>) src(%arg8 : memref<128x128xf32, #tpu.memory_space<vmem>>) dst(%dma_wait3A_75 : memref<128x128xf32, #tpu.memory_space<vmem_shared>>)
    %mul3A_76 = arith.constant 640 : i32
    %mul3A_77 = arith.muli %arg1, %mul3A_76 : i32
    %add3A_78 = arith.constant 512 : i32
    %add3A_79 = arith.addi %mul3A_77, %add3A_78 : i32
    %dma_wait3A_80 = arith.constant 0 : i32
    %dma_wait3A_81 = tpu.memref_slice %arg10[%add3A_79, %dma_wait3A_80] : memref<10240x128xf32, #tpu.memory_space<vmem_shared>> -> memref<128x128xf32, #tpu.memory_space<vmem_shared>>
    %dma_wait3A_82 = arith.constant 0 : i32
    %dma_wait3A_83 = tpu.memref_slice %arg10[%add3A_79, %dma_wait3A_82] : memref<10240x128xf32, #tpu.memory_space<vmem_shared>> -> memref<128x128xf32, #tpu.memory_space<vmem_shared>>
    tpu.wait_dma2 semaphore(%arg11 : memref<!tpu.dma_semaphore, #tpu.memory_space<semaphore_mem>>) src(%arg8 : memref<128x128xf32, #tpu.memory_space<vmem>>) dst(%dma_wait3A_83 : memref<128x128xf32, #tpu.memory_space<vmem_shared>>)
    %barrier3A = arith.constant 0 : index
    tpu.barrier barrier_id(%barrier3A)
    "tpu.region"() ({
      %run_scoped3A = tpu.sem_alloc : memref<!tpu.dma_semaphore, #tpu.memory_space<semaphore_mem>>
      %dma_start3A_118 = arith.constant 0 : i32
      %dma_start3A_119 = arith.constant 0 : i32
      %dma_start3A_120 = tpu.memref_slice %arg3[%add3A, %dma_start3A_118, %dma_start3A_119] : memref<32x80x128xi32, #tpu.memory_space<hbm>> -> memref<1x40x128xi32, #tpu.memory_space<hbm>>
      %dma_start3A_121 = tpu.memref_squeeze %dma_start3A_120 : memref<1x40x128xi32, #tpu.memory_space<hbm>> -> memref<40x128xi32, #tpu.memory_space<hbm>>
      %dma_start3A_122 = arith.constant 0 : i32
      %dma_start3A_123 = arith.constant 0 : i32
      %dma_start3A_124 = tpu.memref_slice %arg3[%add3A, %dma_start3A_122, %dma_start3A_123] : memref<32x80x128xi32, #tpu.memory_space<hbm>> -> memref<1x40x128xi32, #tpu.memory_space<hbm>>
      %dma_start3A_125 = tpu.memref_squeeze %dma_start3A_124 : memref<1x40x128xi32, #tpu.memory_space<hbm>> -> memref<40x128xi32, #tpu.memory_space<hbm>>
      tpu.enqueue_dma source(%dma_start3A_125 : memref<40x128xi32, #tpu.memory_space<hbm>>) target(%arg6 : memref<40x128xi32, #tpu.memory_space<vmem>>) target_semaphore(%run_scoped3A : memref<!tpu.dma_semaphore, #tpu.memory_space<semaphore_mem>>)
      %dma_wait3A_126 = arith.constant 0 : i32
      %dma_wait3A_127 = arith.constant 0 : i32
      %dma_wait3A_128 = tpu.memref_slice %arg3[%add3A, %dma_wait3A_126, %dma_wait3A_127] : memref<32x80x128xi32, #tpu.memory_space<hbm>> -> memref<1x40x128xi32, #tpu.memory_space<hbm>>
      %dma_wait3A_129 = tpu.memref_squeeze %dma_wait3A_128 : memref<1x40x128xi32, #tpu.memory_space<hbm>> -> memref<40x128xi32, #tpu.memory_space<hbm>>
      %dma_wait3A_130 = arith.constant 0 : i32
      %dma_wait3A_131 = arith.constant 0 : i32
      %dma_wait3A_132 = tpu.memref_slice %arg3[%add3A, %dma_wait3A_130, %dma_wait3A_131] : memref<32x80x128xi32, #tpu.memory_space<hbm>> -> memref<1x40x128xi32, #tpu.memory_space<hbm>>
      %dma_wait3A_133 = tpu.memref_squeeze %dma_wait3A_132 : memref<1x40x128xi32, #tpu.memory_space<hbm>> -> memref<40x128xi32, #tpu.memory_space<hbm>>
      tpu.wait_dma2 semaphore(%run_scoped3A : memref<!tpu.dma_semaphore, #tpu.memory_space<semaphore_mem>>) src(%dma_wait3A_133 : memref<40x128xi32, #tpu.memory_space<hbm>>) dst(%arg6 : memref<40x128xi32, #tpu.memory_space<vmem>>)
      tpu.yield
    }) : () -> ()
    "tpu.region"() ({
      %run_scoped3A = tpu.sem_alloc : memref<!tpu.dma_semaphore, #tpu.memory_space<semaphore_mem>>
      %dma_start3A_118 = arith.constant 0 : i32
      %dma_start3A_119 = arith.constant 0 : i32
      %dma_start3A_120 = tpu.memref_slice %arg4[%add3A, %dma_start3A_118, %dma_start3A_119] : memref<32x80x128xi32, #tpu.memory_space<hbm>> -> memref<1x40x128xi32, #tpu.memory_space<hbm>>
      %dma_start3A_121 = tpu.memref_squeeze %dma_start3A_120 : memref<1x40x128xi32, #tpu.memory_space<hbm>> -> memref<40x128xi32, #tpu.memory_space<hbm>>
      %dma_start3A_122 = arith.constant 0 : i32
      %dma_start3A_123 = arith.constant 0 : i32
      %dma_start3A_124 = tpu.memref_slice %arg4[%add3A, %dma_start3A_122, %dma_start3A_123] : memref<32x80x128xi32, #tpu.memory_space<hbm>> -> memref<1x40x128xi32, #tpu.memory_space<hbm>>
      %dma_start3A_125 = tpu.memref_squeeze %dma_start3A_124 : memref<1x40x128xi32, #tpu.memory_space<hbm>> -> memref<40x128xi32, #tpu.memory_space<hbm>>
      tpu.enqueue_dma source(%dma_start3A_125 : memref<40x128xi32, #tpu.memory_space<hbm>>) target(%arg7 : memref<40x128xi32, #tpu.memory_space<vmem>>) target_semaphore(%run_scoped3A : memref<!tpu.dma_semaphore, #tpu.memory_space<semaphore_mem>>)
      %dma_wait3A_126 = arith.constant 0 : i32
      %dma_wait3A_127 = arith.constant 0 : i32
      %dma_wait3A_128 = tpu.memref_slice %arg4[%add3A, %dma_wait3A_126, %dma_wait3A_127] : memref<32x80x128xi32, #tpu.memory_space<hbm>> -> memref<1x40x128xi32, #tpu.memory_space<hbm>>
      %dma_wait3A_129 = tpu.memref_squeeze %dma_wait3A_128 : memref<1x40x128xi32, #tpu.memory_space<hbm>> -> memref<40x128xi32, #tpu.memory_space<hbm>>
      %dma_wait3A_130 = arith.constant 0 : i32
      %dma_wait3A_131 = arith.constant 0 : i32
      %dma_wait3A_132 = tpu.memref_slice %arg4[%add3A, %dma_wait3A_130, %dma_wait3A_131] : memref<32x80x128xi32, #tpu.memory_space<hbm>> -> memref<1x40x128xi32, #tpu.memory_space<hbm>>
      %dma_wait3A_133 = tpu.memref_squeeze %dma_wait3A_132 : memref<1x40x128xi32, #tpu.memory_space<hbm>> -> memref<40x128xi32, #tpu.memory_space<hbm>>
      tpu.wait_dma2 semaphore(%run_scoped3A : memref<!tpu.dma_semaphore, #tpu.memory_space<semaphore_mem>>) src(%dma_wait3A_133 : memref<40x128xi32, #tpu.memory_space<hbm>>) dst(%arg7 : memref<40x128xi32, #tpu.memory_space<vmem>>)
      tpu.yield
    }) : () -> ()
    %dma_start3A_84 = arith.constant 0 : i32
    %dma_start3A_85 = arith.constant 0 : i32
    %dma_start3A_86 = tpu.memref_slice %arg6[%dma_start3A_84, %dma_start3A_85] : memref<40x128xi32, #tpu.memory_space<vmem>> -> memref<1x128xi32, #tpu.memory_space<vmem>>
    %dma_start3A_87 = tpu.memref_squeeze %dma_start3A_86 : memref<1x128xi32, #tpu.memory_space<vmem>> -> memref<128xi32, #tpu.memory_space<vmem>>
    %dma_start3A_88 = arith.constant 0 : i32
    %dma_start3A_89 = arith.constant 0 : i32
    %dma_start3A_90 = tpu.memref_slice %arg2[%dma_start3A_88, %dma_start3A_89] : memref<10240x128xf32, #tpu.memory_space<hbm>> -> memref<10240x128xf32, #tpu.memory_space<hbm>>
    tpu.enqueue_indirect_dma source(%dma_start3A_90 : memref<10240x128xf32, #tpu.memory_space<hbm>>) target(%arg8 : memref<128x128xf32, #tpu.memory_space<vmem>>) offsets(%dma_start3A_87 : memref<128xi32, #tpu.memory_space<vmem>>) semaphore(%arg11 : memref<!tpu.dma_semaphore, #tpu.memory_space<semaphore_mem>>)
    %scan3A_91 = arith.constant 0 : i32
    %scan3A_92 = arith.constant 0 : i32
    %scan3A_93 = arith.constant 20 : i32
    %scan3A_94 = arith.addi %scan3A_92, %scan3A_93 : i32
    %scan3A_95 = arith.constant 1 : i32
    scf.for %scan3A_118 = %scan3A_92 to %scan3A_94 step %scan3A_95  : i32 {
      %mul3A_119 = arith.constant 2 : i32
      %mul3A_120 = arith.muli %mul3A_119, %scan3A_118 : i32
      %dma_wait3A_121 = arith.constant 0 : i32
      %dma_wait3A_122 = tpu.memref_slice %arg6[%mul3A_120, %dma_wait3A_121] : memref<40x128xi32, #tpu.memory_space<vmem>> -> memref<1x128xi32, #tpu.memory_space<vmem>>
      %dma_wait3A_123 = tpu.memref_squeeze %dma_wait3A_122 : memref<1x128xi32, #tpu.memory_space<vmem>> -> memref<128xi32, #tpu.memory_space<vmem>>
      %dma_wait3A_124 = arith.constant 0 : i32
      %dma_wait3A_125 = arith.constant 0 : i32
      %dma_wait3A_126 = tpu.memref_slice %arg2[%dma_wait3A_124, %dma_wait3A_125] : memref<10240x128xf32, #tpu.memory_space<hbm>> -> memref<10240x128xf32, #tpu.memory_space<hbm>>
      tpu.wait_indirect_dma semaphore(%arg11 : memref<!tpu.dma_semaphore, #tpu.memory_space<semaphore_mem>>) src(%dma_wait3A_126 : memref<10240x128xf32, #tpu.memory_space<hbm>>) dst(%arg8 : memref<128x128xf32, #tpu.memory_space<vmem>>)
      %add3A_127 = arith.constant 1 : i32
      %add3A_128 = arith.addi %mul3A_120, %add3A_127 : i32
      %dma_start3A_129 = arith.constant 0 : i32
      %dma_start3A_130 = tpu.memref_slice %arg6[%add3A_128, %dma_start3A_129] : memref<40x128xi32, #tpu.memory_space<vmem>> -> memref<1x128xi32, #tpu.memory_space<vmem>>
      %dma_start3A_131 = tpu.memref_squeeze %dma_start3A_130 : memref<1x128xi32, #tpu.memory_space<vmem>> -> memref<128xi32, #tpu.memory_space<vmem>>
      %dma_start3A_132 = arith.constant 0 : i32
      %dma_start3A_133 = arith.constant 0 : i32
      %dma_start3A_134 = tpu.memref_slice %arg2[%dma_start3A_132, %dma_start3A_133] : memref<10240x128xf32, #tpu.memory_space<hbm>> -> memref<10240x128xf32, #tpu.memory_space<hbm>>
      tpu.enqueue_indirect_dma source(%dma_start3A_134 : memref<10240x128xf32, #tpu.memory_space<hbm>>) target(%arg9 : memref<128x128xf32, #tpu.memory_space<vmem>>) offsets(%dma_start3A_131 : memref<128xi32, #tpu.memory_space<vmem>>) semaphore(%arg12 : memref<!tpu.dma_semaphore, #tpu.memory_space<semaphore_mem>>)
      "tpu.region"() ({
        %run_scoped3A = tpu.sem_alloc : memref<!tpu.dma_semaphore, #tpu.memory_space<semaphore_mem>>
        %dma_start3A_149 = arith.constant 0 : i32
        %dma_start3A_150 = tpu.memref_slice %arg7[%mul3A_120, %dma_start3A_149] : memref<40x128xi32, #tpu.memory_space<vmem>> -> memref<1x128xi32, #tpu.memory_space<vmem>>
        %dma_start3A_151 = tpu.memref_squeeze %dma_start3A_150 : memref<1x128xi32, #tpu.memory_space<vmem>> -> memref<128xi32, #tpu.memory_space<vmem>>
        %dma_start3A_152 = arith.constant 0 : i32
        %dma_start3A_153 = arith.constant 0 : i32
        %dma_start3A_154 = tpu.memref_slice %arg10[%dma_start3A_152, %dma_start3A_153] : memref<10240x128xf32, #tpu.memory_space<vmem_shared>> -> memref<10240x128xf32, #tpu.memory_space<vmem_shared>>
        tpu.enqueue_indirect_dma source(%arg8 : memref<128x128xf32, #tpu.memory_space<vmem>>) target(%dma_start3A_154 : memref<10240x128xf32, #tpu.memory_space<vmem_shared>>) offsets(%dma_start3A_151 : memref<128xi32, #tpu.memory_space<vmem>>) semaphore(%run_scoped3A : memref<!tpu.dma_semaphore, #tpu.memory_space<semaphore_mem>>) {add = true}
        %dma_wait3A_155 = arith.constant 0 : i32
        %dma_wait3A_156 = tpu.memref_slice %arg7[%mul3A_120, %dma_wait3A_155] : memref<40x128xi32, #tpu.memory_space<vmem>> -> memref<1x128xi32, #tpu.memory_space<vmem>>
        %dma_wait3A_157 = tpu.memref_squeeze %dma_wait3A_156 : memref<1x128xi32, #tpu.memory_space<vmem>> -> memref<128xi32, #tpu.memory_space<vmem>>
        %dma_wait3A_158 = arith.constant 0 : i32
        %dma_wait3A_159 = arith.constant 0 : i32
        %dma_wait3A_160 = tpu.memref_slice %arg10[%dma_wait3A_158, %dma_wait3A_159] : memref<10240x128xf32, #tpu.memory_space<vmem_shared>> -> memref<10240x128xf32, #tpu.memory_space<vmem_shared>>
        tpu.wait_indirect_dma semaphore(%run_scoped3A : memref<!tpu.dma_semaphore, #tpu.memory_space<semaphore_mem>>) src(%arg8 : memref<128x128xf32, #tpu.memory_space<vmem>>) dst(%dma_wait3A_160 : memref<10240x128xf32, #tpu.memory_space<vmem_shared>>)
        tpu.yield
      }) : () -> ()
      %add3A_135 = arith.constant 1 : i32
      %add3A_136 = arith.addi %mul3A_120, %add3A_135 : i32
      %dma_wait3A_137 = arith.constant 0 : i32
      %dma_wait3A_138 = tpu.memref_slice %arg6[%add3A_136, %dma_wait3A_137] : memref<40x128xi32, #tpu.memory_space<vmem>> -> memref<1x128xi32, #tpu.memory_space<vmem>>
      %dma_wait3A_139 = tpu.memref_squeeze %dma_wait3A_138 : memref<1x128xi32, #tpu.memory_space<vmem>> -> memref<128xi32, #tpu.memory_space<vmem>>
      %dma_wait3A_140 = arith.constant 0 : i32
      %dma_wait3A_141 = arith.constant 0 : i32
      %dma_wait3A_142 = tpu.memref_slice %arg2[%dma_wait3A_140, %dma_wait3A_141] : memref<10240x128xf32, #tpu.memory_space<hbm>> -> memref<10240x128xf32, #tpu.memory_space<hbm>>
      tpu.wait_indirect_dma semaphore(%arg12 : memref<!tpu.dma_semaphore, #tpu.memory_space<semaphore_mem>>) src(%dma_wait3A_142 : memref<10240x128xf32, #tpu.memory_space<hbm>>) dst(%arg9 : memref<128x128xf32, #tpu.memory_space<vmem>>)
      %add3A_143 = arith.constant 2 : i32
      %add3A_144 = arith.addi %mul3A_120, %add3A_143 : i32
      %lt3A = arith.constant 40 : i32
      %lt3A_145 = arith.cmpi slt, %add3A_144, %lt3A : i32
      %convert_element_type3A = arith.extui %lt3A_145 : i1 to i32
      %cond3A = arith.constant 0 : i32
      %cond3A_146 = arith.cmpi ne, %convert_element_type3A, %cond3A : i32
      scf.if %cond3A_146 {
        %add3A_149 = arith.constant 2 : i32
        %add3A_150 = arith.addi %mul3A_120, %add3A_149 : i32
        %dma_start3A_151 = arith.constant 0 : i32
        %dma_start3A_152 = tpu.memref_slice %arg6[%add3A_150, %dma_start3A_151] : memref<40x128xi32, #tpu.memory_space<vmem>> -> memref<1x128xi32, #tpu.memory_space<vmem>>
        %dma_start3A_153 = tpu.memref_squeeze %dma_start3A_152 : memref<1x128xi32, #tpu.memory_space<vmem>> -> memref<128xi32, #tpu.memory_space<vmem>>
        %dma_start3A_154 = arith.constant 0 : i32
        %dma_start3A_155 = arith.constant 0 : i32
        %dma_start3A_156 = tpu.memref_slice %arg2[%dma_start3A_154, %dma_start3A_155] : memref<10240x128xf32, #tpu.memory_space<hbm>> -> memref<10240x128xf32, #tpu.memory_space<hbm>>
        tpu.enqueue_indirect_dma source(%dma_start3A_156 : memref<10240x128xf32, #tpu.memory_space<hbm>>) target(%arg8 : memref<128x128xf32, #tpu.memory_space<vmem>>) offsets(%dma_start3A_153 : memref<128xi32, #tpu.memory_space<vmem>>) semaphore(%arg11 : memref<!tpu.dma_semaphore, #tpu.memory_space<semaphore_mem>>)
      } else {
      }
      %add3A_147 = arith.constant 1 : i32
      %add3A_148 = arith.addi %mul3A_120, %add3A_147 : i32
      "tpu.region"() ({
        %run_scoped3A = tpu.sem_alloc : memref<!tpu.dma_semaphore, #tpu.memory_space<semaphore_mem>>
        %dma_start3A_149 = arith.constant 0 : i32
        %dma_start3A_150 = tpu.memref_slice %arg7[%add3A_148, %dma_start3A_149] : memref<40x128xi32, #tpu.memory_space<vmem>> -> memref<1x128xi32, #tpu.memory_space<vmem>>
        %dma_start3A_151 = tpu.memref_squeeze %dma_start3A_150 : memref<1x128xi32, #tpu.memory_space<vmem>> -> memref<128xi32, #tpu.memory_space<vmem>>
        %dma_start3A_152 = arith.constant 0 : i32
        %dma_start3A_153 = arith.constant 0 : i32
        %dma_start3A_154 = tpu.memref_slice %arg10[%dma_start3A_152, %dma_start3A_153] : memref<10240x128xf32, #tpu.memory_space<vmem_shared>> -> memref<10240x128xf32, #tpu.memory_space<vmem_shared>>
        tpu.enqueue_indirect_dma source(%arg9 : memref<128x128xf32, #tpu.memory_space<vmem>>) target(%dma_start3A_154 : memref<10240x128xf32, #tpu.memory_space<vmem_shared>>) offsets(%dma_start3A_151 : memref<128xi32, #tpu.memory_space<vmem>>) semaphore(%run_scoped3A : memref<!tpu.dma_semaphore, #tpu.memory_space<semaphore_mem>>) {add = true}
        %dma_wait3A_155 = arith.constant 0 : i32
        %dma_wait3A_156 = tpu.memref_slice %arg7[%add3A_148, %dma_wait3A_155] : memref<40x128xi32, #tpu.memory_space<vmem>> -> memref<1x128xi32, #tpu.memory_space<vmem>>
        %dma_wait3A_157 = tpu.memref_squeeze %dma_wait3A_156 : memref<1x128xi32, #tpu.memory_space<vmem>> -> memref<128xi32, #tpu.memory_space<vmem>>
        %dma_wait3A_158 = arith.constant 0 : i32
        %dma_wait3A_159 = arith.constant 0 : i32
        %dma_wait3A_160 = tpu.memref_slice %arg10[%dma_wait3A_158, %dma_wait3A_159] : memref<10240x128xf32, #tpu.memory_space<vmem_shared>> -> memref<10240x128xf32, #tpu.memory_space<vmem_shared>>
        tpu.wait_indirect_dma semaphore(%run_scoped3A : memref<!tpu.dma_semaphore, #tpu.memory_space<semaphore_mem>>) src(%arg9 : memref<128x128xf32, #tpu.memory_space<vmem>>) dst(%dma_wait3A_160 : memref<10240x128xf32, #tpu.memory_space<vmem_shared>>)
        tpu.yield
      }) : () -> ()
    }
    %scan3A_96 = arith.constant 20 : i32
    "tpu.region"() ({
      %run_scoped3A = tpu.sem_alloc : memref<!tpu.dma_semaphore, #tpu.memory_space<semaphore_mem>>
      %dma_start3A_118 = arith.constant 40 : i32
      %dma_start3A_119 = arith.constant 0 : i32
      %dma_start3A_120 = tpu.memref_slice %arg3[%add3A, %dma_start3A_118, %dma_start3A_119] : memref<32x80x128xi32, #tpu.memory_space<hbm>> -> memref<1x40x128xi32, #tpu.memory_space<hbm>>
      %dma_start3A_121 = tpu.memref_squeeze %dma_start3A_120 : memref<1x40x128xi32, #tpu.memory_space<hbm>> -> memref<40x128xi32, #tpu.memory_space<hbm>>
      %dma_start3A_122 = arith.constant 40 : i32
      %dma_start3A_123 = arith.constant 0 : i32
      %dma_start3A_124 = tpu.memref_slice %arg3[%add3A, %dma_start3A_122, %dma_start3A_123] : memref<32x80x128xi32, #tpu.memory_space<hbm>> -> memref<1x40x128xi32, #tpu.memory_space<hbm>>
      %dma_start3A_125 = tpu.memref_squeeze %dma_start3A_124 : memref<1x40x128xi32, #tpu.memory_space<hbm>> -> memref<40x128xi32, #tpu.memory_space<hbm>>
      tpu.enqueue_dma source(%dma_start3A_125 : memref<40x128xi32, #tpu.memory_space<hbm>>) target(%arg6 : memref<40x128xi32, #tpu.memory_space<vmem>>) target_semaphore(%run_scoped3A : memref<!tpu.dma_semaphore, #tpu.memory_space<semaphore_mem>>)
      %dma_wait3A_126 = arith.constant 40 : i32
      %dma_wait3A_127 = arith.constant 0 : i32
      %dma_wait3A_128 = tpu.memref_slice %arg3[%add3A, %dma_wait3A_126, %dma_wait3A_127] : memref<32x80x128xi32, #tpu.memory_space<hbm>> -> memref<1x40x128xi32, #tpu.memory_space<hbm>>
      %dma_wait3A_129 = tpu.memref_squeeze %dma_wait3A_128 : memref<1x40x128xi32, #tpu.memory_space<hbm>> -> memref<40x128xi32, #tpu.memory_space<hbm>>
      %dma_wait3A_130 = arith.constant 40 : i32
      %dma_wait3A_131 = arith.constant 0 : i32
      %dma_wait3A_132 = tpu.memref_slice %arg3[%add3A, %dma_wait3A_130, %dma_wait3A_131] : memref<32x80x128xi32, #tpu.memory_space<hbm>> -> memref<1x40x128xi32, #tpu.memory_space<hbm>>
      %dma_wait3A_133 = tpu.memref_squeeze %dma_wait3A_132 : memref<1x40x128xi32, #tpu.memory_space<hbm>> -> memref<40x128xi32, #tpu.memory_space<hbm>>
      tpu.wait_dma2 semaphore(%run_scoped3A : memref<!tpu.dma_semaphore, #tpu.memory_space<semaphore_mem>>) src(%dma_wait3A_133 : memref<40x128xi32, #tpu.memory_space<hbm>>) dst(%arg6 : memref<40x128xi32, #tpu.memory_space<vmem>>)
      tpu.yield
    }) : () -> ()
    "tpu.region"() ({
      %run_scoped3A = tpu.sem_alloc : memref<!tpu.dma_semaphore, #tpu.memory_space<semaphore_mem>>
      %dma_start3A_118 = arith.constant 40 : i32
      %dma_start3A_119 = arith.constant 0 : i32
      %dma_start3A_120 = tpu.memref_slice %arg4[%add3A, %dma_start3A_118, %dma_start3A_119] : memref<32x80x128xi32, #tpu.memory_space<hbm>> -> memref<1x40x128xi32, #tpu.memory_space<hbm>>
      %dma_start3A_121 = tpu.memref_squeeze %dma_start3A_120 : memref<1x40x128xi32, #tpu.memory_space<hbm>> -> memref<40x128xi32, #tpu.memory_space<hbm>>
      %dma_start3A_122 = arith.constant 40 : i32
      %dma_start3A_123 = arith.constant 0 : i32
      %dma_start3A_124 = tpu.memref_slice %arg4[%add3A, %dma_start3A_122, %dma_start3A_123] : memref<32x80x128xi32, #tpu.memory_space<hbm>> -> memref<1x40x128xi32, #tpu.memory_space<hbm>>
      %dma_start3A_125 = tpu.memref_squeeze %dma_start3A_124 : memref<1x40x128xi32, #tpu.memory_space<hbm>> -> memref<40x128xi32, #tpu.memory_space<hbm>>
      tpu.enqueue_dma source(%dma_start3A_125 : memref<40x128xi32, #tpu.memory_space<hbm>>) target(%arg7 : memref<40x128xi32, #tpu.memory_space<vmem>>) target_semaphore(%run_scoped3A : memref<!tpu.dma_semaphore, #tpu.memory_space<semaphore_mem>>)
      %dma_wait3A_126 = arith.constant 40 : i32
      %dma_wait3A_127 = arith.constant 0 : i32
      %dma_wait3A_128 = tpu.memref_slice %arg4[%add3A, %dma_wait3A_126, %dma_wait3A_127] : memref<32x80x128xi32, #tpu.memory_space<hbm>> -> memref<1x40x128xi32, #tpu.memory_space<hbm>>
      %dma_wait3A_129 = tpu.memref_squeeze %dma_wait3A_128 : memref<1x40x128xi32, #tpu.memory_space<hbm>> -> memref<40x128xi32, #tpu.memory_space<hbm>>
      %dma_wait3A_130 = arith.constant 40 : i32
      %dma_wait3A_131 = arith.constant 0 : i32
      %dma_wait3A_132 = tpu.memref_slice %arg4[%add3A, %dma_wait3A_130, %dma_wait3A_131] : memref<32x80x128xi32, #tpu.memory_space<hbm>> -> memref<1x40x128xi32, #tpu.memory_space<hbm>>
      %dma_wait3A_133 = tpu.memref_squeeze %dma_wait3A_132 : memref<1x40x128xi32, #tpu.memory_space<hbm>> -> memref<40x128xi32, #tpu.memory_space<hbm>>
      tpu.wait_dma2 semaphore(%run_scoped3A : memref<!tpu.dma_semaphore, #tpu.memory_space<semaphore_mem>>) src(%dma_wait3A_133 : memref<40x128xi32, #tpu.memory_space<hbm>>) dst(%arg7 : memref<40x128xi32, #tpu.memory_space<vmem>>)
      tpu.yield
    }) : () -> ()
    %dma_start3A_97 = arith.constant 0 : i32
    %dma_start3A_98 = arith.constant 0 : i32
    %dma_start3A_99 = tpu.memref_slice %arg6[%dma_start3A_97, %dma_start3A_98] : memref<40x128xi32, #tpu.memory_space<vmem>> -> memref<1x128xi32, #tpu.memory_space<vmem>>
    %dma_start3A_100 = tpu.memref_squeeze %dma_start3A_99 : memref<1x128xi32, #tpu.memory_space<vmem>> -> memref<128xi32, #tpu.memory_space<vmem>>
    %dma_start3A_101 = arith.constant 0 : i32
    %dma_start3A_102 = arith.constant 0 : i32
    %dma_start3A_103 = tpu.memref_slice %arg2[%dma_start3A_101, %dma_start3A_102] : memref<10240x128xf32, #tpu.memory_space<hbm>> -> memref<10240x128xf32, #tpu.memory_space<hbm>>
    tpu.enqueue_indirect_dma source(%dma_start3A_103 : memref<10240x128xf32, #tpu.memory_space<hbm>>) target(%arg8 : memref<128x128xf32, #tpu.memory_space<vmem>>) offsets(%dma_start3A_100 : memref<128xi32, #tpu.memory_space<vmem>>) semaphore(%arg11 : memref<!tpu.dma_semaphore, #tpu.memory_space<semaphore_mem>>)
    %scan3A_104 = arith.constant 0 : i32
    %scan3A_105 = arith.constant 0 : i32
    %scan3A_106 = arith.constant 20 : i32
    %scan3A_107 = arith.addi %scan3A_105, %scan3A_106 : i32
    %scan3A_108 = arith.constant 1 : i32
    scf.for %scan3A_118 = %scan3A_105 to %scan3A_107 step %scan3A_108  : i32 {
      %mul3A_119 = arith.constant 2 : i32
      %mul3A_120 = arith.muli %mul3A_119, %scan3A_118 : i32
      %dma_wait3A_121 = arith.constant 0 : i32
      %dma_wait3A_122 = tpu.memref_slice %arg6[%mul3A_120, %dma_wait3A_121] : memref<40x128xi32, #tpu.memory_space<vmem>> -> memref<1x128xi32, #tpu.memory_space<vmem>>
      %dma_wait3A_123 = tpu.memref_squeeze %dma_wait3A_122 : memref<1x128xi32, #tpu.memory_space<vmem>> -> memref<128xi32, #tpu.memory_space<vmem>>
      %dma_wait3A_124 = arith.constant 0 : i32
      %dma_wait3A_125 = arith.constant 0 : i32
      %dma_wait3A_126 = tpu.memref_slice %arg2[%dma_wait3A_124, %dma_wait3A_125] : memref<10240x128xf32, #tpu.memory_space<hbm>> -> memref<10240x128xf32, #tpu.memory_space<hbm>>
      tpu.wait_indirect_dma semaphore(%arg11 : memref<!tpu.dma_semaphore, #tpu.memory_space<semaphore_mem>>) src(%dma_wait3A_126 : memref<10240x128xf32, #tpu.memory_space<hbm>>) dst(%arg8 : memref<128x128xf32, #tpu.memory_space<vmem>>)
      %add3A_127 = arith.constant 1 : i32
      %add3A_128 = arith.addi %mul3A_120, %add3A_127 : i32
      %dma_start3A_129 = arith.constant 0 : i32
      %dma_start3A_130 = tpu.memref_slice %arg6[%add3A_128, %dma_start3A_129] : memref<40x128xi32, #tpu.memory_space<vmem>> -> memref<1x128xi32, #tpu.memory_space<vmem>>
      %dma_start3A_131 = tpu.memref_squeeze %dma_start3A_130 : memref<1x128xi32, #tpu.memory_space<vmem>> -> memref<128xi32, #tpu.memory_space<vmem>>
      %dma_start3A_132 = arith.constant 0 : i32
      %dma_start3A_133 = arith.constant 0 : i32
      %dma_start3A_134 = tpu.memref_slice %arg2[%dma_start3A_132, %dma_start3A_133] : memref<10240x128xf32, #tpu.memory_space<hbm>> -> memref<10240x128xf32, #tpu.memory_space<hbm>>
      tpu.enqueue_indirect_dma source(%dma_start3A_134 : memref<10240x128xf32, #tpu.memory_space<hbm>>) target(%arg9 : memref<128x128xf32, #tpu.memory_space<vmem>>) offsets(%dma_start3A_131 : memref<128xi32, #tpu.memory_space<vmem>>) semaphore(%arg12 : memref<!tpu.dma_semaphore, #tpu.memory_space<semaphore_mem>>)
      "tpu.region"() ({
        %run_scoped3A = tpu.sem_alloc : memref<!tpu.dma_semaphore, #tpu.memory_space<semaphore_mem>>
        %dma_start3A_149 = arith.constant 0 : i32
        %dma_start3A_150 = tpu.memref_slice %arg7[%mul3A_120, %dma_start3A_149] : memref<40x128xi32, #tpu.memory_space<vmem>> -> memref<1x128xi32, #tpu.memory_space<vmem>>
        %dma_start3A_151 = tpu.memref_squeeze %dma_start3A_150 : memref<1x128xi32, #tpu.memory_space<vmem>> -> memref<128xi32, #tpu.memory_space<vmem>>
        %dma_start3A_152 = arith.constant 0 : i32
        %dma_start3A_153 = arith.constant 0 : i32
        %dma_start3A_154 = tpu.memref_slice %arg10[%dma_start3A_152, %dma_start3A_153] : memref<10240x128xf32, #tpu.memory_space<vmem_shared>> -> memref<10240x128xf32, #tpu.memory_space<vmem_shared>>
        tpu.enqueue_indirect_dma source(%arg8 : memref<128x128xf32, #tpu.memory_space<vmem>>) target(%dma_start3A_154 : memref<10240x128xf32, #tpu.memory_space<vmem_shared>>) offsets(%dma_start3A_151 : memref<128xi32, #tpu.memory_space<vmem>>) semaphore(%run_scoped3A : memref<!tpu.dma_semaphore, #tpu.memory_space<semaphore_mem>>) {add = true}
        %dma_wait3A_155 = arith.constant 0 : i32
        %dma_wait3A_156 = tpu.memref_slice %arg7[%mul3A_120, %dma_wait3A_155] : memref<40x128xi32, #tpu.memory_space<vmem>> -> memref<1x128xi32, #tpu.memory_space<vmem>>
        %dma_wait3A_157 = tpu.memref_squeeze %dma_wait3A_156 : memref<1x128xi32, #tpu.memory_space<vmem>> -> memref<128xi32, #tpu.memory_space<vmem>>
        %dma_wait3A_158 = arith.constant 0 : i32
        %dma_wait3A_159 = arith.constant 0 : i32
        %dma_wait3A_160 = tpu.memref_slice %arg10[%dma_wait3A_158, %dma_wait3A_159] : memref<10240x128xf32, #tpu.memory_space<vmem_shared>> -> memref<10240x128xf32, #tpu.memory_space<vmem_shared>>
        tpu.wait_indirect_dma semaphore(%run_scoped3A : memref<!tpu.dma_semaphore, #tpu.memory_space<semaphore_mem>>) src(%arg8 : memref<128x128xf32, #tpu.memory_space<vmem>>) dst(%dma_wait3A_160 : memref<10240x128xf32, #tpu.memory_space<vmem_shared>>)
        tpu.yield
      }) : () -> ()
      %add3A_135 = arith.constant 1 : i32
      %add3A_136 = arith.addi %mul3A_120, %add3A_135 : i32
      %dma_wait3A_137 = arith.constant 0 : i32
      %dma_wait3A_138 = tpu.memref_slice %arg6[%add3A_136, %dma_wait3A_137] : memref<40x128xi32, #tpu.memory_space<vmem>> -> memref<1x128xi32, #tpu.memory_space<vmem>>
      %dma_wait3A_139 = tpu.memref_squeeze %dma_wait3A_138 : memref<1x128xi32, #tpu.memory_space<vmem>> -> memref<128xi32, #tpu.memory_space<vmem>>
      %dma_wait3A_140 = arith.constant 0 : i32
      %dma_wait3A_141 = arith.constant 0 : i32
      %dma_wait3A_142 = tpu.memref_slice %arg2[%dma_wait3A_140, %dma_wait3A_141] : memref<10240x128xf32, #tpu.memory_space<hbm>> -> memref<10240x128xf32, #tpu.memory_space<hbm>>
      tpu.wait_indirect_dma semaphore(%arg12 : memref<!tpu.dma_semaphore, #tpu.memory_space<semaphore_mem>>) src(%dma_wait3A_142 : memref<10240x128xf32, #tpu.memory_space<hbm>>) dst(%arg9 : memref<128x128xf32, #tpu.memory_space<vmem>>)
      %add3A_143 = arith.constant 2 : i32
      %add3A_144 = arith.addi %mul3A_120, %add3A_143 : i32
      %lt3A = arith.constant 40 : i32
      %lt3A_145 = arith.cmpi slt, %add3A_144, %lt3A : i32
      %convert_element_type3A = arith.extui %lt3A_145 : i1 to i32
      %cond3A = arith.constant 0 : i32
      %cond3A_146 = arith.cmpi ne, %convert_element_type3A, %cond3A : i32
      scf.if %cond3A_146 {
        %add3A_149 = arith.constant 2 : i32
        %add3A_150 = arith.addi %mul3A_120, %add3A_149 : i32
        %dma_start3A_151 = arith.constant 0 : i32
        %dma_start3A_152 = tpu.memref_slice %arg6[%add3A_150, %dma_start3A_151] : memref<40x128xi32, #tpu.memory_space<vmem>> -> memref<1x128xi32, #tpu.memory_space<vmem>>
        %dma_start3A_153 = tpu.memref_squeeze %dma_start3A_152 : memref<1x128xi32, #tpu.memory_space<vmem>> -> memref<128xi32, #tpu.memory_space<vmem>>
        %dma_start3A_154 = arith.constant 0 : i32
        %dma_start3A_155 = arith.constant 0 : i32
        %dma_start3A_156 = tpu.memref_slice %arg2[%dma_start3A_154, %dma_start3A_155] : memref<10240x128xf32, #tpu.memory_space<hbm>> -> memref<10240x128xf32, #tpu.memory_space<hbm>>
        tpu.enqueue_indirect_dma source(%dma_start3A_156 : memref<10240x128xf32, #tpu.memory_space<hbm>>) target(%arg8 : memref<128x128xf32, #tpu.memory_space<vmem>>) offsets(%dma_start3A_153 : memref<128xi32, #tpu.memory_space<vmem>>) semaphore(%arg11 : memref<!tpu.dma_semaphore, #tpu.memory_space<semaphore_mem>>)
      } else {
      }
      %add3A_147 = arith.constant 1 : i32
      %add3A_148 = arith.addi %mul3A_120, %add3A_147 : i32
      "tpu.region"() ({
        %run_scoped3A = tpu.sem_alloc : memref<!tpu.dma_semaphore, #tpu.memory_space<semaphore_mem>>
        %dma_start3A_149 = arith.constant 0 : i32
        %dma_start3A_150 = tpu.memref_slice %arg7[%add3A_148, %dma_start3A_149] : memref<40x128xi32, #tpu.memory_space<vmem>> -> memref<1x128xi32, #tpu.memory_space<vmem>>
        %dma_start3A_151 = tpu.memref_squeeze %dma_start3A_150 : memref<1x128xi32, #tpu.memory_space<vmem>> -> memref<128xi32, #tpu.memory_space<vmem>>
        %dma_start3A_152 = arith.constant 0 : i32
        %dma_start3A_153 = arith.constant 0 : i32
        %dma_start3A_154 = tpu.memref_slice %arg10[%dma_start3A_152, %dma_start3A_153] : memref<10240x128xf32, #tpu.memory_space<vmem_shared>> -> memref<10240x128xf32, #tpu.memory_space<vmem_shared>>
        tpu.enqueue_indirect_dma source(%arg9 : memref<128x128xf32, #tpu.memory_space<vmem>>) target(%dma_start3A_154 : memref<10240x128xf32, #tpu.memory_space<vmem_shared>>) offsets(%dma_start3A_151 : memref<128xi32, #tpu.memory_space<vmem>>) semaphore(%run_scoped3A : memref<!tpu.dma_semaphore, #tpu.memory_space<semaphore_mem>>) {add = true}
        %dma_wait3A_155 = arith.constant 0 : i32
        %dma_wait3A_156 = tpu.memref_slice %arg7[%add3A_148, %dma_wait3A_155] : memref<40x128xi32, #tpu.memory_space<vmem>> -> memref<1x128xi32, #tpu.memory_space<vmem>>
        %dma_wait3A_157 = tpu.memref_squeeze %dma_wait3A_156 : memref<1x128xi32, #tpu.memory_space<vmem>> -> memref<128xi32, #tpu.memory_space<vmem>>
        %dma_wait3A_158 = arith.constant 0 : i32
        %dma_wait3A_159 = arith.constant 0 : i32
        %dma_wait3A_160 = tpu.memref_slice %arg10[%dma_wait3A_158, %dma_wait3A_159] : memref<10240x128xf32, #tpu.memory_space<vmem_shared>> -> memref<10240x128xf32, #tpu.memory_space<vmem_shared>>
        tpu.wait_indirect_dma semaphore(%run_scoped3A : memref<!tpu.dma_semaphore, #tpu.memory_space<semaphore_mem>>) src(%arg9 : memref<128x128xf32, #tpu.memory_space<vmem>>) dst(%dma_wait3A_160 : memref<10240x128xf32, #tpu.memory_space<vmem_shared>>)
        tpu.yield
      }) : () -> ()
    }
    %scan3A_109 = arith.constant 20 : i32
    %barrier3A_110 = arith.constant 0 : index
    tpu.barrier barrier_id(%barrier3A_110)
    %mul3A_111 = arith.constant 640 : i32
    %mul3A_112 = arith.muli %arg1, %mul3A_111 : i32
    %mul3A_113 = arith.constant 10240 : i32
    %mul3A_114 = arith.muli %arg0, %mul3A_113 : i32
    %mul3A_115 = arith.constant 640 : i32
    %mul3A_116 = arith.muli %arg1, %mul3A_115 : i32
    %add3A_117 = arith.addi %mul3A_114, %mul3A_116 : i32
    "tpu.region"() ({
      %run_scoped3A = tpu.sem_alloc : memref<!tpu.dma_semaphore, #tpu.memory_space<semaphore_mem>>
      %dma_start3A_118 = arith.constant 0 : i32
      %dma_start3A_119 = tpu.memref_slice %arg5[%add3A_117, %dma_start3A_118] : memref<20480x128xf32, #tpu.memory_space<hbm>> -> memref<640x128xf32, #tpu.memory_space<hbm>>
      %dma_start3A_120 = arith.constant 0 : i32
      %dma_start3A_121 = tpu.memref_slice %arg10[%mul3A_112, %dma_start3A_120] : memref<10240x128xf32, #tpu.memory_space<vmem_shared>> -> memref<640x128xf32, #tpu.memory_space<vmem_shared>>
      tpu.enqueue_dma source(%dma_start3A_121 : memref<640x128xf32, #tpu.memory_space<vmem_shared>>) target(%dma_start3A_119 : memref<640x128xf32, #tpu.memory_space<hbm>>) target_semaphore(%run_scoped3A : memref<!tpu.dma_semaphore, #tpu.memory_space<semaphore_mem>>)
      %dma_wait3A_122 = arith.constant 0 : i32
      %dma_wait3A_123 = tpu.memref_slice %arg5[%add3A_117, %dma_wait3A_122] : memref<20480x128xf32, #tpu.memory_space<hbm>> -> memref<640x128xf32, #tpu.memory_space<hbm>>
      %dma_wait3A_124 = arith.constant 0 : i32
      %dma_wait3A_125 = tpu.memref_slice %arg10[%mul3A_112, %dma_wait3A_124] : memref<10240x128xf32, #tpu.memory_space<vmem_shared>> -> memref<640x128xf32, #tpu.memory_space<vmem_shared>>
      tpu.wait_dma2 semaphore(%run_scoped3A : memref<!tpu.dma_semaphore, #tpu.memory_space<semaphore_mem>>) src(%dma_wait3A_125 : memref<640x128xf32, #tpu.memory_space<vmem_shared>>) dst(%dma_wait3A_123 : memref<640x128xf32, #tpu.memory_space<hbm>>)
      tpu.yield
    }) : () -> ()
    return
  }
}

#map = affine_map<(d0, d1) -> (0, 0)>
#map1 = affine_map<(d0, d1) -> (0, 0, 0)>
module attributes {stable_mosaic.version = 14 : i64} {
  func.func @_segsum_sc(%arg0: i32, %arg1: i32, %arg2: memref<10240x128xf32, #tpu.memory_space<hbm>>, %arg3: memref<32x80x128xi32, #tpu.memory_space<hbm>>, %arg4: memref<32x80x128xi32, #tpu.memory_space<hbm>>, %arg5: memref<20480x128xf32, #tpu.memory_space<hbm>>, %arg6: memref<40x128xi32, #tpu.memory_space<vmem>>, %arg7: memref<40x128xi32, #tpu.memory_space<vmem>>, %arg8: memref<128x128xf32, #tpu.memory_space<vmem>>, %arg9: memref<128x128xf32, #tpu.memory_space<vmem>>, %arg10: memref<10240x128xf32, #tpu.memory_space<vmem_shared>>, %arg11: memref<!tpu.dma_semaphore, #tpu.memory_space<semaphore_mem>>, %arg12: memref<!tpu.dma_semaphore, #tpu.memory_space<semaphore_mem>>) attributes {dimension_semantics = [#tpu.dimension_semantics<core_parallel>, #tpu.dimension_semantics<subcore_parallel>], iteration_bounds = array<i64: 2, 16>, scalar_prefetch = 0 : i64, scratch_operands = 7 : i64, tpu.core_type = #tpu.core_type<sc_vector_subcore>, window_params = [{transform_indices = #map}, {transform_indices = #map1}, {transform_indices = #map1}, {transform_indices = #map}]} {
    %mul3A = arith.constant 2 : i32
    %mul3A_0 = arith.muli %arg1, %mul3A : i32
    %add3A = arith.addi %mul3A_0, %arg0 : i32
    %scan3A = arith.constant 0 : i32
    %scan3A_1 = arith.constant 0 : i32
    %scan3A_2 = arith.constant 128 : i32
    %scan3A_3 = arith.addi %scan3A_1, %scan3A_2 : i32
    %scan3A_4 = arith.constant 1 : i32
    scf.for %scan3A_118 = %scan3A_1 to %scan3A_3 step %scan3A_4  : i32 {
      %broadcast_in_dim3A = arith.constant 0.000000e+00 : f32
      %broadcast_in_dim3A_119 = vector.broadcast %broadcast_in_dim3A : f32 to vector<16xf32>
      %swap3A = arith.index_cast %scan3A_118 : i32 to index
      %swap3A_120 = arith.constant 0 : index
      %swap3A_121 = tpu.vector_load %arg8[%swap3A, %swap3A_120] {strides = array<i32>} : memref<128x128xf32, #tpu.memory_space<vmem>>, vector<1x16xf32>,
      %swap3A_122 = vector.shape_cast %swap3A_121 : vector<1x16xf32> to vector<16xf32>
      %swap3A_123 = vector.shape_cast %broadcast_in_dim3A_119 : vector<16xf32> to vector<1x16xf32>
      tpu.vector_store %arg8[%swap3A, %swap3A_120], %swap3A_123 {strides = array<i32>} : memref<128x128xf32, #tpu.memory_space<vmem>>, vector<1x16xf32>,
      %broadcast_in_dim3A_124 = arith.constant 0.000000e+00 : f32
      %broadcast_in_dim3A_125 = vector.broadcast %broadcast_in_dim3A_124 : f32 to vector<16xf32>
      %swap3A_126 = arith.index_cast %scan3A_118 : i32 to index
      %swap3A_127 = arith.constant 16 : index
      %swap3A_128 = tpu.vector_load %arg8[%swap3A_126, %swap3A_127] {strides = array<i32>} : memref<128x128xf32, #tpu.memory_space<vmem>>, vector<1x16xf32>,
      %swap3A_129 = vector.shape_cast %swap3A_128 : vector<1x16xf32> to vector<16xf32>
      %swap3A_130 = vector.shape_cast %broadcast_in_dim3A_125 : vector<16xf32> to vector<1x16xf32>
      tpu.vector_store %arg8[%swap3A_126, %swap3A_127], %swap3A_130 {strides = array<i32>} : memref<128x128xf32, #tpu.memory_space<vmem>>, vector<1x16xf32>,
      %broadcast_in_dim3A_131 = arith.constant 0.000000e+00 : f32
      %broadcast_in_dim3A_132 = vector.broadcast %broadcast_in_dim3A_131 : f32 to vector<16xf32>
      %swap3A_133 = arith.index_cast %scan3A_118 : i32 to index
      %swap3A_134 = arith.constant 32 : index
      %swap3A_135 = tpu.vector_load %arg8[%swap3A_133, %swap3A_134] {strides = array<i32>} : memref<128x128xf32, #tpu.memory_space<vmem>>, vector<1x16xf32>,
      %swap3A_136 = vector.shape_cast %swap3A_135 : vector<1x16xf32> to vector<16xf32>
      %swap3A_137 = vector.shape_cast %broadcast_in_dim3A_132 : vector<16xf32> to vector<1x16xf32>
      tpu.vector_store %arg8[%swap3A_133, %swap3A_134], %swap3A_137 {strides = array<i32>} : memref<128x128xf32, #tpu.memory_space<vmem>>, vector<1x16xf32>,
      %broadcast_in_dim3A_138 = arith.constant 0.000000e+00 : f32
      %broadcast_in_dim3A_139 = vector.broadcast %broadcast_in_dim3A_138 : f32 to vector<16xf32>
      %swap3A_140 = arith.index_cast %scan3A_118 : i32 to index
      %swap3A_141 = arith.constant 48 : index
      %swap3A_142 = tpu.vector_load %arg8[%swap3A_140, %swap3A_141] {strides = array<i32>} : memref<128x128xf32, #tpu.memory_space<vmem>>, vector<1x16xf32>,
      %swap3A_143 = vector.shape_cast %swap3A_142 : vector<1x16xf32> to vector<16xf32>
      %swap3A_144 = vector.shape_cast %broadcast_in_dim3A_139 : vector<16xf32> to vector<1x16xf32>
      tpu.vector_store %arg8[%swap3A_140, %swap3A_141], %swap3A_144 {strides = array<i32>} : memref<128x128xf32, #tpu.memory_space<vmem>>, vector<1x16xf32>,
      %broadcast_in_dim3A_145 = arith.constant 0.000000e+00 : f32
      %broadcast_in_dim3A_146 = vector.broadcast %broadcast_in_dim3A_145 : f32 to vector<16xf32>
      %swap3A_147 = arith.index_cast %scan3A_118 : i32 to index
      %swap3A_148 = arith.constant 64 : index
      %swap3A_149 = tpu.vector_load %arg8[%swap3A_147, %swap3A_148] {strides = array<i32>} : memref<128x128xf32, #tpu.memory_space<vmem>>, vector<1x16xf32>,
      %swap3A_150 = vector.shape_cast %swap3A_149 : vector<1x16xf32> to vector<16xf32>
      %swap3A_151 = vector.shape_cast %broadcast_in_dim3A_146 : vector<16xf32> to vector<1x16xf32>
      tpu.vector_store %arg8[%swap3A_147, %swap3A_148], %swap3A_151 {strides = array<i32>} : memref<128x128xf32, #tpu.memory_space<vmem>>, vector<1x16xf32>,
      %broadcast_in_dim3A_152 = arith.constant 0.000000e+00 : f32
      %broadcast_in_dim3A_153 = vector.broadcast %broadcast_in_dim3A_152 : f32 to vector<16xf32>
      %swap3A_154 = arith.index_cast %scan3A_118 : i32 to index
      %swap3A_155 = arith.constant 80 : index
      %swap3A_156 = tpu.vector_load %arg8[%swap3A_154, %swap3A_155] {strides = array<i32>} : memref<128x128xf32, #tpu.memory_space<vmem>>, vector<1x16xf32>,
      %swap3A_157 = vector.shape_cast %swap3A_156 : vector<1x16xf32> to vector<16xf32>
      %swap3A_158 = vector.shape_cast %broadcast_in_dim3A_153 : vector<16xf32> to vector<1x16xf32>
      tpu.vector_store %arg8[%swap3A_154, %swap3A_155], %swap3A_158 {strides = array<i32>} : memref<128x128xf32, #tpu.memory_space<vmem>>, vector<1x16xf32>,
      %broadcast_in_dim3A_159 = arith.constant 0.000000e+00 : f32
      %broadcast_in_dim3A_160 = vector.broadcast %broadcast_in_dim3A_159 : f32 to vector<16xf32>
      %swap3A_161 = arith.index_cast %scan3A_118 : i32 to index
      %swap3A_162 = arith.constant 96 : index
      %swap3A_163 = tpu.vector_load %arg8[%swap3A_161, %swap3A_162] {strides = array<i32>} : memref<128x128xf32, #tpu.memory_space<vmem>>, vector<1x16xf32>,
      %swap3A_164 = vector.shape_cast %swap3A_163 : vector<1x16xf32> to vector<16xf32>
      %swap3A_165 = vector.shape_cast %broadcast_in_dim3A_160 : vector<16xf32> to vector<1x16xf32>
      tpu.vector_store %arg8[%swap3A_161, %swap3A_162], %swap3A_165 {strides = array<i32>} : memref<128x128xf32, #tpu.memory_space<vmem>>, vector<1x16xf32>,
      %broadcast_in_dim3A_166 = arith.constant 0.000000e+00 : f32
      %broadcast_in_dim3A_167 = vector.broadcast %broadcast_in_dim3A_166 : f32 to vector<16xf32>
      %swap3A_168 = arith.index_cast %scan3A_118 : i32 to index
      %swap3A_169 = arith.constant 112 : index
      %swap3A_170 = tpu.vector_load %arg8[%swap3A_168, %swap3A_169] {strides = array<i32>} : memref<128x128xf32, #tpu.memory_space<vmem>>, vector<1x16xf32>,
      %swap3A_171 = vector.shape_cast %swap3A_170 : vector<1x16xf32> to vector<16xf32>
      %swap3A_172 = vector.shape_cast %broadcast_in_dim3A_167 : vector<16xf32> to vector<1x16xf32>
      tpu.vector_store %arg8[%swap3A_168, %swap3A_169], %swap3A_172 {strides = array<i32>} : memref<128x128xf32, #tpu.memory_space<vmem>>, vector<1x16xf32>,
    }
    %scan3A_5 = arith.constant 128 : i32
    %mul3A_6 = arith.constant 640 : i32
    %mul3A_7 = arith.muli %arg1, %mul3A_6 : i32
    %add3A_8 = arith.constant 0 : i32
    %add3A_9 = arith.addi %mul3A_7, %add3A_8 : i32
    %dma_start3A = arith.constant 0 : i32
    %dma_start3A_10 = tpu.memref_slice %arg10[%add3A_9, %dma_start3A] : memref<10240x128xf32, #tpu.memory_space<vmem_shared>> -> memref<128x128xf32, #tpu.memory_space<vmem_shared>>
    %dma_start3A_11 = arith.constant 0 : i32
    %dma_start3A_12 = tpu.memref_slice %arg10[%add3A_9, %dma_start3A_11] : memref<10240x128xf32, #tpu.memory_space<vmem_shared>> -> memref<128x128xf32, #tpu.memory_space<vmem_shared>>
    tpu.enqueue_dma source(%arg8 : memref<128x128xf32, #tpu.memory_space<vmem>>) target(%dma_start3A_12 : memref<128x128xf32, #tpu.memory_space<vmem_shared>>) target_semaphore(%arg11 : memref<!tpu.dma_semaphore, #tpu.memory_space<semaphore_mem>>)
    %mul3A_13 = arith.constant 640 : i32
    %mul3A_14 = arith.muli %arg1, %mul3A_13 : i32
    %add3A_15 = arith.constant 128 : i32
    %add3A_16 = arith.addi %mul3A_14, %add3A_15 : i32
    %dma_start3A_17 = arith.constant 0 : i32
    %dma_start3A_18 = tpu.memref_slice %arg10[%add3A_16, %dma_start3A_17] : memref<10240x128xf32, #tpu.memory_space<vmem_shared>> -> memref<128x128xf32, #tpu.memory_space<vmem_shared>>
    %dma_start3A_19 = arith.constant 0 : i32
    %dma_start3A_20 = tpu.memref_slice %arg10[%add3A_16, %dma_start3A_19] : memref<10240x128xf32, #tpu.memory_space<vmem_shared>> -> memref<128x128xf32, #tpu.memory_space<vmem_shared>>
    tpu.enqueue_dma source(%arg8 : memref<128x128xf32, #tpu.memory_space<vmem>>) target(%dma_start3A_20 : memref<128x128xf32, #tpu.memory_space<vmem_shared>>) target_semaphore(%arg11 : memref<!tpu.dma_semaphore, #tpu.memory_space<semaphore_mem>>)
    %mul3A_21 = arith.constant 640 : i32
    %mul3A_22 = arith.muli %arg1, %mul3A_21 : i32
    %add3A_23 = arith.constant 256 : i32
    %add3A_24 = arith.addi %mul3A_22, %add3A_23 : i32
    %dma_start3A_25 = arith.constant 0 : i32
    %dma_start3A_26 = tpu.memref_slice %arg10[%add3A_24, %dma_start3A_25] : memref<10240x128xf32, #tpu.memory_space<vmem_shared>> -> memref<128x128xf32, #tpu.memory_space<vmem_shared>>
    %dma_start3A_27 = arith.constant 0 : i32
    %dma_start3A_28 = tpu.memref_slice %arg10[%add3A_24, %dma_start3A_27] : memref<10240x128xf32, #tpu.memory_space<vmem_shared>> -> memref<128x128xf32, #tpu.memory_space<vmem_shared>>
    tpu.enqueue_dma source(%arg8 : memref<128x128xf32, #tpu.memory_space<vmem>>) target(%dma_start3A_28 : memref<128x128xf32, #tpu.memory_space<vmem_shared>>) target_semaphore(%arg11 : memref<!tpu.dma_semaphore, #tpu.memory_space<semaphore_mem>>)
    %mul3A_29 = arith.constant 640 : i32
    %mul3A_30 = arith.muli %arg1, %mul3A_29 : i32
    %add3A_31 = arith.constant 384 : i32
    %add3A_32 = arith.addi %mul3A_30, %add3A_31 : i32
    %dma_start3A_33 = arith.constant 0 : i32
    %dma_start3A_34 = tpu.memref_slice %arg10[%add3A_32, %dma_start3A_33] : memref<10240x128xf32, #tpu.memory_space<vmem_shared>> -> memref<128x128xf32, #tpu.memory_space<vmem_shared>>
    %dma_start3A_35 = arith.constant 0 : i32
    %dma_start3A_36 = tpu.memref_slice %arg10[%add3A_32, %dma_start3A_35] : memref<10240x128xf32, #tpu.memory_space<vmem_shared>> -> memref<128x128xf32, #tpu.memory_space<vmem_shared>>
    tpu.enqueue_dma source(%arg8 : memref<128x128xf32, #tpu.memory_space<vmem>>) target(%dma_start3A_36 : memref<128x128xf32, #tpu.memory_space<vmem_shared>>) target_semaphore(%arg11 : memref<!tpu.dma_semaphore, #tpu.memory_space<semaphore_mem>>)
    %mul3A_37 = arith.constant 640 : i32
    %mul3A_38 = arith.muli %arg1, %mul3A_37 : i32
    %add3A_39 = arith.constant 512 : i32
    %add3A_40 = arith.addi %mul3A_38, %add3A_39 : i32
    %dma_start3A_41 = arith.constant 0 : i32
    %dma_start3A_42 = tpu.memref_slice %arg10[%add3A_40, %dma_start3A_41] : memref<10240x128xf32, #tpu.memory_space<vmem_shared>> -> memref<128x128xf32, #tpu.memory_space<vmem_shared>>
    %dma_start3A_43 = arith.constant 0 : i32
    %dma_start3A_44 = tpu.memref_slice %arg10[%add3A_40, %dma_start3A_43] : memref<10240x128xf32, #tpu.memory_space<vmem_shared>> -> memref<128x128xf32, #tpu.memory_space<vmem_shared>>
    tpu.enqueue_dma source(%arg8 : memref<128x128xf32, #tpu.memory_space<vmem>>) target(%dma_start3A_44 : memref<128x128xf32, #tpu.memory_space<vmem_shared>>) target_semaphore(%arg11 : memref<!tpu.dma_semaphore, #tpu.memory_space<semaphore_mem>>)
    %mul3A_45 = arith.constant 640 : i32
    %mul3A_46 = arith.muli %arg1, %mul3A_45 : i32
    %add3A_47 = arith.constant 0 : i32
    %add3A_48 = arith.addi %mul3A_46, %add3A_47 : i32
    %dma_wait3A = arith.constant 0 : i32
    %dma_wait3A_49 = tpu.memref_slice %arg10[%add3A_48, %dma_wait3A] : memref<10240x128xf32, #tpu.memory_space<vmem_shared>> -> memref<128x128xf32, #tpu.memory_space<vmem_shared>>
    %dma_wait3A_50 = arith.constant 0 : i32
    %dma_wait3A_51 = tpu.memref_slice %arg10[%add3A_48, %dma_wait3A_50] : memref<10240x128xf32, #tpu.memory_space<vmem_shared>> -> memref<128x128xf32, #tpu.memory_space<vmem_shared>>
    tpu.wait_dma2 semaphore(%arg11 : memref<!tpu.dma_semaphore, #tpu.memory_space<semaphore_mem>>) src(%arg8 : memref<128x128xf32, #tpu.memory_space<vmem>>) dst(%dma_wait3A_51 : memref<128x128xf32, #tpu.memory_space<vmem_shared>>)
    %mul3A_52 = arith.constant 640 : i32
    %mul3A_53 = arith.muli %arg1, %mul3A_52 : i32
    %add3A_54 = arith.constant 128 : i32
    %add3A_55 = arith.addi %mul3A_53, %add3A_54 : i32
    %dma_wait3A_56 = arith.constant 0 : i32
    %dma_wait3A_57 = tpu.memref_slice %arg10[%add3A_55, %dma_wait3A_56] : memref<10240x128xf32, #tpu.memory_space<vmem_shared>> -> memref<128x128xf32, #tpu.memory_space<vmem_shared>>
    %dma_wait3A_58 = arith.constant 0 : i32
    %dma_wait3A_59 = tpu.memref_slice %arg10[%add3A_55, %dma_wait3A_58] : memref<10240x128xf32, #tpu.memory_space<vmem_shared>> -> memref<128x128xf32, #tpu.memory_space<vmem_shared>>
    tpu.wait_dma2 semaphore(%arg11 : memref<!tpu.dma_semaphore, #tpu.memory_space<semaphore_mem>>) src(%arg8 : memref<128x128xf32, #tpu.memory_space<vmem>>) dst(%dma_wait3A_59 : memref<128x128xf32, #tpu.memory_space<vmem_shared>>)
    %mul3A_60 = arith.constant 640 : i32
    %mul3A_61 = arith.muli %arg1, %mul3A_60 : i32
    %add3A_62 = arith.constant 256 : i32
    %add3A_63 = arith.addi %mul3A_61, %add3A_62 : i32
    %dma_wait3A_64 = arith.constant 0 : i32
    %dma_wait3A_65 = tpu.memref_slice %arg10[%add3A_63, %dma_wait3A_64] : memref<10240x128xf32, #tpu.memory_space<vmem_shared>> -> memref<128x128xf32, #tpu.memory_space<vmem_shared>>
    %dma_wait3A_66 = arith.constant 0 : i32
    %dma_wait3A_67 = tpu.memref_slice %arg10[%add3A_63, %dma_wait3A_66] : memref<10240x128xf32, #tpu.memory_space<vmem_shared>> -> memref<128x128xf32, #tpu.memory_space<vmem_shared>>
    tpu.wait_dma2 semaphore(%arg11 : memref<!tpu.dma_semaphore, #tpu.memory_space<semaphore_mem>>) src(%arg8 : memref<128x128xf32, #tpu.memory_space<vmem>>) dst(%dma_wait3A_67 : memref<128x128xf32, #tpu.memory_space<vmem_shared>>)
    %mul3A_68 = arith.constant 640 : i32
    %mul3A_69 = arith.muli %arg1, %mul3A_68 : i32
    %add3A_70 = arith.constant 384 : i32
    %add3A_71 = arith.addi %mul3A_69, %add3A_70 : i32
    %dma_wait3A_72 = arith.constant 0 : i32
    %dma_wait3A_73 = tpu.memref_slice %arg10[%add3A_71, %dma_wait3A_72] : memref<10240x128xf32, #tpu.memory_space<vmem_shared>> -> memref<128x128xf32, #tpu.memory_space<vmem_shared>>
    %dma_wait3A_74 = arith.constant 0 : i32
    %dma_wait3A_75 = tpu.memref_slice %arg10[%add3A_71, %dma_wait3A_74] : memref<10240x128xf32, #tpu.memory_space<vmem_shared>> -> memref<128x128xf32, #tpu.memory_space<vmem_shared>>
    tpu.wait_dma2 semaphore(%arg11 : memref<!tpu.dma_semaphore, #tpu.memory_space<semaphore_mem>>) src(%arg8 : memref<128x128xf32, #tpu.memory_space<vmem>>) dst(%dma_wait3A_75 : memref<128x128xf32, #tpu.memory_space<vmem_shared>>)
    %mul3A_76 = arith.constant 640 : i32
    %mul3A_77 = arith.muli %arg1, %mul3A_76 : i32
    %add3A_78 = arith.constant 512 : i32
    %add3A_79 = arith.addi %mul3A_77, %add3A_78 : i32
    %dma_wait3A_80 = arith.constant 0 : i32
    %dma_wait3A_81 = tpu.memref_slice %arg10[%add3A_79, %dma_wait3A_80] : memref<10240x128xf32, #tpu.memory_space<vmem_shared>> -> memref<128x128xf32, #tpu.memory_space<vmem_shared>>
    %dma_wait3A_82 = arith.constant 0 : i32
    %dma_wait3A_83 = tpu.memref_slice %arg10[%add3A_79, %dma_wait3A_82] : memref<10240x128xf32, #tpu.memory_space<vmem_shared>> -> memref<128x128xf32, #tpu.memory_space<vmem_shared>>
    tpu.wait_dma2 semaphore(%arg11 : memref<!tpu.dma_semaphore, #tpu.memory_space<semaphore_mem>>) src(%arg8 : memref<128x128xf32, #tpu.memory_space<vmem>>) dst(%dma_wait3A_83 : memref<128x128xf32, #tpu.memory_space<vmem_shared>>)
    %barrier3A = arith.constant 0 : index
    tpu.barrier barrier_id(%barrier3A)
    "tpu.region"() ({
      %run_scoped3A = tpu.sem_alloc : memref<!tpu.dma_semaphore, #tpu.memory_space<semaphore_mem>>
      %dma_start3A_118 = arith.constant 0 : i32
      %dma_start3A_119 = arith.constant 0 : i32
      %dma_start3A_120 = tpu.memref_slice %arg3[%add3A, %dma_start3A_118, %dma_start3A_119] : memref<32x80x128xi32, #tpu.memory_space<hbm>> -> memref<1x40x128xi32, #tpu.memory_space<hbm>>
      %dma_start3A_121 = tpu.memref_squeeze %dma_start3A_120 : memref<1x40x128xi32, #tpu.memory_space<hbm>> -> memref<40x128xi32, #tpu.memory_space<hbm>>
      %dma_start3A_122 = arith.constant 0 : i32
      %dma_start3A_123 = arith.constant 0 : i32
      %dma_start3A_124 = tpu.memref_slice %arg3[%add3A, %dma_start3A_122, %dma_start3A_123] : memref<32x80x128xi32, #tpu.memory_space<hbm>> -> memref<1x40x128xi32, #tpu.memory_space<hbm>>
      %dma_start3A_125 = tpu.memref_squeeze %dma_start3A_124 : memref<1x40x128xi32, #tpu.memory_space<hbm>> -> memref<40x128xi32, #tpu.memory_space<hbm>>
      tpu.enqueue_dma source(%dma_start3A_125 : memref<40x128xi32, #tpu.memory_space<hbm>>) target(%arg6 : memref<40x128xi32, #tpu.memory_space<vmem>>) target_semaphore(%run_scoped3A : memref<!tpu.dma_semaphore, #tpu.memory_space<semaphore_mem>>)
      %dma_wait3A_126 = arith.constant 0 : i32
      %dma_wait3A_127 = arith.constant 0 : i32
      %dma_wait3A_128 = tpu.memref_slice %arg3[%add3A, %dma_wait3A_126, %dma_wait3A_127] : memref<32x80x128xi32, #tpu.memory_space<hbm>> -> memref<1x40x128xi32, #tpu.memory_space<hbm>>
      %dma_wait3A_129 = tpu.memref_squeeze %dma_wait3A_128 : memref<1x40x128xi32, #tpu.memory_space<hbm>> -> memref<40x128xi32, #tpu.memory_space<hbm>>
      %dma_wait3A_130 = arith.constant 0 : i32
      %dma_wait3A_131 = arith.constant 0 : i32
      %dma_wait3A_132 = tpu.memref_slice %arg3[%add3A, %dma_wait3A_130, %dma_wait3A_131] : memref<32x80x128xi32, #tpu.memory_space<hbm>> -> memref<1x40x128xi32, #tpu.memory_space<hbm>>
      %dma_wait3A_133 = tpu.memref_squeeze %dma_wait3A_132 : memref<1x40x128xi32, #tpu.memory_space<hbm>> -> memref<40x128xi32, #tpu.memory_space<hbm>>
      tpu.wait_dma2 semaphore(%run_scoped3A : memref<!tpu.dma_semaphore, #tpu.memory_space<semaphore_mem>>) src(%dma_wait3A_133 : memref<40x128xi32, #tpu.memory_space<hbm>>) dst(%arg6 : memref<40x128xi32, #tpu.memory_space<vmem>>)
      tpu.yield
    }) : () -> ()
    "tpu.region"() ({
      %run_scoped3A = tpu.sem_alloc : memref<!tpu.dma_semaphore, #tpu.memory_space<semaphore_mem>>
      %dma_start3A_118 = arith.constant 0 : i32
      %dma_start3A_119 = arith.constant 0 : i32
      %dma_start3A_120 = tpu.memref_slice %arg4[%add3A, %dma_start3A_118, %dma_start3A_119] : memref<32x80x128xi32, #tpu.memory_space<hbm>> -> memref<1x40x128xi32, #tpu.memory_space<hbm>>
      %dma_start3A_121 = tpu.memref_squeeze %dma_start3A_120 : memref<1x40x128xi32, #tpu.memory_space<hbm>> -> memref<40x128xi32, #tpu.memory_space<hbm>>
      %dma_start3A_122 = arith.constant 0 : i32
      %dma_start3A_123 = arith.constant 0 : i32
      %dma_start3A_124 = tpu.memref_slice %arg4[%add3A, %dma_start3A_122, %dma_start3A_123] : memref<32x80x128xi32, #tpu.memory_space<hbm>> -> memref<1x40x128xi32, #tpu.memory_space<hbm>>
      %dma_start3A_125 = tpu.memref_squeeze %dma_start3A_124 : memref<1x40x128xi32, #tpu.memory_space<hbm>> -> memref<40x128xi32, #tpu.memory_space<hbm>>
      tpu.enqueue_dma source(%dma_start3A_125 : memref<40x128xi32, #tpu.memory_space<hbm>>) target(%arg7 : memref<40x128xi32, #tpu.memory_space<vmem>>) target_semaphore(%run_scoped3A : memref<!tpu.dma_semaphore, #tpu.memory_space<semaphore_mem>>)
      %dma_wait3A_126 = arith.constant 0 : i32
      %dma_wait3A_127 = arith.constant 0 : i32
      %dma_wait3A_128 = tpu.memref_slice %arg4[%add3A, %dma_wait3A_126, %dma_wait3A_127] : memref<32x80x128xi32, #tpu.memory_space<hbm>> -> memref<1x40x128xi32, #tpu.memory_space<hbm>>
      %dma_wait3A_129 = tpu.memref_squeeze %dma_wait3A_128 : memref<1x40x128xi32, #tpu.memory_space<hbm>> -> memref<40x128xi32, #tpu.memory_space<hbm>>
      %dma_wait3A_130 = arith.constant 0 : i32
      %dma_wait3A_131 = arith.constant 0 : i32
      %dma_wait3A_132 = tpu.memref_slice %arg4[%add3A, %dma_wait3A_130, %dma_wait3A_131] : memref<32x80x128xi32, #tpu.memory_space<hbm>> -> memref<1x40x128xi32, #tpu.memory_space<hbm>>
      %dma_wait3A_133 = tpu.memref_squeeze %dma_wait3A_132 : memref<1x40x128xi32, #tpu.memory_space<hbm>> -> memref<40x128xi32, #tpu.memory_space<hbm>>
      tpu.wait_dma2 semaphore(%run_scoped3A : memref<!tpu.dma_semaphore, #tpu.memory_space<semaphore_mem>>) src(%dma_wait3A_133 : memref<40x128xi32, #tpu.memory_space<hbm>>) dst(%arg7 : memref<40x128xi32, #tpu.memory_space<vmem>>)
      tpu.yield
    }) : () -> ()
    %dma_start3A_84 = arith.constant 0 : i32
    %dma_start3A_85 = arith.constant 0 : i32
    %dma_start3A_86 = tpu.memref_slice %arg6[%dma_start3A_84, %dma_start3A_85] : memref<40x128xi32, #tpu.memory_space<vmem>> -> memref<1x128xi32, #tpu.memory_space<vmem>>
    %dma_start3A_87 = tpu.memref_squeeze %dma_start3A_86 : memref<1x128xi32, #tpu.memory_space<vmem>> -> memref<128xi32, #tpu.memory_space<vmem>>
    %dma_start3A_88 = arith.constant 0 : i32
    %dma_start3A_89 = arith.constant 0 : i32
    %dma_start3A_90 = tpu.memref_slice %arg2[%dma_start3A_88, %dma_start3A_89] : memref<10240x128xf32, #tpu.memory_space<hbm>> -> memref<10240x128xf32, #tpu.memory_space<hbm>>
    tpu.enqueue_indirect_dma source(%dma_start3A_90 : memref<10240x128xf32, #tpu.memory_space<hbm>>) target(%arg8 : memref<128x128xf32, #tpu.memory_space<vmem>>) offsets(%dma_start3A_87 : memref<128xi32, #tpu.memory_space<vmem>>) semaphore(%arg11 : memref<!tpu.dma_semaphore, #tpu.memory_space<semaphore_mem>>)
    %scan3A_91 = arith.constant 0 : i32
    %scan3A_92 = arith.constant 0 : i32
    %scan3A_93 = arith.constant 20 : i32
    %scan3A_94 = arith.addi %scan3A_92, %scan3A_93 : i32
    %scan3A_95 = arith.constant 1 : i32
    scf.for %scan3A_118 = %scan3A_92 to %scan3A_94 step %scan3A_95  : i32 {
      %mul3A_119 = arith.constant 2 : i32
      %mul3A_120 = arith.muli %mul3A_119, %scan3A_118 : i32
      %dma_wait3A_121 = arith.constant 0 : i32
      %dma_wait3A_122 = tpu.memref_slice %arg6[%mul3A_120, %dma_wait3A_121] : memref<40x128xi32, #tpu.memory_space<vmem>> -> memref<1x128xi32, #tpu.memory_space<vmem>>
      %dma_wait3A_123 = tpu.memref_squeeze %dma_wait3A_122 : memref<1x128xi32, #tpu.memory_space<vmem>> -> memref<128xi32, #tpu.memory_space<vmem>>
      %dma_wait3A_124 = arith.constant 0 : i32
      %dma_wait3A_125 = arith.constant 0 : i32
      %dma_wait3A_126 = tpu.memref_slice %arg2[%dma_wait3A_124, %dma_wait3A_125] : memref<10240x128xf32, #tpu.memory_space<hbm>> -> memref<10240x128xf32, #tpu.memory_space<hbm>>
      tpu.wait_indirect_dma semaphore(%arg11 : memref<!tpu.dma_semaphore, #tpu.memory_space<semaphore_mem>>) src(%dma_wait3A_126 : memref<10240x128xf32, #tpu.memory_space<hbm>>) dst(%arg8 : memref<128x128xf32, #tpu.memory_space<vmem>>)
      %add3A_127 = arith.constant 1 : i32
      %add3A_128 = arith.addi %mul3A_120, %add3A_127 : i32
      %dma_start3A_129 = arith.constant 0 : i32
      %dma_start3A_130 = tpu.memref_slice %arg6[%add3A_128, %dma_start3A_129] : memref<40x128xi32, #tpu.memory_space<vmem>> -> memref<1x128xi32, #tpu.memory_space<vmem>>
      %dma_start3A_131 = tpu.memref_squeeze %dma_start3A_130 : memref<1x128xi32, #tpu.memory_space<vmem>> -> memref<128xi32, #tpu.memory_space<vmem>>
      %dma_start3A_132 = arith.constant 0 : i32
      %dma_start3A_133 = arith.constant 0 : i32
      %dma_start3A_134 = tpu.memref_slice %arg2[%dma_start3A_132, %dma_start3A_133] : memref<10240x128xf32, #tpu.memory_space<hbm>> -> memref<10240x128xf32, #tpu.memory_space<hbm>>
      tpu.enqueue_indirect_dma source(%dma_start3A_134 : memref<10240x128xf32, #tpu.memory_space<hbm>>) target(%arg9 : memref<128x128xf32, #tpu.memory_space<vmem>>) offsets(%dma_start3A_131 : memref<128xi32, #tpu.memory_space<vmem>>) semaphore(%arg12 : memref<!tpu.dma_semaphore, #tpu.memory_space<semaphore_mem>>)
      "tpu.region"() ({
        %run_scoped3A = tpu.sem_alloc : memref<!tpu.dma_semaphore, #tpu.memory_space<semaphore_mem>>
        %dma_start3A_149 = arith.constant 0 : i32
        %dma_start3A_150 = tpu.memref_slice %arg7[%mul3A_120, %dma_start3A_149] : memref<40x128xi32, #tpu.memory_space<vmem>> -> memref<1x128xi32, #tpu.memory_space<vmem>>
        %dma_start3A_151 = tpu.memref_squeeze %dma_start3A_150 : memref<1x128xi32, #tpu.memory_space<vmem>> -> memref<128xi32, #tpu.memory_space<vmem>>
        %dma_start3A_152 = arith.constant 0 : i32
        %dma_start3A_153 = arith.constant 0 : i32
        %dma_start3A_154 = tpu.memref_slice %arg10[%dma_start3A_152, %dma_start3A_153] : memref<10240x128xf32, #tpu.memory_space<vmem_shared>> -> memref<10240x128xf32, #tpu.memory_space<vmem_shared>>
        tpu.enqueue_indirect_dma source(%arg8 : memref<128x128xf32, #tpu.memory_space<vmem>>) target(%dma_start3A_154 : memref<10240x128xf32, #tpu.memory_space<vmem_shared>>) offsets(%dma_start3A_151 : memref<128xi32, #tpu.memory_space<vmem>>) semaphore(%run_scoped3A : memref<!tpu.dma_semaphore, #tpu.memory_space<semaphore_mem>>) {add = true}
        %dma_wait3A_155 = arith.constant 0 : i32
        %dma_wait3A_156 = tpu.memref_slice %arg7[%mul3A_120, %dma_wait3A_155] : memref<40x128xi32, #tpu.memory_space<vmem>> -> memref<1x128xi32, #tpu.memory_space<vmem>>
        %dma_wait3A_157 = tpu.memref_squeeze %dma_wait3A_156 : memref<1x128xi32, #tpu.memory_space<vmem>> -> memref<128xi32, #tpu.memory_space<vmem>>
        %dma_wait3A_158 = arith.constant 0 : i32
        %dma_wait3A_159 = arith.constant 0 : i32
        %dma_wait3A_160 = tpu.memref_slice %arg10[%dma_wait3A_158, %dma_wait3A_159] : memref<10240x128xf32, #tpu.memory_space<vmem_shared>> -> memref<10240x128xf32, #tpu.memory_space<vmem_shared>>
        tpu.wait_indirect_dma semaphore(%run_scoped3A : memref<!tpu.dma_semaphore, #tpu.memory_space<semaphore_mem>>) src(%arg8 : memref<128x128xf32, #tpu.memory_space<vmem>>) dst(%dma_wait3A_160 : memref<10240x128xf32, #tpu.memory_space<vmem_shared>>)
        tpu.yield
      }) : () -> ()
      %add3A_135 = arith.constant 1 : i32
      %add3A_136 = arith.addi %mul3A_120, %add3A_135 : i32
      %dma_wait3A_137 = arith.constant 0 : i32
      %dma_wait3A_138 = tpu.memref_slice %arg6[%add3A_136, %dma_wait3A_137] : memref<40x128xi32, #tpu.memory_space<vmem>> -> memref<1x128xi32, #tpu.memory_space<vmem>>
      %dma_wait3A_139 = tpu.memref_squeeze %dma_wait3A_138 : memref<1x128xi32, #tpu.memory_space<vmem>> -> memref<128xi32, #tpu.memory_space<vmem>>
      %dma_wait3A_140 = arith.constant 0 : i32
      %dma_wait3A_141 = arith.constant 0 : i32
      %dma_wait3A_142 = tpu.memref_slice %arg2[%dma_wait3A_140, %dma_wait3A_141] : memref<10240x128xf32, #tpu.memory_space<hbm>> -> memref<10240x128xf32, #tpu.memory_space<hbm>>
      tpu.wait_indirect_dma semaphore(%arg12 : memref<!tpu.dma_semaphore, #tpu.memory_space<semaphore_mem>>) src(%dma_wait3A_142 : memref<10240x128xf32, #tpu.memory_space<hbm>>) dst(%arg9 : memref<128x128xf32, #tpu.memory_space<vmem>>)
      %add3A_143 = arith.constant 2 : i32
      %add3A_144 = arith.addi %mul3A_120, %add3A_143 : i32
      %lt3A = arith.constant 40 : i32
      %lt3A_145 = arith.cmpi slt, %add3A_144, %lt3A : i32
      %convert_element_type3A = arith.extui %lt3A_145 : i1 to i32
      %cond3A = arith.constant 0 : i32
      %cond3A_146 = arith.cmpi ne, %convert_element_type3A, %cond3A : i32
      scf.if %cond3A_146 {
        %add3A_149 = arith.constant 2 : i32
        %add3A_150 = arith.addi %mul3A_120, %add3A_149 : i32
        %dma_start3A_151 = arith.constant 0 : i32
        %dma_start3A_152 = tpu.memref_slice %arg6[%add3A_150, %dma_start3A_151] : memref<40x128xi32, #tpu.memory_space<vmem>> -> memref<1x128xi32, #tpu.memory_space<vmem>>
        %dma_start3A_153 = tpu.memref_squeeze %dma_start3A_152 : memref<1x128xi32, #tpu.memory_space<vmem>> -> memref<128xi32, #tpu.memory_space<vmem>>
        %dma_start3A_154 = arith.constant 0 : i32
        %dma_start3A_155 = arith.constant 0 : i32
        %dma_start3A_156 = tpu.memref_slice %arg2[%dma_start3A_154, %dma_start3A_155] : memref<10240x128xf32, #tpu.memory_space<hbm>> -> memref<10240x128xf32, #tpu.memory_space<hbm>>
        tpu.enqueue_indirect_dma source(%dma_start3A_156 : memref<10240x128xf32, #tpu.memory_space<hbm>>) target(%arg8 : memref<128x128xf32, #tpu.memory_space<vmem>>) offsets(%dma_start3A_153 : memref<128xi32, #tpu.memory_space<vmem>>) semaphore(%arg11 : memref<!tpu.dma_semaphore, #tpu.memory_space<semaphore_mem>>)
      } else {
      }
      %add3A_147 = arith.constant 1 : i32
      %add3A_148 = arith.addi %mul3A_120, %add3A_147 : i32
      "tpu.region"() ({
        %run_scoped3A = tpu.sem_alloc : memref<!tpu.dma_semaphore, #tpu.memory_space<semaphore_mem>>
        %dma_start3A_149 = arith.constant 0 : i32
        %dma_start3A_150 = tpu.memref_slice %arg7[%add3A_148, %dma_start3A_149] : memref<40x128xi32, #tpu.memory_space<vmem>> -> memref<1x128xi32, #tpu.memory_space<vmem>>
        %dma_start3A_151 = tpu.memref_squeeze %dma_start3A_150 : memref<1x128xi32, #tpu.memory_space<vmem>> -> memref<128xi32, #tpu.memory_space<vmem>>
        %dma_start3A_152 = arith.constant 0 : i32
        %dma_start3A_153 = arith.constant 0 : i32
        %dma_start3A_154 = tpu.memref_slice %arg10[%dma_start3A_152, %dma_start3A_153] : memref<10240x128xf32, #tpu.memory_space<vmem_shared>> -> memref<10240x128xf32, #tpu.memory_space<vmem_shared>>
        tpu.enqueue_indirect_dma source(%arg9 : memref<128x128xf32, #tpu.memory_space<vmem>>) target(%dma_start3A_154 : memref<10240x128xf32, #tpu.memory_space<vmem_shared>>) offsets(%dma_start3A_151 : memref<128xi32, #tpu.memory_space<vmem>>) semaphore(%run_scoped3A : memref<!tpu.dma_semaphore, #tpu.memory_space<semaphore_mem>>) {add = true}
        %dma_wait3A_155 = arith.constant 0 : i32
        %dma_wait3A_156 = tpu.memref_slice %arg7[%add3A_148, %dma_wait3A_155] : memref<40x128xi32, #tpu.memory_space<vmem>> -> memref<1x128xi32, #tpu.memory_space<vmem>>
        %dma_wait3A_157 = tpu.memref_squeeze %dma_wait3A_156 : memref<1x128xi32, #tpu.memory_space<vmem>> -> memref<128xi32, #tpu.memory_space<vmem>>
        %dma_wait3A_158 = arith.constant 0 : i32
        %dma_wait3A_159 = arith.constant 0 : i32
        %dma_wait3A_160 = tpu.memref_slice %arg10[%dma_wait3A_158, %dma_wait3A_159] : memref<10240x128xf32, #tpu.memory_space<vmem_shared>> -> memref<10240x128xf32, #tpu.memory_space<vmem_shared>>
        tpu.wait_indirect_dma semaphore(%run_scoped3A : memref<!tpu.dma_semaphore, #tpu.memory_space<semaphore_mem>>) src(%arg9 : memref<128x128xf32, #tpu.memory_space<vmem>>) dst(%dma_wait3A_160 : memref<10240x128xf32, #tpu.memory_space<vmem_shared>>)
        tpu.yield
      }) : () -> ()
    }
    %scan3A_96 = arith.constant 20 : i32
    "tpu.region"() ({
      %run_scoped3A = tpu.sem_alloc : memref<!tpu.dma_semaphore, #tpu.memory_space<semaphore_mem>>
      %dma_start3A_118 = arith.constant 40 : i32
      %dma_start3A_119 = arith.constant 0 : i32
      %dma_start3A_120 = tpu.memref_slice %arg3[%add3A, %dma_start3A_118, %dma_start3A_119] : memref<32x80x128xi32, #tpu.memory_space<hbm>> -> memref<1x40x128xi32, #tpu.memory_space<hbm>>
      %dma_start3A_121 = tpu.memref_squeeze %dma_start3A_120 : memref<1x40x128xi32, #tpu.memory_space<hbm>> -> memref<40x128xi32, #tpu.memory_space<hbm>>
      %dma_start3A_122 = arith.constant 40 : i32
      %dma_start3A_123 = arith.constant 0 : i32
      %dma_start3A_124 = tpu.memref_slice %arg3[%add3A, %dma_start3A_122, %dma_start3A_123] : memref<32x80x128xi32, #tpu.memory_space<hbm>> -> memref<1x40x128xi32, #tpu.memory_space<hbm>>
      %dma_start3A_125 = tpu.memref_squeeze %dma_start3A_124 : memref<1x40x128xi32, #tpu.memory_space<hbm>> -> memref<40x128xi32, #tpu.memory_space<hbm>>
      tpu.enqueue_dma source(%dma_start3A_125 : memref<40x128xi32, #tpu.memory_space<hbm>>) target(%arg6 : memref<40x128xi32, #tpu.memory_space<vmem>>) target_semaphore(%run_scoped3A : memref<!tpu.dma_semaphore, #tpu.memory_space<semaphore_mem>>)
      %dma_wait3A_126 = arith.constant 40 : i32
      %dma_wait3A_127 = arith.constant 0 : i32
      %dma_wait3A_128 = tpu.memref_slice %arg3[%add3A, %dma_wait3A_126, %dma_wait3A_127] : memref<32x80x128xi32, #tpu.memory_space<hbm>> -> memref<1x40x128xi32, #tpu.memory_space<hbm>>
      %dma_wait3A_129 = tpu.memref_squeeze %dma_wait3A_128 : memref<1x40x128xi32, #tpu.memory_space<hbm>> -> memref<40x128xi32, #tpu.memory_space<hbm>>
      %dma_wait3A_130 = arith.constant 40 : i32
      %dma_wait3A_131 = arith.constant 0 : i32
      %dma_wait3A_132 = tpu.memref_slice %arg3[%add3A, %dma_wait3A_130, %dma_wait3A_131] : memref<32x80x128xi32, #tpu.memory_space<hbm>> -> memref<1x40x128xi32, #tpu.memory_space<hbm>>
      %dma_wait3A_133 = tpu.memref_squeeze %dma_wait3A_132 : memref<1x40x128xi32, #tpu.memory_space<hbm>> -> memref<40x128xi32, #tpu.memory_space<hbm>>
      tpu.wait_dma2 semaphore(%run_scoped3A : memref<!tpu.dma_semaphore, #tpu.memory_space<semaphore_mem>>) src(%dma_wait3A_133 : memref<40x128xi32, #tpu.memory_space<hbm>>) dst(%arg6 : memref<40x128xi32, #tpu.memory_space<vmem>>)
      tpu.yield
    }) : () -> ()
    "tpu.region"() ({
      %run_scoped3A = tpu.sem_alloc : memref<!tpu.dma_semaphore, #tpu.memory_space<semaphore_mem>>
      %dma_start3A_118 = arith.constant 40 : i32
      %dma_start3A_119 = arith.constant 0 : i32
      %dma_start3A_120 = tpu.memref_slice %arg4[%add3A, %dma_start3A_118, %dma_start3A_119] : memref<32x80x128xi32, #tpu.memory_space<hbm>> -> memref<1x40x128xi32, #tpu.memory_space<hbm>>
      %dma_start3A_121 = tpu.memref_squeeze %dma_start3A_120 : memref<1x40x128xi32, #tpu.memory_space<hbm>> -> memref<40x128xi32, #tpu.memory_space<hbm>>
      %dma_start3A_122 = arith.constant 40 : i32
      %dma_start3A_123 = arith.constant 0 : i32
      %dma_start3A_124 = tpu.memref_slice %arg4[%add3A, %dma_start3A_122, %dma_start3A_123] : memref<32x80x128xi32, #tpu.memory_space<hbm>> -> memref<1x40x128xi32, #tpu.memory_space<hbm>>
      %dma_start3A_125 = tpu.memref_squeeze %dma_start3A_124 : memref<1x40x128xi32, #tpu.memory_space<hbm>> -> memref<40x128xi32, #tpu.memory_space<hbm>>
      tpu.enqueue_dma source(%dma_start3A_125 : memref<40x128xi32, #tpu.memory_space<hbm>>) target(%arg7 : memref<40x128xi32, #tpu.memory_space<vmem>>) target_semaphore(%run_scoped3A : memref<!tpu.dma_semaphore, #tpu.memory_space<semaphore_mem>>)
      %dma_wait3A_126 = arith.constant 40 : i32
      %dma_wait3A_127 = arith.constant 0 : i32
      %dma_wait3A_128 = tpu.memref_slice %arg4[%add3A, %dma_wait3A_126, %dma_wait3A_127] : memref<32x80x128xi32, #tpu.memory_space<hbm>> -> memref<1x40x128xi32, #tpu.memory_space<hbm>>
      %dma_wait3A_129 = tpu.memref_squeeze %dma_wait3A_128 : memref<1x40x128xi32, #tpu.memory_space<hbm>> -> memref<40x128xi32, #tpu.memory_space<hbm>>
      %dma_wait3A_130 = arith.constant 40 : i32
      %dma_wait3A_131 = arith.constant 0 : i32
      %dma_wait3A_132 = tpu.memref_slice %arg4[%add3A, %dma_wait3A_130, %dma_wait3A_131] : memref<32x80x128xi32, #tpu.memory_space<hbm>> -> memref<1x40x128xi32, #tpu.memory_space<hbm>>
      %dma_wait3A_133 = tpu.memref_squeeze %dma_wait3A_132 : memref<1x40x128xi32, #tpu.memory_space<hbm>> -> memref<40x128xi32, #tpu.memory_space<hbm>>
      tpu.wait_dma2 semaphore(%run_scoped3A : memref<!tpu.dma_semaphore, #tpu.memory_space<semaphore_mem>>) src(%dma_wait3A_133 : memref<40x128xi32, #tpu.memory_space<hbm>>) dst(%arg7 : memref<40x128xi32, #tpu.memory_space<vmem>>)
      tpu.yield
    }) : () -> ()
    %dma_start3A_97 = arith.constant 0 : i32
    %dma_start3A_98 = arith.constant 0 : i32
    %dma_start3A_99 = tpu.memref_slice %arg6[%dma_start3A_97, %dma_start3A_98] : memref<40x128xi32, #tpu.memory_space<vmem>> -> memref<1x128xi32, #tpu.memory_space<vmem>>
    %dma_start3A_100 = tpu.memref_squeeze %dma_start3A_99 : memref<1x128xi32, #tpu.memory_space<vmem>> -> memref<128xi32, #tpu.memory_space<vmem>>
    %dma_start3A_101 = arith.constant 0 : i32
    %dma_start3A_102 = arith.constant 0 : i32
    %dma_start3A_103 = tpu.memref_slice %arg2[%dma_start3A_101, %dma_start3A_102] : memref<10240x128xf32, #tpu.memory_space<hbm>> -> memref<10240x128xf32, #tpu.memory_space<hbm>>
    tpu.enqueue_indirect_dma source(%dma_start3A_103 : memref<10240x128xf32, #tpu.memory_space<hbm>>) target(%arg8 : memref<128x128xf32, #tpu.memory_space<vmem>>) offsets(%dma_start3A_100 : memref<128xi32, #tpu.memory_space<vmem>>) semaphore(%arg11 : memref<!tpu.dma_semaphore, #tpu.memory_space<semaphore_mem>>)
    %scan3A_104 = arith.constant 0 : i32
    %scan3A_105 = arith.constant 0 : i32
    %scan3A_106 = arith.constant 20 : i32
    %scan3A_107 = arith.addi %scan3A_105, %scan3A_106 : i32
    %scan3A_108 = arith.constant 1 : i32
    scf.for %scan3A_118 = %scan3A_105 to %scan3A_107 step %scan3A_108  : i32 {
      %mul3A_119 = arith.constant 2 : i32
      %mul3A_120 = arith.muli %mul3A_119, %scan3A_118 : i32
      %dma_wait3A_121 = arith.constant 0 : i32
      %dma_wait3A_122 = tpu.memref_slice %arg6[%mul3A_120, %dma_wait3A_121] : memref<40x128xi32, #tpu.memory_space<vmem>> -> memref<1x128xi32, #tpu.memory_space<vmem>>
      %dma_wait3A_123 = tpu.memref_squeeze %dma_wait3A_122 : memref<1x128xi32, #tpu.memory_space<vmem>> -> memref<128xi32, #tpu.memory_space<vmem>>
      %dma_wait3A_124 = arith.constant 0 : i32
      %dma_wait3A_125 = arith.constant 0 : i32
      %dma_wait3A_126 = tpu.memref_slice %arg2[%dma_wait3A_124, %dma_wait3A_125] : memref<10240x128xf32, #tpu.memory_space<hbm>> -> memref<10240x128xf32, #tpu.memory_space<hbm>>
      tpu.wait_indirect_dma semaphore(%arg11 : memref<!tpu.dma_semaphore, #tpu.memory_space<semaphore_mem>>) src(%dma_wait3A_126 : memref<10240x128xf32, #tpu.memory_space<hbm>>) dst(%arg8 : memref<128x128xf32, #tpu.memory_space<vmem>>)
      %add3A_127 = arith.constant 1 : i32
      %add3A_128 = arith.addi %mul3A_120, %add3A_127 : i32
      %dma_start3A_129 = arith.constant 0 : i32
      %dma_start3A_130 = tpu.memref_slice %arg6[%add3A_128, %dma_start3A_129] : memref<40x128xi32, #tpu.memory_space<vmem>> -> memref<1x128xi32, #tpu.memory_space<vmem>>
      %dma_start3A_131 = tpu.memref_squeeze %dma_start3A_130 : memref<1x128xi32, #tpu.memory_space<vmem>> -> memref<128xi32, #tpu.memory_space<vmem>>
      %dma_start3A_132 = arith.constant 0 : i32
      %dma_start3A_133 = arith.constant 0 : i32
      %dma_start3A_134 = tpu.memref_slice %arg2[%dma_start3A_132, %dma_start3A_133] : memref<10240x128xf32, #tpu.memory_space<hbm>> -> memref<10240x128xf32, #tpu.memory_space<hbm>>
      tpu.enqueue_indirect_dma source(%dma_start3A_134 : memref<10240x128xf32, #tpu.memory_space<hbm>>) target(%arg9 : memref<128x128xf32, #tpu.memory_space<vmem>>) offsets(%dma_start3A_131 : memref<128xi32, #tpu.memory_space<vmem>>) semaphore(%arg12 : memref<!tpu.dma_semaphore, #tpu.memory_space<semaphore_mem>>)
      "tpu.region"() ({
        %run_scoped3A = tpu.sem_alloc : memref<!tpu.dma_semaphore, #tpu.memory_space<semaphore_mem>>
        %dma_start3A_149 = arith.constant 0 : i32
        %dma_start3A_150 = tpu.memref_slice %arg7[%mul3A_120, %dma_start3A_149] : memref<40x128xi32, #tpu.memory_space<vmem>> -> memref<1x128xi32, #tpu.memory_space<vmem>>
        %dma_start3A_151 = tpu.memref_squeeze %dma_start3A_150 : memref<1x128xi32, #tpu.memory_space<vmem>> -> memref<128xi32, #tpu.memory_space<vmem>>
        %dma_start3A_152 = arith.constant 0 : i32
        %dma_start3A_153 = arith.constant 0 : i32
        %dma_start3A_154 = tpu.memref_slice %arg10[%dma_start3A_152, %dma_start3A_153] : memref<10240x128xf32, #tpu.memory_space<vmem_shared>> -> memref<10240x128xf32, #tpu.memory_space<vmem_shared>>
        tpu.enqueue_indirect_dma source(%arg8 : memref<128x128xf32, #tpu.memory_space<vmem>>) target(%dma_start3A_154 : memref<10240x128xf32, #tpu.memory_space<vmem_shared>>) offsets(%dma_start3A_151 : memref<128xi32, #tpu.memory_space<vmem>>) semaphore(%run_scoped3A : memref<!tpu.dma_semaphore, #tpu.memory_space<semaphore_mem>>) {add = true}
        %dma_wait3A_155 = arith.constant 0 : i32
        %dma_wait3A_156 = tpu.memref_slice %arg7[%mul3A_120, %dma_wait3A_155] : memref<40x128xi32, #tpu.memory_space<vmem>> -> memref<1x128xi32, #tpu.memory_space<vmem>>
        %dma_wait3A_157 = tpu.memref_squeeze %dma_wait3A_156 : memref<1x128xi32, #tpu.memory_space<vmem>> -> memref<128xi32, #tpu.memory_space<vmem>>
        %dma_wait3A_158 = arith.constant 0 : i32
        %dma_wait3A_159 = arith.constant 0 : i32
        %dma_wait3A_160 = tpu.memref_slice %arg10[%dma_wait3A_158, %dma_wait3A_159] : memref<10240x128xf32, #tpu.memory_space<vmem_shared>> -> memref<10240x128xf32, #tpu.memory_space<vmem_shared>>
        tpu.wait_indirect_dma semaphore(%run_scoped3A : memref<!tpu.dma_semaphore, #tpu.memory_space<semaphore_mem>>) src(%arg8 : memref<128x128xf32, #tpu.memory_space<vmem>>) dst(%dma_wait3A_160 : memref<10240x128xf32, #tpu.memory_space<vmem_shared>>)
        tpu.yield
      }) : () -> ()
      %add3A_135 = arith.constant 1 : i32
      %add3A_136 = arith.addi %mul3A_120, %add3A_135 : i32
      %dma_wait3A_137 = arith.constant 0 : i32
      %dma_wait3A_138 = tpu.memref_slice %arg6[%add3A_136, %dma_wait3A_137] : memref<40x128xi32, #tpu.memory_space<vmem>> -> memref<1x128xi32, #tpu.memory_space<vmem>>
      %dma_wait3A_139 = tpu.memref_squeeze %dma_wait3A_138 : memref<1x128xi32, #tpu.memory_space<vmem>> -> memref<128xi32, #tpu.memory_space<vmem>>
      %dma_wait3A_140 = arith.constant 0 : i32
      %dma_wait3A_141 = arith.constant 0 : i32
      %dma_wait3A_142 = tpu.memref_slice %arg2[%dma_wait3A_140, %dma_wait3A_141] : memref<10240x128xf32, #tpu.memory_space<hbm>> -> memref<10240x128xf32, #tpu.memory_space<hbm>>
      tpu.wait_indirect_dma semaphore(%arg12 : memref<!tpu.dma_semaphore, #tpu.memory_space<semaphore_mem>>) src(%dma_wait3A_142 : memref<10240x128xf32, #tpu.memory_space<hbm>>) dst(%arg9 : memref<128x128xf32, #tpu.memory_space<vmem>>)
      %add3A_143 = arith.constant 2 : i32
      %add3A_144 = arith.addi %mul3A_120, %add3A_143 : i32
      %lt3A = arith.constant 40 : i32
      %lt3A_145 = arith.cmpi slt, %add3A_144, %lt3A : i32
      %convert_element_type3A = arith.extui %lt3A_145 : i1 to i32
      %cond3A = arith.constant 0 : i32
      %cond3A_146 = arith.cmpi ne, %convert_element_type3A, %cond3A : i32
      scf.if %cond3A_146 {
        %add3A_149 = arith.constant 2 : i32
        %add3A_150 = arith.addi %mul3A_120, %add3A_149 : i32
        %dma_start3A_151 = arith.constant 0 : i32
        %dma_start3A_152 = tpu.memref_slice %arg6[%add3A_150, %dma_start3A_151] : memref<40x128xi32, #tpu.memory_space<vmem>> -> memref<1x128xi32, #tpu.memory_space<vmem>>
        %dma_start3A_153 = tpu.memref_squeeze %dma_start3A_152 : memref<1x128xi32, #tpu.memory_space<vmem>> -> memref<128xi32, #tpu.memory_space<vmem>>
        %dma_start3A_154 = arith.constant 0 : i32
        %dma_start3A_155 = arith.constant 0 : i32
        %dma_start3A_156 = tpu.memref_slice %arg2[%dma_start3A_154, %dma_start3A_155] : memref<10240x128xf32, #tpu.memory_space<hbm>> -> memref<10240x128xf32, #tpu.memory_space<hbm>>
        tpu.enqueue_indirect_dma source(%dma_start3A_156 : memref<10240x128xf32, #tpu.memory_space<hbm>>) target(%arg8 : memref<128x128xf32, #tpu.memory_space<vmem>>) offsets(%dma_start3A_153 : memref<128xi32, #tpu.memory_space<vmem>>) semaphore(%arg11 : memref<!tpu.dma_semaphore, #tpu.memory_space<semaphore_mem>>)
      } else {
      }
      %add3A_147 = arith.constant 1 : i32
      %add3A_148 = arith.addi %mul3A_120, %add3A_147 : i32
      "tpu.region"() ({
        %run_scoped3A = tpu.sem_alloc : memref<!tpu.dma_semaphore, #tpu.memory_space<semaphore_mem>>
        %dma_start3A_149 = arith.constant 0 : i32
        %dma_start3A_150 = tpu.memref_slice %arg7[%add3A_148, %dma_start3A_149] : memref<40x128xi32, #tpu.memory_space<vmem>> -> memref<1x128xi32, #tpu.memory_space<vmem>>
        %dma_start3A_151 = tpu.memref_squeeze %dma_start3A_150 : memref<1x128xi32, #tpu.memory_space<vmem>> -> memref<128xi32, #tpu.memory_space<vmem>>
        %dma_start3A_152 = arith.constant 0 : i32
        %dma_start3A_153 = arith.constant 0 : i32
        %dma_start3A_154 = tpu.memref_slice %arg10[%dma_start3A_152, %dma_start3A_153] : memref<10240x128xf32, #tpu.memory_space<vmem_shared>> -> memref<10240x128xf32, #tpu.memory_space<vmem_shared>>
        tpu.enqueue_indirect_dma source(%arg9 : memref<128x128xf32, #tpu.memory_space<vmem>>) target(%dma_start3A_154 : memref<10240x128xf32, #tpu.memory_space<vmem_shared>>) offsets(%dma_start3A_151 : memref<128xi32, #tpu.memory_space<vmem>>) semaphore(%run_scoped3A : memref<!tpu.dma_semaphore, #tpu.memory_space<semaphore_mem>>) {add = true}
        %dma_wait3A_155 = arith.constant 0 : i32
        %dma_wait3A_156 = tpu.memref_slice %arg7[%add3A_148, %dma_wait3A_155] : memref<40x128xi32, #tpu.memory_space<vmem>> -> memref<1x128xi32, #tpu.memory_space<vmem>>
        %dma_wait3A_157 = tpu.memref_squeeze %dma_wait3A_156 : memref<1x128xi32, #tpu.memory_space<vmem>> -> memref<128xi32, #tpu.memory_space<vmem>>
        %dma_wait3A_158 = arith.constant 0 : i32
        %dma_wait3A_159 = arith.constant 0 : i32
        %dma_wait3A_160 = tpu.memref_slice %arg10[%dma_wait3A_158, %dma_wait3A_159] : memref<10240x128xf32, #tpu.memory_space<vmem_shared>> -> memref<10240x128xf32, #tpu.memory_space<vmem_shared>>
        tpu.wait_indirect_dma semaphore(%run_scoped3A : memref<!tpu.dma_semaphore, #tpu.memory_space<semaphore_mem>>) src(%arg9 : memref<128x128xf32, #tpu.memory_space<vmem>>) dst(%dma_wait3A_160 : memref<10240x128xf32, #tpu.memory_space<vmem_shared>>)
        tpu.yield
      }) : () -> ()
    }
    %scan3A_109 = arith.constant 20 : i32
    %barrier3A_110 = arith.constant 0 : index
    tpu.barrier barrier_id(%barrier3A_110)
    %mul3A_111 = arith.constant 640 : i32
    %mul3A_112 = arith.muli %arg1, %mul3A_111 : i32
    %mul3A_113 = arith.constant 10240 : i32
    %mul3A_114 = arith.muli %arg0, %mul3A_113 : i32
    %mul3A_115 = arith.constant 640 : i32
    %mul3A_116 = arith.muli %arg1, %mul3A_115 : i32
    %add3A_117 = arith.addi %mul3A_114, %mul3A_116 : i32
    "tpu.region"() ({
      %run_scoped3A = tpu.sem_alloc : memref<!tpu.dma_semaphore, #tpu.memory_space<semaphore_mem>>
      %dma_start3A_118 = arith.constant 0 : i32
      %dma_start3A_119 = tpu.memref_slice %arg5[%add3A_117, %dma_start3A_118] : memref<20480x128xf32, #tpu.memory_space<hbm>> -> memref<640x128xf32, #tpu.memory_space<hbm>>
      %dma_start3A_120 = arith.constant 0 : i32
      %dma_start3A_121 = tpu.memref_slice %arg10[%mul3A_112, %dma_start3A_120] : memref<10240x128xf32, #tpu.memory_space<vmem_shared>> -> memref<640x128xf32, #tpu.memory_space<vmem_shared>>
      tpu.enqueue_dma source(%dma_start3A_121 : memref<640x128xf32, #tpu.memory_space<vmem_shared>>) target(%dma_start3A_119 : memref<640x128xf32, #tpu.memory_space<hbm>>) target_semaphore(%run_scoped3A : memref<!tpu.dma_semaphore, #tpu.memory_space<semaphore_mem>>)
      %dma_wait3A_122 = arith.constant 0 : i32
      %dma_wait3A_123 = tpu.memref_slice %arg5[%add3A_117, %dma_wait3A_122] : memref<20480x128xf32, #tpu.memory_space<hbm>> -> memref<640x128xf32, #tpu.memory_space<hbm>>
      %dma_wait3A_124 = arith.constant 0 : i32
      %dma_wait3A_125 = tpu.memref_slice %arg10[%mul3A_112, %dma_wait3A_124] : memref<10240x128xf32, #tpu.memory_space<vmem_shared>> -> memref<640x128xf32, #tpu.memory_space<vmem_shared>>
      tpu.wait_dma2 semaphore(%run_scoped3A : memref<!tpu.dma_semaphore, #tpu.memory_space<semaphore_mem>>) src(%dma_wait3A_125 : memref<640x128xf32, #tpu.memory_space<vmem_shared>>) dst(%dma_wait3A_123 : memref<640x128xf32, #tpu.memory_space<hbm>>)
      tpu.yield
    }) : () -> ()
    return
  }
}

module attributes {stable_mosaic.version = 14 : i64} {
  func.func @_mlp_body(%arg0: i32, %arg1: memref<2048x128xf32, #tpu.memory_space<vmem>>, %arg2: memref<2048x128xf32, #tpu.memory_space<vmem>>, %arg3: memref<2048x128xf32, #tpu.memory_space<vmem>>, %arg4: memref<128x128xf32, #tpu.memory_space<vmem>>, %arg5: memref<1x128xf32, #tpu.memory_space<vmem>>, %arg6: memref<128x128xf32, #tpu.memory_space<vmem>>, %arg7: memref<1x128xf32, #tpu.memory_space<vmem>>, %arg8: memref<2048x128xf32, #tpu.memory_space<vmem>>) attributes {dimension_semantics = [#tpu.dimension_semantics<arbitrary>], iteration_bounds = array<i64: 5>, scalar_prefetch = 0 : i64, scratch_operands = 0 : i64, tpu.core_type = #tpu.core_type<tc>, window_params = [{transform_indices = @transform_0, window_bounds = array<i64: 2048, 128>}, {transform_indices = @transform_1, window_bounds = array<i64: 2048, 128>}, {transform_indices = @transform_2, window_bounds = array<i64: 2048, 128>}, {pipeline_mode = #tpu.pipeline_mode<synchronous>, transform_indices = @transform_3, window_bounds = array<i64: 128, 128>}, {pipeline_mode = #tpu.pipeline_mode<synchronous>, transform_indices = @transform_4, window_bounds = array<i64: 1, 128>}, {pipeline_mode = #tpu.pipeline_mode<synchronous>, transform_indices = @transform_5, window_bounds = array<i64: 128, 128>}, {pipeline_mode = #tpu.pipeline_mode<synchronous>, transform_indices = @transform_6, window_bounds = array<i64: 1, 128>}, {transform_indices = @transform_7, window_bounds = array<i64: 2048, 128>}]} {
    %get3A = arith.constant 0 : index
    %get3A_0 = arith.constant 0 : index
    %get3A_1 = vector.load %arg1[%get3A, %get3A_0] : memref<2048x128xf32, #tpu.memory_space<vmem>>, vector<2048x128xf32>
    %get3A_2 = arith.constant 0 : index
    %get3A_3 = arith.constant 0 : index
    %get3A_4 = vector.load %arg2[%get3A_2, %get3A_3] : memref<2048x128xf32, #tpu.memory_space<vmem>>, vector<2048x128xf32>
    %add3A = arith.addf %get3A_1, %get3A_4 : vector<2048x128xf32>
    %get3A_5 = arith.constant 0 : index
    %get3A_6 = arith.constant 0 : index
    %get3A_7 = vector.load %arg3[%get3A_5, %get3A_6] : memref<2048x128xf32, #tpu.memory_space<vmem>>, vector<2048x128xf32>
    %add3A_8 = arith.addf %add3A, %get3A_7 : vector<2048x128xf32>
    %get3A_9 = arith.constant 0 : index
    %get3A_10 = arith.constant 0 : index
    %get3A_11 = vector.load %arg4[%get3A_9, %get3A_10] : memref<128x128xf32, #tpu.memory_space<vmem>>, vector<128x128xf32>
    %dot_general3A = arith.constant dense<0.000000e+00> : vector<2048x128xf32>
    %dot_general3A_12 = tpu.matmul %add3A_8, %get3A_11, %dot_general3A {dimension_numbers = #tpu.dot_dimension_numbers<[1], [0], [0], [1], [0, 0, 1, 1], [], []>, transpose_lhs_hint = false} : vector<2048x128xf32>, vector<128x128xf32>, vector<2048x128xf32> -> vector<2048x128xf32>
    %get3A_13 = arith.constant 0 : index
    %get3A_14 = arith.constant 0 : index
    %get3A_15 = vector.load %arg5[%get3A_13, %get3A_14] : memref<1x128xf32, #tpu.memory_space<vmem>>, vector<1x128xf32>
    %add3A_16 = vector.broadcast %get3A_15 : vector<1x128xf32> to vector<2048x128xf32>
    %add3A_17 = arith.addf %dot_general3A_12, %add3A_16 : vector<2048x128xf32>
    %max3A = arith.constant 0.000000e+00 : f32
    %max3A_18 = vector.broadcast %max3A : f32 to vector<2048x128xf32>
    %max3A_19 = arith.maximumf %add3A_17, %max3A_18 : vector<2048x128xf32>
    %get3A_20 = arith.constant 0 : index
    %get3A_21 = arith.constant 0 : index
    %get3A_22 = vector.load %arg6[%get3A_20, %get3A_21] : memref<128x128xf32, #tpu.memory_space<vmem>>, vector<128x128xf32>
    %dot_general3A_23 = arith.constant dense<0.000000e+00> : vector<2048x128xf32>
    %dot_general3A_24 = tpu.matmul %max3A_19, %get3A_22, %dot_general3A_23 {dimension_numbers = #tpu.dot_dimension_numbers<[1], [0], [0], [1], [0, 0, 1, 1], [], []>, transpose_lhs_hint = false} : vector<2048x128xf32>, vector<128x128xf32>, vector<2048x128xf32> -> vector<2048x128xf32>
    %get3A_25 = arith.constant 0 : index
    %get3A_26 = arith.constant 0 : index
    %get3A_27 = vector.load %arg7[%get3A_25, %get3A_26] : memref<1x128xf32, #tpu.memory_space<vmem>>, vector<1x128xf32>
    %add3A_28 = vector.broadcast %get3A_27 : vector<1x128xf32> to vector<2048x128xf32>
    %add3A_29 = arith.addf %dot_general3A_24, %add3A_28 : vector<2048x128xf32>
    %max3A_30 = arith.constant 0.000000e+00 : f32
    %max3A_31 = vector.broadcast %max3A_30 : f32 to vector<2048x128xf32>
    %max3A_32 = arith.maximumf %add3A_29, %max3A_31 : vector<2048x128xf32>
    %swap3A = arith.constant 0 : index
    %swap3A_33 = arith.constant 0 : index
    %swap3A_34 = vector.load %arg8[%swap3A, %swap3A_33] : memref<2048x128xf32, #tpu.memory_space<vmem>>, vector<2048x128xf32>
    tpu.vector_store %arg8[%swap3A, %swap3A_33], %max3A_32 {strides = array<i32>} : memref<2048x128xf32, #tpu.memory_space<vmem>>, vector<2048x128xf32>,
    return
  }
  func.func @transform_0(%arg0: i32) -> (i32, i32) {
    %c0_i32 = arith.constant 0 : i32
    %c0_i32_0 = arith.constant 0 : i32
    return %arg0, %c0_i32 : i32, i32
  }
  func.func @transform_1(%arg0: i32) -> (i32, i32) {
    %c0_i32 = arith.constant 0 : i32
    %c0_i32_0 = arith.constant 0 : i32
    return %arg0, %c0_i32 : i32, i32
  }
  func.func @transform_2(%arg0: i32) -> (i32, i32) {
    %add3A = arith.constant 5 : i32
    %add3A_0 = arith.addi %arg0, %add3A : i32
    %c0_i32 = arith.constant 0 : i32
    %c0_i32_1 = arith.constant 0 : i32
    return %add3A_0, %c0_i32 : i32, i32
  }
  func.func @transform_3(%arg0: i32) -> (i32, i32) {
    %c0_i32 = arith.constant 0 : i32
    %c0_i32_0 = arith.constant 0 : i32
    %c0_i32_1 = arith.constant 0 : i32
    return %c0_i32, %c0_i32_0 : i32, i32
  }
  func.func @transform_4(%arg0: i32) -> (i32, i32) {
    %c0_i32 = arith.constant 0 : i32
    %c0_i32_0 = arith.constant 0 : i32
    %c0_i32_1 = arith.constant 0 : i32
    return %c0_i32, %c0_i32_0 : i32, i32
  }
  func.func @transform_5(%arg0: i32) -> (i32, i32) {
    %c0_i32 = arith.constant 0 : i32
    %c0_i32_0 = arith.constant 0 : i32
    %c0_i32_1 = arith.constant 0 : i32
    return %c0_i32, %c0_i32_0 : i32, i32
  }
  func.func @transform_6(%arg0: i32) -> (i32, i32) {
    %c0_i32 = arith.constant 0 : i32
    %c0_i32_0 = arith.constant 0 : i32
    %c0_i32_1 = arith.constant 0 : i32
    return %c0_i32, %c0_i32_0 : i32, i32
  }
  func.func @transform_7(%arg0: i32) -> (i32, i32) {
    %c0_i32 = arith.constant 0 : i32
    %c0_i32_0 = arith.constant 0 : i32
    return %arg0, %c0_i32 : i32, i32
  }
}

module attributes {stable_mosaic.version = 14 : i64} {
  func.func @_head_body(%arg0: i32, %arg1: memref<2048x128xf32, #tpu.memory_space<vmem>>, %arg2: memref<2048x128xf32, #tpu.memory_space<vmem>>, %arg3: memref<2048x128xf32, #tpu.memory_space<vmem>>, %arg4: memref<128x384xf32, #tpu.memory_space<vmem>>, %arg5: memref<128x384xf32, #tpu.memory_space<vmem>>, %arg6: memref<128x384xf32, #tpu.memory_space<vmem>>, %arg7: memref<1x384xf32, #tpu.memory_space<vmem>>, %arg8: memref<384x384xf32, #tpu.memory_space<vmem>>, %arg9: memref<1x384xf32, #tpu.memory_space<vmem>>, %arg10: memref<384x128xf32, #tpu.memory_space<vmem>>, %arg11: memref<1x128xf32, #tpu.memory_space<vmem>>, %arg12: memref<2048x128xf32, #tpu.memory_space<vmem>>) attributes {dimension_semantics = [#tpu.dimension_semantics<arbitrary>], iteration_bounds = array<i64: 5>, scalar_prefetch = 0 : i64, scratch_operands = 0 : i64, tpu.core_type = #tpu.core_type<tc>, window_params = [{transform_indices = @transform_0, window_bounds = array<i64: 2048, 128>}, {transform_indices = @transform_1, window_bounds = array<i64: 2048, 128>}, {transform_indices = @transform_2, window_bounds = array<i64: 2048, 128>}, {pipeline_mode = #tpu.pipeline_mode<synchronous>, transform_indices = @transform_3, window_bounds = array<i64: 128, 384>}, {pipeline_mode = #tpu.pipeline_mode<synchronous>, transform_indices = @transform_4, window_bounds = array<i64: 128, 384>}, {pipeline_mode = #tpu.pipeline_mode<synchronous>, transform_indices = @transform_5, window_bounds = array<i64: 128, 384>}, {pipeline_mode = #tpu.pipeline_mode<synchronous>, transform_indices = @transform_6, window_bounds = array<i64: 1, 384>}, {pipeline_mode = #tpu.pipeline_mode<synchronous>, transform_indices = @transform_7, window_bounds = array<i64: 384, 384>}, {pipeline_mode = #tpu.pipeline_mode<synchronous>, transform_indices = @transform_8, window_bounds = array<i64: 1, 384>}, {pipeline_mode = #tpu.pipeline_mode<synchronous>, transform_indices = @transform_9, window_bounds = array<i64: 384, 128>}, {pipeline_mode = #tpu.pipeline_mode<synchronous>, transform_indices = @transform_10, window_bounds = array<i64: 1, 128>}, {transform_indices = @transform_11, window_bounds = array<i64: 2048, 128>}]} {
    %get3A = arith.constant 0 : index
    %get3A_0 = arith.constant 0 : index
    %get3A_1 = vector.load %arg1[%get3A, %get3A_0] : memref<2048x128xf32, #tpu.memory_space<vmem>>, vector<2048x128xf32>
    %get3A_2 = arith.constant 0 : index
    %get3A_3 = arith.constant 0 : index
    %get3A_4 = vector.load %arg4[%get3A_2, %get3A_3] : memref<128x384xf32, #tpu.memory_space<vmem>>, vector<128x384xf32>
    %dot_general3A = arith.constant dense<0.000000e+00> : vector<2048x384xf32>
    %dot_general3A_5 = tpu.matmul %get3A_1, %get3A_4, %dot_general3A {dimension_numbers = #tpu.dot_dimension_numbers<[1], [0], [0], [1], [0, 0, 1, 1], [], []>, transpose_lhs_hint = false} : vector<2048x128xf32>, vector<128x384xf32>, vector<2048x384xf32> -> vector<2048x384xf32>
    %get3A_6 = arith.constant 0 : index
    %get3A_7 = arith.constant 0 : index
    %get3A_8 = vector.load %arg2[%get3A_6, %get3A_7] : memref<2048x128xf32, #tpu.memory_space<vmem>>, vector<2048x128xf32>
    %get3A_9 = arith.constant 0 : index
    %get3A_10 = arith.constant 0 : index
    %get3A_11 = vector.load %arg5[%get3A_9, %get3A_10] : memref<128x384xf32, #tpu.memory_space<vmem>>, vector<128x384xf32>
    %dot_general3A_12 = arith.constant dense<0.000000e+00> : vector<2048x384xf32>
    %dot_general3A_13 = tpu.matmul %get3A_8, %get3A_11, %dot_general3A_12 {dimension_numbers = #tpu.dot_dimension_numbers<[1], [0], [0], [1], [0, 0, 1, 1], [], []>, transpose_lhs_hint = false} : vector<2048x128xf32>, vector<128x384xf32>, vector<2048x384xf32> -> vector<2048x384xf32>
    %add3A = arith.addf %dot_general3A_5, %dot_general3A_13 : vector<2048x384xf32>
    %get3A_14 = arith.constant 0 : index
    %get3A_15 = arith.constant 0 : index
    %get3A_16 = vector.load %arg3[%get3A_14, %get3A_15] : memref<2048x128xf32, #tpu.memory_space<vmem>>, vector<2048x128xf32>
    %get3A_17 = arith.constant 0 : index
    %get3A_18 = arith.constant 0 : index
    %get3A_19 = vector.load %arg6[%get3A_17, %get3A_18] : memref<128x384xf32, #tpu.memory_space<vmem>>, vector<128x384xf32>
    %dot_general3A_20 = arith.constant dense<0.000000e+00> : vector<2048x384xf32>
    %dot_general3A_21 = tpu.matmul %get3A_16, %get3A_19, %dot_general3A_20 {dimension_numbers = #tpu.dot_dimension_numbers<[1], [0], [0], [1], [0, 0, 1, 1], [], []>, transpose_lhs_hint = false} : vector<2048x128xf32>, vector<128x384xf32>, vector<2048x384xf32> -> vector<2048x384xf32>
    %add3A_22 = arith.addf %add3A, %dot_general3A_21 : vector<2048x384xf32>
    %get3A_23 = arith.constant 0 : index
    %get3A_24 = arith.constant 0 : index
    %get3A_25 = vector.load %arg7[%get3A_23, %get3A_24] : memref<1x384xf32, #tpu.memory_space<vmem>>, vector<1x384xf32>
    %add3A_26 = vector.broadcast %get3A_25 : vector<1x384xf32> to vector<2048x384xf32>
    %add3A_27 = arith.addf %add3A_22, %add3A_26 : vector<2048x384xf32>
    %max3A = arith.constant 0.000000e+00 : f32
    %max3A_28 = vector.broadcast %max3A : f32 to vector<2048x384xf32>
    %max3A_29 = arith.maximumf %add3A_27, %max3A_28 : vector<2048x384xf32>
    %get3A_30 = arith.constant 0 : index
    %get3A_31 = arith.constant 0 : index
    %get3A_32 = vector.load %arg8[%get3A_30, %get3A_31] : memref<384x384xf32, #tpu.memory_space<vmem>>, vector<384x384xf32>
    %dot_general3A_33 = arith.constant dense<0.000000e+00> : vector<2048x384xf32>
    %dot_general3A_34 = tpu.matmul %max3A_29, %get3A_32, %dot_general3A_33 {dimension_numbers = #tpu.dot_dimension_numbers<[1], [0], [0], [1], [0, 0, 1, 1], [], []>, transpose_lhs_hint = false} : vector<2048x384xf32>, vector<384x384xf32>, vector<2048x384xf32> -> vector<2048x384xf32>
    %get3A_35 = arith.constant 0 : index
    %get3A_36 = arith.constant 0 : index
    %get3A_37 = vector.load %arg9[%get3A_35, %get3A_36] : memref<1x384xf32, #tpu.memory_space<vmem>>, vector<1x384xf32>
    %add3A_38 = vector.broadcast %get3A_37 : vector<1x384xf32> to vector<2048x384xf32>
    %add3A_39 = arith.addf %dot_general3A_34, %add3A_38 : vector<2048x384xf32>
    %max3A_40 = arith.constant 0.000000e+00 : f32
    %max3A_41 = vector.broadcast %max3A_40 : f32 to vector<2048x384xf32>
    %max3A_42 = arith.maximumf %add3A_39, %max3A_41 : vector<2048x384xf32>
    %get3A_43 = arith.constant 0 : index
    %get3A_44 = arith.constant 0 : index
    %get3A_45 = vector.load %arg10[%get3A_43, %get3A_44] : memref<384x128xf32, #tpu.memory_space<vmem>>, vector<384x128xf32>
    %dot_general3A_46 = arith.constant dense<0.000000e+00> : vector<2048x128xf32>
    %dot_general3A_47 = tpu.matmul %max3A_42, %get3A_45, %dot_general3A_46 {dimension_numbers = #tpu.dot_dimension_numbers<[1], [0], [0], [1], [0, 0, 1, 1], [], []>, transpose_lhs_hint = false} : vector<2048x384xf32>, vector<384x128xf32>, vector<2048x128xf32> -> vector<2048x128xf32>
    %get3A_48 = arith.constant 0 : index
    %get3A_49 = arith.constant 0 : index
    %get3A_50 = vector.load %arg11[%get3A_48, %get3A_49] : memref<1x128xf32, #tpu.memory_space<vmem>>, vector<1x128xf32>
    %add3A_51 = vector.broadcast %get3A_50 : vector<1x128xf32> to vector<2048x128xf32>
    %add3A_52 = arith.addf %dot_general3A_47, %add3A_51 : vector<2048x128xf32>
    %max3A_53 = arith.constant 0.000000e+00 : f32
    %max3A_54 = vector.broadcast %max3A_53 : f32 to vector<2048x128xf32>
    %max3A_55 = arith.maximumf %add3A_52, %max3A_54 : vector<2048x128xf32>
    %swap3A = arith.constant 0 : index
    %swap3A_56 = arith.constant 0 : index
    %swap3A_57 = vector.load %arg12[%swap3A, %swap3A_56] : memref<2048x128xf32, #tpu.memory_space<vmem>>, vector<2048x128xf32>
    tpu.vector_store %arg12[%swap3A, %swap3A_56], %max3A_55 {strides = array<i32>} : memref<2048x128xf32, #tpu.memory_space<vmem>>, vector<2048x128xf32>,
    return
  }
  func.func @transform_0(%arg0: i32) -> (i32, i32) {
    %c0_i32 = arith.constant 0 : i32
    %c0_i32_0 = arith.constant 0 : i32
    return %arg0, %c0_i32 : i32, i32
  }
  func.func @transform_1(%arg0: i32) -> (i32, i32) {
    %c0_i32 = arith.constant 0 : i32
    %c0_i32_0 = arith.constant 0 : i32
    return %arg0, %c0_i32 : i32, i32
  }
  func.func @transform_2(%arg0: i32) -> (i32, i32) {
    %c0_i32 = arith.constant 0 : i32
    %c0_i32_0 = arith.constant 0 : i32
    return %arg0, %c0_i32 : i32, i32
  }
  func.func @transform_3(%arg0: i32) -> (i32, i32) {
    %c0_i32 = arith.constant 0 : i32
    %c0_i32_0 = arith.constant 0 : i32
    %c0_i32_1 = arith.constant 0 : i32
    return %c0_i32, %c0_i32_0 : i32, i32
  }
  func.func @transform_4(%arg0: i32) -> (i32, i32) {
    %c0_i32 = arith.constant 0 : i32
    %c0_i32_0 = arith.constant 0 : i32
    %c0_i32_1 = arith.constant 0 : i32
    return %c0_i32, %c0_i32_0 : i32, i32
  }
  func.func @transform_5(%arg0: i32) -> (i32, i32) {
    %c0_i32 = arith.constant 0 : i32
    %c0_i32_0 = arith.constant 0 : i32
    %c0_i32_1 = arith.constant 0 : i32
    return %c0_i32, %c0_i32_0 : i32, i32
  }
  func.func @transform_6(%arg0: i32) -> (i32, i32) {
    %c0_i32 = arith.constant 0 : i32
    %c0_i32_0 = arith.constant 0 : i32
    %c0_i32_1 = arith.constant 0 : i32
    return %c0_i32, %c0_i32_0 : i32, i32
  }
  func.func @transform_7(%arg0: i32) -> (i32, i32) {
    %c0_i32 = arith.constant 0 : i32
    %c0_i32_0 = arith.constant 0 : i32
    %c0_i32_1 = arith.constant 0 : i32
    return %c0_i32, %c0_i32_0 : i32, i32
  }
  func.func @transform_8(%arg0: i32) -> (i32, i32) {
    %c0_i32 = arith.constant 0 : i32
    %c0_i32_0 = arith.constant 0 : i32
    %c0_i32_1 = arith.constant 0 : i32
    return %c0_i32, %c0_i32_0 : i32, i32
  }
  func.func @transform_9(%arg0: i32) -> (i32, i32) {
    %c0_i32 = arith.constant 0 : i32
    %c0_i32_0 = arith.constant 0 : i32
    %c0_i32_1 = arith.constant 0 : i32
    return %c0_i32, %c0_i32_0 : i32, i32
  }
  func.func @transform_10(%arg0: i32) -> (i32, i32) {
    %c0_i32 = arith.constant 0 : i32
    %c0_i32_0 = arith.constant 0 : i32
    %c0_i32_1 = arith.constant 0 : i32
    return %c0_i32, %c0_i32_0 : i32, i32
  }
  func.func @transform_11(%arg0: i32) -> (i32, i32) {
    %c0_i32 = arith.constant 0 : i32
    %c0_i32_0 = arith.constant 0 : i32
    return %arg0, %c0_i32 : i32, i32
  }
}

</mosaic_0001>

<sc_bundles>
// kernel: kernel.12.cloned.1.call-start
scs
__scs_entry_jumppad:
0x0: {  	(pc) =	sbr.rel $0x88, $3  }
0x1: {  	(tag) =	ssettag $0x0;
	lr =	simm.s32 $0x1  }
0x2: {  	[smem:$0x3F81] =	sst lr;
	_ =	strace $0xD0000000  }
0x3: {  	_ = 	snop  }
0x4: {  	_ = 	snop  }
0x5: {  	_ = 	snop  }
0x6: {  	_ = 	snop  }
0x7: {  	_ = 	snop  }
__scs_overlays_trampoline_lowered:
0x8: {  	[smem:$0x3F90] =	sst s0  }
0x9: {  	[smem:$0x3F91] =	sst s1  }
0xa: {  	[smem:$0x3F92] =	sst s2  }
0xb: {  	[smem:$0x3F93] =	sst s3  }
0xc: {  	[smem:$0x3F94] =	sst s4  }
0xd: {  	[smem:$0x3F95] =	sst s5  }
0xe: {  	[smem:$0x3F96] =	sst s6  }
0xf: {  	[smem:$0x3F97] =	sst s7  }
0x10: {  	[smem:$0x3F98] =	sst s8  }
0x11: {  	[smem:$0x3F99] =	sst s9;
	s0 =	simm.s32 @!p0 $0x0  }
0x12: {  	s1 =	sld [smem:$0x3F7F];
	s0 =	simm.s32 @p0 $0x1  }
0x13: {  	[smem:$0x3F9A] =	sst s0;
	s0 =	simm.s32 @!p1 $0x0  }
0x14: {  	s2 =	sld [smem:$0x3F7E];
	s0 =	simm.s32 @p1 $0x1  }
0x15: {  	[smem:$0x3F9B] =	sst s0;
	s0 =	simm.s32 @!p2 $0x0  }
0x16: {  	s3 =	sld [smem:$0x3FDB];
	s0 =	simm.s32 @p2 $0x1  }
0x17: {  	s4 =	simm.s32 $0x1BF5;
	[smem:$0x3F9D] =	sst s0  }
0x18: {  	s0 =	sld [smem:$0x3F80];
	_ =	swait.ge [sflag:s4], $0x0  }
0x19: {  	s7 =	sld [smem:$0x3F81]  }
0x1a: {  	s8 =	sadd.s32 $0xFFFFE003, lr  }
0x1b: {  	s9 =	sadd.s32 $0xFFFFFEF7, lr;
	s5 =	simm.s32 $0xFFFFFFFF;
	p2 =	slt.u32 s8, $0xFFFFF086  }
0x1c: {  	p1 =	slt.u32 s9, $0xF7A;
	s5 =	simm.s32 @!p2 $0x0  }
0x1d: {  	s5 =	simm.s32 @p1 $0x1;
	p0 =	seq.s32 s7, s2  }
0x1e: {  	s7 =	smul.u32 @!p0 $0xF7A, s2;
	p2 =	seq.s32 @!p0 s5, $0x0  }
0x1f: {  	s9 =	smul.u32 $0xF7A, s1;
	s8 =	simm.s32 @!p0 $0x1BF5;
	p2 =	por !p2, p0  }
0x20: {  	[sflag:s8] =	ssyncset.s32 @!p0 $0xFFFFF086;
	s6 =	sadd.s32 @!p0 s3, s7;
	s7 =	simm.s32 @!p0 $0x108  }
0x21: {  	s3 =	sadd.s32 s3, s9;
	s6 =	sadd.s32 @!p0 $0x88, s6;
	s7 =	simm.s32 @p2 $0x1082  }
0x22: {  	[simem:s7], [sflag:s8] =	dma.local @!p0 [hbm:s6], $0xF7A  }
0x23: {  	s9 =	sor.u32 $0xD0000000, s2;
	s6 =	simm.s32 $0x108;
	_ =	swait.ge @!p0 [sflag:s8], $0x0  }
0x24: {  	s3 =	sadd.s32 $0x88, s3;
	s6 =	simm.s32 @!p1 $0x1082;
	[sflag:s4] =	ssyncset.s32 $0xFFFFF086  }
0x25: {  	[simem:s6], [sflag:s4] =	dma.local [hbm:s3], $0xF7A  }
0x26: {  	[smem:$0x3F81] =	sst s1;
	(tag) =	ssettag s2;
	_ =	strace s9  }
0x27: {  	s1 =	sld [smem:$0x3F91]  }
0x28: {  	s2 =	sld [smem:$0x3F92]  }
0x29: {  	s4 =	sld [smem:$0x3F94]  }
0x2a: {  	p0 =	seq.s32 s5, $0x0;
	s5 =	sld [smem:$0x3F95]  }
0x2b: {  	s6 =	sld [smem:$0x3F96]  }
0x2c: {  	s7 =	sld [smem:$0x3F97]  }
0x2d: {  	s3 =	simm.s32 $0x108;
	s8 =	sld [smem:$0x3F98]  }
0x2e: {  	s3 =	simm.s32 @!p0 $0x1082;
	s9 =	sld [smem:$0x3F99]  }
0x2f: {  	lr =	sadd.s32 s0, s3;
	s0 =	sld [smem:$0x3F90]  }
0x30: {  	s3 =	sld [smem:$0x3F93]  }
0x31: {  	[smem:$0x3F9C] =	sst s10  }
0x32: {  	s10 =	sld [smem:$0x3F9A];
	_ =	sdelay $0x3  }
0x33: {  	p0 =	seq.s32 s10, $0x1;
	s10 =	sld [smem:$0x3F9C];
	_ =	sdelay $0x3  }
0x34: {  	[smem:$0x3F9C] =	sst s10  }
0x35: {  	s10 =	sld [smem:$0x3F9B];
	_ =	sdelay $0x3  }
0x36: {  	p1 =	seq.s32 s10, $0x1;
	s10 =	sld [smem:$0x3F9C];
	_ =	sdelay $0x3  }
0x37: {  	[smem:$0x3F9C] =	sst s10  }
0x38: {  	s10 =	sld [smem:$0x3F9D]  }
0x39: {  	_ = 	snop;
	(pc) =	sbr.ind lr, $3  }
0x3a: {  	_ = 	snop  }
0x3b: {  	_ = 	snop  }
0x3c: {  	p2 =	seq.s32 s10, $0x1;
	s10 =	sld [smem:$0x3F9C]  }
0x3d: {  	_ =	shalt  }
0x3e: {  	_ =	shalt  }
0x3f: {  	_ =	shalt  }
0x40: {  	_ =	shalt  }
0x41: {  	_ =	shalt  }
0x42: {  	_ =	shalt  }
0x43: {  	_ =	shalt  }
0x44: {  	_ =	shalt  }
0x45: {  	_ =	shalt  }
0x46: {  	_ =	shalt  }
0x47: {  	_ =	shalt  }
0x48: {  	_ =	shalt  }
0x49: {  	_ =	shalt  }
0x4a: {  	_ =	shalt  }
0x4b: {  	_ =	shalt  }
0x4c: {  	_ =	shalt  }
0x4d: {  	_ =	shalt  }
0x4e: {  	_ =	shalt  }
0x4f: {  	_ =	shalt  }
0x50: {  	_ =	shalt  }
0x51: {  	_ =	shalt  }
0x52: {  	_ =	shalt  }
0x53: {  	_ =	shalt  }
0x54: {  	_ =	shalt  }
0x55: {  	_ =	shalt  }
0x56: {  	_ =	shalt  }
0x57: {  	_ =	shalt  }
0x58: {  	_ =	shalt  }
0x59: {  	_ =	shalt  }
0x5a: {  	_ =	shalt  }
0x5b: {  	_ =	shalt  }
0x5c: {  	_ =	shalt  }
0x5d: {  	_ =	shalt  }
0x5e: {  	_ =	shalt  }
0x5f: {  	_ =	shalt  }
0x60: {  	_ =	shalt  }
0x61: {  	_ =	shalt  }
0x62: {  	_ =	shalt  }
0x63: {  	_ =	shalt  }
0x64: {  	_ =	shalt  }
0x65: {  	_ =	shalt  }
0x66: {  	_ =	shalt  }
0x67: {  	_ =	shalt  }
0x68: {  	_ =	shalt  }
0x69: {  	_ =	shalt  }
0x6a: {  	_ =	shalt  }
0x6b: {  	_ =	shalt  }
0x6c: {  	_ =	shalt  }
0x6d: {  	_ =	shalt  }
0x6e: {  	_ =	shalt  }
0x6f: {  	_ =	shalt  }
0x70: {  	_ =	shalt  }
0x71: {  	_ =	shalt  }
0x72: {  	_ =	shalt  }
0x73: {  	_ =	shalt  }
0x74: {  	_ =	shalt  }
0x75: {  	_ =	shalt  }
0x76: {  	_ =	shalt  }
0x77: {  	_ =	shalt  }
0x78: {  	_ =	shalt  }
0x79: {  	_ =	shalt  }
0x7a: {  	_ =	shalt  }
0x7b: {  	_ =	shalt  }
0x7c: {  	_ =	shalt  }
0x7d: {  	_ =	shalt  }
0x7e: {  	_ =	shalt  }
0x7f: {  	_ =	shalt  }
0x80: {  	_ =	shalt  }
0x81: {  	_ =	shalt  }
0x82: {  	_ =	shalt  }
0x83: {  	_ =	shalt  }
0x84: {  	_ =	shalt  }
0x85: {  	_ =	shalt  }
0x86: {  	_ =	shalt  }
0x87: {  	_ =	shalt  }
.Lfunc_end0:
.L_simem_size_0:
called_computation.1_lowered:
.L_overlay_start_0:
0x88: {  	s2 =	sld [smem:$0x3FD9]  }
0x89: {  	s3 =	sld [smem:$0x3FFE];
	_ =	sdelay $0x1  }
0x8a: {  	s1 =	srdreg.scid  }
0x8b: {  	s0 =	sand.u32 $0x1, s1  }
0x8c: {  	s16 =	sshll.u32 s0, $0xA;
	s2 =	sadd.s32 s3, s2  }
0x8d: {  	s2 =	sadd.s32 s2, s16  }
0x8e: {  	[smem:$0x3FA8] =	sst s2  }
0x8f: {  	_ = 	snop  }
0x90: {  	(tm) =	ssettm $0x1  }
0x91: {  	s17 =	sld [smem:$0x3FFB];
	_ =	sdelay $0x3  }
0x92: {  	_ =	strace s17  }
0x93: {  	s2 =	sld [smem:$0x3FFC];
	_ =	sdelay $0x3  }
0x94: {  	_ =	strace s2  }
0x95: {  	s2 =	sld [smem:$0x3FFD];
	_ =	sdelay $0x3  }
0x96: {  	_ =	strace s2  }
0x97: {  	_ =	strace $0x8FFFFFFF  }
0x98: {  	s18 =	sld [smem:$0x3FDB];
	_ =	sdelay $0x1  }
0x99: {  	s19 =	simm.s32 $_scs_section_size  }
0x9a: {  	s4 =	simm.s32 $_size__tile_overlayer_lowered;
	s5 =	simm.s32 $_tile_overlayer_lowered  }
0x9b: {  	s22 =	simm.s32 $0x1BFF;
	s21 =	sshll.u32 s5, $0x1;
	s2 =	sadd.s32 s19, s18  }
0x9c: {  	s6 =	simm.s32 $0x0;
	s20 =	sshll.u32 s4, $0x1;
	s4 =	sadd.s32 s21, s2  }
0x9d: {  	[timem:s6], [sflag:s22] =	dma.local [hbm:s4], s20  }
0x9e: {  	_ =	swait.ge [sflag:s22], s20  }
0x9f: {  	s3 =	ssub.s32 $0x0, s20;
	[sflag:s22] =	ssyncset.done $0x0  }
0xa0: {  	[sflag:s22] =	ssyncadd.s32 s3;
	_ =	sdelay $0x1  }
0xa1: {  	s23 =	simm.s32 $0x1B8B  }
0xa2: {  	_ =	swait.ge [sflag:s23], $0x1  }
0xa3: {  	[sflag:s23] =	ssyncset.done $0x0  }
0xa4: {  	s25 =	simm.s32 $0x1B8E;
	s24 =	sld [smem:$0x3FFE];
	[sflag:s23] =	ssyncadd.s32 $0xFFFFFFFF  }
0xa5: {  	s26 =	simm.s32 $execute0_lowered;
	[smem:$0x3FD2] =	sst s25  }
0xa6: {  	s4 =	sshll.u32 s26, $0x1;
	_ =	strace $0x80000049;
	[dreg:$0x1] =	wrdreg $0xFFFFFFFF  }
0xa7: {  	s28 =	simm.s32 $_size_execute0_lowered;
	s2 =	sadd.s32 s2, s4;
	[dreg:$0x0] =	wrdreg $0x0  }
0xa8: {  	s4 =	sshll.u32 s28, $0x1;
	[dreg:$0x2] =	wrdreg s2  }
0xa9: {  	[dreg:$0x3] =	wrdreg s4  }
0xaa: {  	[dreg:$0x4] =	wrdreg $0xC0  }
0xab: {  	_ =	task [dreg:s6], $0x5FFFF  }
0xac: {  	[dreg:$0x1] =	wrdreg $0xFFFFFFFF  }
0xad: {  	[dreg:$0x0] =	wrdreg $0x60  }
0xae: {  	[dreg:$0x2] =	wrdreg s24  }
0xaf: {  	[dreg:$0x3] =	wrdreg $0xA8000  }
0xb0: {  	[dreg:$0x4] =	wrdreg $0x9  }
0xb1: {  	_ =	task.clear_ibuf [dreg:s6], $0x5FFFF;
	_ =	strace $0x90000049  }
0xb2: {  	s29 =	simm.s32 $0x9;
	_ =	strace $0x8000004B  }
0xb3: {  	_ =	swait.ge [sflag:s29], $0x1  }
0xb4: {  	[sflag:s29] =	ssyncadd.s32 $0xFFFFFFFF  }
0xb5: {  	_ =	strace $0x9000004B  }
0xb6: {  	_ =	sfence  }
0xb7: {  	s30 =	sld [smem:$0x0];
	_ =	sdelay $0x2  }
0xb8: {  	s31 =	sshll.u32 s1, $0xD;
	s1 =	sshrl.u32 s1, $0x2  }
0xb9: {  	s3 =	sand.u32 $0x4000, s31;
	s1 =	sadd.s32 s1, s30  }
0xba: {  	s0 =	sor.u32 s3, s0;
	s1 =	sshll.u32 s1, $0x11  }
0xbb: {  	s0 =	sor.u32 s1, s0  }
0xbc: {  	s0 =	sadd.s32 $0x8F2B, s0  }
0xbd: {  	[sflag:s0] =	ssyncadd.remote.s32 $0x1  }
0xbe: {  	_ =	sfence.sel $0xFFFF  }
0xbf: {  	[dreg:$0x0] =	wrdreg $0xFFFFFFFF;
	(pc) =	sbr.abs _section_cstart, $3  }
0xc0: {  	[dreg:$0x1] =	wrdreg $0xFFFFFFFF  }
0xc1: {  	_ =	task.clear_ibuf [dreg:s6], $0x2FFFF;
	_ =	strace $0x9FFFFFFF  }
0xc2: {  	(tm) =	ssettm $0x7FFFFFFF  }
0xc3: {  	_ =	shalt  }
tec
execute0_lowered:
.L_overlay_start_1:
0x0: {  	(tag) =	ssettag $0x1  }
0x1: {  	s6 =	rddreg [dreg:$0x0]  }
0x2: {  	s2 =	rddreg [dreg:$0x1]  }
0x3: {  	s0 =	rddreg [dreg:$0x2];
	s3 =	simm.s32 $0x0;
	s4 =	srdreg.scid  }
0x4: {  	s1 =	stileid.u32;
	s17 =	simm.s32 $0x1;
	s18 =	simm.s32 $0x3  }
0x5: {  	s19 =	simm.s32 $0x1400;
	s20 =	simm.s32 $0x80;
	s21 =	simm.s32 $0x6800  }
0x6: {  	s22 =	simm.s32 $0x2;
	s23 =	simm.s32 $0x1380;
	s24 =	simm.s32 $0x2700  }
0x7: {  	s25 =	simm.s32 $0x2780;
	[smem:$0x7FF] =	sst s3;
	s7 =	smul.u32 $0x2800, s1  }
0x8: {  	s5 =	sand.u32 $0x1, s4;
	s4 =	sadd.s32 $0x6C00, s6;
	s9 =	smul.u32 $0x50000, s1  }
0x9: {  	s12 =	sadd.s32 $0x38C00, s6;
	s13 =	sadd.s32 $0x2EC00, s6;
	s8 =	smul.u32 $0x28000, s5  }
0xa: {  	s29 =	sshll.u32 s1, $0x1;
	_ =	strace $0x8000004A;
	s10 =	ssub.s32 $0x2, s5  }
0xb: {  	s30 =	sshrl.u32 s9, $0x2;
	s31 =	sshrl.u32 s10, $0x1;
	s7 =	sadd.s32 s7, s8  }
0xc: {  	s8 =	sor.u32 s5, s29;
	s5 =	sadd.s32 s30, s2;
	s15 =	ssub.s32 s10, s31  }
0xd: {  	s11 =	smul.u32 $0x2800, s8;
	s14 =	sadd.s32 s7, s6;
	s6 =	sadd.s32 $0x4000, s5  }
0xe: {  	s7 =	sadd.s32 $0x8000, s5;
	s8 =	sadd.s32 $0xC000, s5;
	s9 =	sadd.s32 $0x10000, s5  }
0xf: {  	s15 =	smax.u32 s15, $0x1;
	s14 =	sadd.s32 $0x42C00, s14;
	s11 =	sshrl.u32 s11, $0x3  }
0x10: {  	s10 =	sadd.s32 s12, s11;
	s16 =	sadd.s32 $0x280, s11;
	s11 =	sadd.s32 s13, s11  }
0x11: {  	v0 =	vimm.f32 $0.0e+00;
	s12 =	sadd.s32 s12, s16;
	s13 =	sadd.s32 s13, s16;
	s16 =	simm.s32 $0x2800  }
.LBB2_1:
0x12: {  	s26 =	simm.s32 $0x0;
	s28 =	simm.s32 $0x200  }
.LBB2_2:
0x13: {  	p0 =	sne.s32 s28, $0xFE00;
	[tilespmem:s26+$0x2870] =	vst v0  }
0x14: {  	[tilespmem:s26+$0x2800] =	vst v0  }
0x15: {  	[tilespmem:s26+$0x2810] =	vst v0  }
.Ltmp0:
0x16: {  	[tilespmem:s26+$0x2820] =	vst v0;
	(pc) =	sbr.rel @p0 .LBB2_2-.Ltmp0, $4  }
0x17: {  	[tilespmem:s26+$0x2830] =	vst v0  }
0x18: {  	[tilespmem:s26+$0x2840] =	vst v0  }
0x19: {  	[tilespmem:s26+$0x2850] =	vst v0  }
0x1a: {  	[tilespmem:s26+$0x2860] =	vst v0;
	s26 =	sshra.s32 s28, $0x2;
	s28 =	sadd.s32 $0x200, s28  }
0x1b: {  	[tilespmem:s26+$0x2870] =	vst v0  }
0x1c: {  	[tilespmem:s26+$0x2800] =	vst v0  }
0x1d: {  	[tilespmem:s26+$0x2810] =	vst v0  }
0x1e: {  	[tilespmem:s26+$0x2820] =	vst v0  }
0x1f: {  	[tilespmem:s26+$0x2830] =	vst v0  }
0x20: {  	[tilespmem:s26+$0x2840] =	vst v0  }
0x21: {  	[tilespmem:s26+$0x2850] =	vst v0  }
0x22: {  	[tilespmem:s26+$0x2860] =	vst v0  }
0x23: {  	[spmem:s5] =	stream.linear.scatter [tilespmem:s16], [sflag:$0x1], $0x4000, $0x38;
	[tilespmem:$0x1E800] =	vst v63  }
0x24: {  	_ = 	snop  }
0x25: {  	[spmem:s6] =	stream.linear.scatter [tilespmem:s16], [sflag:$0x1], $0x4000, $0x38;
	[tilespmem:$0x1E800] =	vst v63  }
0x26: {  	_ = 	snop  }
0x27: {  	[spmem:s7] =	stream.linear.scatter [tilespmem:s16], [sflag:$0x1], $0x4000, $0x38;
	[tilespmem:$0x1E800] =	vst v63  }
0x28: {  	_ = 	snop  }
0x29: {  	[spmem:s8] =	stream.linear.scatter [tilespmem:s16], [sflag:$0x1], $0x4000, $0x38;
	[tilespmem:$0x1E800] =	vst v63  }
0x2a: {  	_ = 	snop  }
0x2b: {  	[spmem:s9] =	stream.linear.scatter [tilespmem:s16], [sflag:$0x1], $0x4000, $0x38;
	[tilespmem:$0x1E800] =	vst v63  }
0x2c: {  	_ =	swait.ge [sflag:s17], $0x4000  }
0x2d: {  	[sflag:s17] =	ssyncset.done $0x0  }
0x2e: {  	[sflag:s17] =	ssyncadd.s32 $0xFFFFC000  }
0x2f: {  	_ =	swait.ge [sflag:s17], $0x4000  }
0x30: {  	[sflag:s17] =	ssyncset.done $0x0  }
0x31: {  	[sflag:s17] =	ssyncadd.s32 $0xFFFFC000  }
0x32: {  	_ =	swait.ge [sflag:s17], $0x4000  }
0x33: {  	[sflag:s17] =	ssyncset.done $0x0  }
0x34: {  	[sflag:s17] =	ssyncadd.s32 $0xFFFFC000  }
0x35: {  	_ =	swait.ge [sflag:s17], $0x4000  }
0x36: {  	[sflag:s17] =	ssyncset.done $0x0  }
0x37: {  	[sflag:s17] =	ssyncadd.s32 $0xFFFFC000  }
0x38: {  	_ =	swait.ge [sflag:s17], $0x4000  }
0x39: {  	[sflag:s17] =	ssyncset.done $0x0  }
0x3a: {  	[sflag:s17] =	ssyncadd.s32 $0xFFFFC000  }
0x3b: {  	s31 =	simm.s32 $0x0;
	[bflag:$0x0] =	sbarrier.arrive $0xFFFF  }
0x3c: {  	[tilespmem:s31], [sflag:$0x3] =	stream.linear.gather [hbm4b:s10+s31], $0x1400, $0x38;
	[tilespmem:$0x1E800] =	vst v63  }
0x3d: {  	_ =	swait.ge [sflag:s18], $0x1400  }
0x3e: {  	[sflag:s18] =	ssyncset.done $0x0  }
0x3f: {  	[sflag:s18] =	ssyncadd.s32 $0xFFFFEC00  }
0x40: {  	[tilespmem:s19], [sflag:$0x3] =	stream.linear.gather [hbm4b:s11+s31], $0x1400, $0x38;
	[tilespmem:$0x1E800] =	vst v63  }
0x41: {  	_ =	swait.ge [sflag:s18], $0x1400  }
0x42: {  	[sflag:s18] =	ssyncset.done $0x0  }
0x43: {  	[sflag:s18] =	ssyncadd.s32 $0xFFFFEC00  }
0x44: {  	[tilespmem:s16], [sflag:$0x1] =	stream.indirect.gather [hbm4b:s4+s20], $0x80, s31, s20, $0xb8;
	[tilespmem:$0x1E800] =	vst v63  }
0x45: {  	_ =	swait.ge [sflag:s17], $0x4000  }
0x46: {  	[sflag:s17] =	ssyncset.done $0x0  }
0x47: {  	s28 =	simm.s32 $0x80;
	[sflag:s17] =	ssyncadd.s32 $0xFFFFC000  }
0x48: {  	[tilespmem:s21], [sflag:$0x2] =	stream.indirect.gather [hbm4b:s4+s20], $0x80, s28, s20, $0xb8;
	[tilespmem:$0x1E800] =	vst v63  }
0x49: {  	s29 =	simm.s32 $0x1400  }
0x4a: {  	[spmem:s2] =	stream.indirect.scatter.add.f32 [tilespmem:s16], [sflag:$0x3], $0x80, s29, s20, $0xb8;
	[tilespmem:$0x1E800] =	vst v63  }
0x4b: {  	_ =	swait.ge [sflag:s18], $0x4000  }
0x4c: {  	[sflag:s18] =	ssyncset.done $0x0  }
0x4d: {  	[sflag:s18] =	ssyncadd.s32 $0xFFFFC000  }
0x4e: {  	_ =	swait.ge [sflag:s22], $0x4000  }
0x4f: {  	[sflag:s22] =	ssyncset.done $0x0  }
0x50: {  	s30 =	simm.s32 $0x100;
	[sflag:s22] =	ssyncadd.s32 $0xFFFFC000  }
0x51: {  	[tilespmem:s16], [sflag:$0x1] =	stream.indirect.gather [hbm4b:s4+s20], $0x80, s30, s20, $0xb8;
	[tilespmem:$0x1E800] =	vst v63  }
0x52: {  	s31 =	simm.s32 $0x1480  }
0x53: {  	[spmem:s2] =	stream.indirect.scatter.add.f32 [tilespmem:s21], [sflag:$0x3], $0x80, s31, s20, $0xb8;
	[tilespmem:$0x1E800] =	vst v63  }
0x54: {  	_ =	swait.ge [sflag:s18], $0x4000  }
0x55: {  	s26 =	simm.s32 $0x400;
	[sflag:s18] =	ssyncset.done $0x0  }
.LBB2_4:
0x56: {  	p0 =	sne.s32 s26, $0x4800  }
0x57: {  	[sflag:s18] =	ssyncadd.s32 $0xFFFFC000;
	s28 =	smov.u32 s26;
	s26 =	sadd.s32 $0x400, s26  }
0x58: {  	_ = 	snop  }
0x59: {  	_ =	swait.ge [sflag:s17], $0x4000  }
0x5a: {  	s28 =	sshra.s32 s28, $0x2;
	[sflag:s17] =	ssyncset.done $0x0  }
0x5b: {  	s29 =	sadd.s32 $0x80, s28;
	[sflag:s17] =	ssyncadd.s32 $0xFFFFC000  }
0x5c: {  	[tilespmem:s21], [sflag:$0x2] =	stream.indirect.gather [hbm4b:s4+s20], $0x80, s29, s20, $0xb8;
	[tilespmem:$0x1E800] =	vst v63  }
0x5d: {  	s29 =	sadd.s32 $0x1400, s28  }
0x5e: {  	[spmem:s2] =	stream.indirect.scatter.add.f32 [tilespmem:s16], [sflag:$0x3], $0x80, s29, s20, $0xb8;
	[tilespmem:$0x1E800] =	vst v63  }
0x5f: {  	_ =	swait.ge [sflag:s18], $0x4000  }
0x60: {  	[sflag:s18] =	ssyncset.done $0x0  }
0x61: {  	[sflag:s18] =	ssyncadd.s32 $0xFFFFC000  }
0x62: {  	_ =	swait.ge [sflag:s22], $0x4000  }
0x63: {  	[sflag:s22] =	ssyncset.done $0x0  }
0x64: {  	s29 =	sadd.s32 $0x100, s28;
	[sflag:s22] =	ssyncadd.s32 $0xFFFFC000  }
0x65: {  	[tilespmem:s16], [sflag:$0x1] =	stream.indirect.gather [hbm4b:s4+s20], $0x80, s29, s20, $0xb8;
	[tilespmem:$0x1E800] =	vst v63  }
.Ltmp1:
0x66: {  	_ = 	snop;
	(pc) =	sbr.rel @p0 .LBB2_4-.Ltmp1, $4  }
0x67: {  	s28 =	sadd.s32 $0x1480, s28  }
0x68: {  	[spmem:s2] =	stream.indirect.scatter.add.f32 [tilespmem:s21], [sflag:$0x3], $0x80, s28, s20, $0xb8;
	[tilespmem:$0x1E800] =	vst v63  }
0x69: {  	_ =	swait.ge [sflag:s18], $0x4000  }
0x6a: {  	[sflag:s18] =	ssyncset.done $0x0  }
0x6b: {  	[sflag:s18] =	ssyncadd.s32 $0xFFFFC000  }
0x6c: {  	_ =	swait.ge [sflag:s17], $0x4000  }
0x6d: {  	[sflag:s17] =	ssyncset.done $0x0  }
0x6e: {  	[sflag:s17] =	ssyncadd.s32 $0xFFFFC000  }
0x6f: {  	[tilespmem:s21], [sflag:$0x2] =	stream.indirect.gather [hbm4b:s4+s20], $0x80, s23, s20, $0xb8;
	[tilespmem:$0x1E800] =	vst v63  }
0x70: {  	_ = 	snop  }
0x71: {  	[spmem:s2] =	stream.indirect.scatter.add.f32 [tilespmem:s16], [sflag:$0x3], $0x80, s24, s20, $0xb8;
	[tilespmem:$0x1E800] =	vst v63  }
0x72: {  	_ =	swait.ge [sflag:s18], $0x4000  }
0x73: {  	[sflag:s18] =	ssyncset.done $0x0  }
0x74: {  	[sflag:s18] =	ssyncadd.s32 $0xFFFFC000  }
0x75: {  	_ =	swait.ge [sflag:s22], $0x4000  }
0x76: {  	[sflag:s22] =	ssyncset.done $0x0  }
0x77: {  	[sflag:s22] =	ssyncadd.s32 $0xFFFFC000  }
0x78: {  	[spmem:s2] =	stream.indirect.scatter.add.f32 [tilespmem:s21], [sflag:$0x3], $0x80, s25, s20, $0xb8;
	[tilespmem:$0x1E800] =	vst v63  }
0x79: {  	_ =	swait.ge [sflag:s18], $0x4000  }
0x7a: {  	[sflag:s18] =	ssyncset.done $0x0  }
0x7b: {  	s26 =	simm.s32 $0x0;
	[sflag:s18] =	ssyncadd.s32 $0xFFFFC000  }
0x7c: {  	[tilespmem:s26], [sflag:$0x3] =	stream.linear.gather [hbm4b:s12+s26], $0x1400, $0x38;
	[tilespmem:$0x1E800] =	vst v63  }
0x7d: {  	_ =	swait.ge [sflag:s18], $0x1400  }
0x7e: {  	[sflag:s18] =	ssyncset.done $0x0  }
0x7f: {  	[sflag:s18] =	ssyncadd.s32 $0xFFFFEC00  }
0x80: {  	[tilespmem:s19], [sflag:$0x3] =	stream.linear.gather [hbm4b:s13+s26], $0x1400, $0x38;
	[tilespmem:$0x1E800] =	vst v63  }
0x81: {  	_ =	swait.ge [sflag:s18], $0x1400  }
0x82: {  	[sflag:s18] =	ssyncset.done $0x0  }
0x83: {  	[sflag:s18] =	ssyncadd.s32 $0xFFFFEC00  }
0x84: {  	[tilespmem:s16], [sflag:$0x1] =	stream.indirect.gather [hbm4b:s4+s20], $0x80, s26, s20, $0xb8;
	[tilespmem:$0x1E800] =	vst v63  }
0x85: {  	_ =	swait.ge [sflag:s17], $0x4000  }
0x86: {  	[sflag:s17] =	ssyncset.done $0x0  }
0x87: {  	s28 =	simm.s32 $0x80;
	[sflag:s17] =	ssyncadd.s32 $0xFFFFC000  }
0x88: {  	[tilespmem:s21], [sflag:$0x2] =	stream.indirect.gather [hbm4b:s4+s20], $0x80, s28, s20, $0xb8;
	[tilespmem:$0x1E800] =	vst v63  }
0x89: {  	s29 =	simm.s32 $0x1400  }
0x8a: {  	[spmem:s2] =	stream.indirect.scatter.add.f32 [tilespmem:s16], [sflag:$0x3], $0x80, s29, s20, $0xb8;
	[tilespmem:$0x1E800] =	vst v63  }
0x8b: {  	_ =	swait.ge [sflag:s18], $0x4000  }
0x8c: {  	[sflag:s18] =	ssyncset.done $0x0  }
0x8d: {  	[sflag:s18] =	ssyncadd.s32 $0xFFFFC000  }
0x8e: {  	_ =	swait.ge [sflag:s22], $0x4000  }
0x8f: {  	[sflag:s22] =	ssyncset.done $0x0  }
0x90: {  	s30 =	simm.s32 $0x100;
	[sflag:s22] =	ssyncadd.s32 $0xFFFFC000  }
0x91: {  	[tilespmem:s16], [sflag:$0x1] =	stream.indirect.gather [hbm4b:s4+s20], $0x80, s30, s20, $0xb8;
	[tilespmem:$0x1E800] =	vst v63  }
0x92: {  	s31 =	simm.s32 $0x1480  }
0x93: {  	[spmem:s2] =	stream.indirect.scatter.add.f32 [tilespmem:s21], [sflag:$0x3], $0x80, s31, s20, $0xb8;
	[tilespmem:$0x1E800] =	vst v63  }
0x94: {  	_ =	swait.ge [sflag:s18], $0x4000  }
0x95: {  	s26 =	simm.s32 $0x400;
	[sflag:s18] =	ssyncset.done $0x0  }
.LBB2_6:
0x96: {  	p0 =	sne.s32 s26, $0x4800  }
0x97: {  	[sflag:s18] =	ssyncadd.s32 $0xFFFFC000;
	s28 =	smov.u32 s26;
	s26 =	sadd.s32 $0x400, s26  }
0x98: {  	_ = 	snop  }
0x99: {  	_ =	swait.ge [sflag:s17], $0x4000  }
0x9a: {  	s28 =	sshra.s32 s28, $0x2;
	[sflag:s17] =	ssyncset.done $0x0  }
0x9b: {  	s29 =	sadd.s32 $0x80, s28;
	[sflag:s17] =	ssyncadd.s32 $0xFFFFC000  }
0x9c: {  	[tilespmem:s21], [sflag:$0x2] =	stream.indirect.gather [hbm4b:s4+s20], $0x80, s29, s20, $0xb8;
	[tilespmem:$0x1E800] =	vst v63  }
0x9d: {  	s29 =	sadd.s32 $0x1400, s28  }
0x9e: {  	[spmem:s2] =	stream.indirect.scatter.add.f32 [tilespmem:s16], [sflag:$0x3], $0x80, s29, s20, $0xb8;
	[tilespmem:$0x1E800] =	vst v63  }
0x9f: {  	_ =	swait.ge [sflag:s18], $0x4000  }
0xa0: {  	[sflag:s18] =	ssyncset.done $0x0  }
0xa1: {  	[sflag:s18] =	ssyncadd.s32 $0xFFFFC000  }
0xa2: {  	_ =	swait.ge [sflag:s22], $0x4000  }
0xa3: {  	[sflag:s22] =	ssyncset.done $0x0  }
0xa4: {  	s29 =	sadd.s32 $0x100, s28;
	[sflag:s22] =	ssyncadd.s32 $0xFFFFC000  }
0xa5: {  	[tilespmem:s16], [sflag:$0x1] =	stream.indirect.gather [hbm4b:s4+s20], $0x80, s29, s20, $0xb8;
	[tilespmem:$0x1E800] =	vst v63  }
.Ltmp2:
0xa6: {  	_ = 	snop;
	(pc) =	sbr.rel @p0 .LBB2_6-.Ltmp2, $4  }
0xa7: {  	s28 =	sadd.s32 $0x1480, s28  }
0xa8: {  	[spmem:s2] =	stream.indirect.scatter.add.f32 [tilespmem:s21], [sflag:$0x3], $0x80, s28, s20, $0xb8;
	[tilespmem:$0x1E800] =	vst v63  }
0xa9: {  	_ =	swait.ge [sflag:s18], $0x4000  }
0xaa: {  	[sflag:s18] =	ssyncset.done $0x0  }
0xab: {  	[sflag:s18] =	ssyncadd.s32 $0xFFFFC000  }
0xac: {  	_ =	swait.ge [sflag:s17], $0x4000  }
0xad: {  	[sflag:s17] =	ssyncset.done $0x0  }
0xae: {  	[sflag:s17] =	ssyncadd.s32 $0xFFFFC000  }
0xaf: {  	[tilespmem:s21], [sflag:$0x2] =	stream.indirect.gather [hbm4b:s4+s20], $0x80, s23, s20, $0xb8;
	[tilespmem:$0x1E800] =	vst v63  }
0xb0: {  	_ = 	snop  }
0xb1: {  	[spmem:s2] =	stream.indirect.scatter.add.f32 [tilespmem:s16], [sflag:$0x3], $0x80, s24, s20, $0xb8;
	[tilespmem:$0x1E800] =	vst v63  }
0xb2: {  	_ =	swait.ge [sflag:s18], $0x4000  }
0xb3: {  	[sflag:s18] =	ssyncset.done $0x0  }
0xb4: {  	[sflag:s18] =	ssyncadd.s32 $0xFFFFC000  }
0xb5: {  	_ =	swait.ge [sflag:s22], $0x4000  }
0xb6: {  	[sflag:s22] =	ssyncset.done $0x0  }
0xb7: {  	[sflag:s22] =	ssyncadd.s32 $0xFFFFC000  }
0xb8: {  	[spmem:s2] =	stream.indirect.scatter.add.f32 [tilespmem:s21], [sflag:$0x3], $0x80, s25, s20, $0xb8;
	[tilespmem:$0x1E800] =	vst v63  }
0xb9: {  	_ =	swait.ge [sflag:s18], $0x4000  }
0xba: {  	s26 =	sshll.u32 s1, $0x6;
	s3 =	sadd.s32 $0x1, s3;
	[sflag:s18] =	ssyncset.done $0x0  }
0xbb: {  	s28 =	sshrl.u32 s5, $0x3;
	p0 =	sne.s32 s3, s15;
	[sflag:s18] =	ssyncadd.s32 $0xFFFFC000  }
.Ltmp3:
0xbc: {  	s26 =	sor.u32 $0x1C03, s26;
	[bflag:$0x0] =	sbarrier.arrive $0xFFFF;
	(pc) =	sbr.rel @p0 .LBB2_1-.Ltmp3, $4  }
0xbd: {  	[hbm:s14], [sflag:s26] =	dma.local [spmem:s28], $0x2800  }
0xbe: {  	_ =	swait.ge [sflag:s18], $0x2800  }
0xbf: {  	[sflag:s18] =	ssyncset.done $0x0  }
0xc0: {  	[sflag:s18] =	ssyncadd.s32 $0xFFFFD800  }
0xc1: {  	_ =	sfence.sel $0x180000  }
0xc2: {  	[bflag:$0x0] =	sbarrier.arrive $0xFFFF  }
0xc3: {  	p0 =	sne.s32 s1, $0x0;
	_ =	strace $0x9000004A  }
0xc4: {  	s0 =	sadd.s32 @!p0 $0x100000, s0;
	[bflag:$0x2] =	sbarrier.arrive $0xFFFF  }
0xc5: {  	[sflag:s0] =	ssyncadd.tile.s32 @!p0 $0x1;
	_ =	shalt  }
.Lfunc_end2:
_tile_overlayer_lowered:
.L_overlay_start_2:
0xc6: {  	(tag) =	ssettag $0x2  }
0xc7: {  	s0 =	rddreg [dreg:$0x0];
	s2 =	stileid.u32  }
0xc8: {  	s1 =	rddreg [dreg:$0x1];
	p0 =	sne.s32 s2, $0x0  }
0xc9: {  	s3 =	rddreg [dreg:$0x2];
	[bflag:$0x3] =	sbarrier.arrive $0xFFFF;
	s2 =	simm.s32 @!p0 $0x1C03  }
0xca: {  	[timem:s3], [sflag:s2] =	dma.local @!p0 [hbm:s0], s1  }
0xcb: {  	s0 =	simm.s32 @!p0 $0x3  }
0xcc: {  	_ =	swait.ge @!p0 [sflag:s0], s1  }
0xcd: {  	s1 =	ssub.s32 @!p0 $0x0, s1;
	[sflag:s0] =	ssyncset.done @!p0 $0x0  }
0xce: {  	[sflag:s0] =	ssyncadd.s32 @!p0 s1  }
0xcf: {  	[bflag:$0x3] =	sbarrier.arrive $0xFFFF  }
0xd0: {  	_ =	shalt  }

// kernel: kernel.15.cloned.1.call-start
scs
__scs_entry_jumppad:
0x0: {  	(pc) =	sbr.rel $0x88, $3  }
0x1: {  	(tag) =	ssettag $0x0;
	lr =	simm.s32 $0x1  }
0x2: {  	[smem:$0x3F81] =	sst lr;
	_ =	strace $0xD0000000  }
0x3: {  	_ = 	snop  }
0x4: {  	_ = 	snop  }
0x5: {  	_ = 	snop  }
0x6: {  	_ = 	snop  }
0x7: {  	_ = 	snop  }
__scs_overlays_trampoline_lowered:
0x8: {  	[smem:$0x3F90] =	sst s0  }
0x9: {  	[smem:$0x3F91] =	sst s1  }
0xa: {  	[smem:$0x3F92] =	sst s2  }
0xb: {  	[smem:$0x3F93] =	sst s3  }
0xc: {  	[smem:$0x3F94] =	sst s4  }
0xd: {  	[smem:$0x3F95] =	sst s5  }
0xe: {  	[smem:$0x3F96] =	sst s6  }
0xf: {  	[smem:$0x3F97] =	sst s7  }
0x10: {  	[smem:$0x3F98] =	sst s8  }
0x11: {  	[smem:$0x3F99] =	sst s9;
	s0 =	simm.s32 @!p0 $0x0  }
0x12: {  	s1 =	sld [smem:$0x3F7F];
	s0 =	simm.s32 @p0 $0x1  }
0x13: {  	[smem:$0x3F9A] =	sst s0;
	s0 =	simm.s32 @!p1 $0x0  }
0x14: {  	s2 =	sld [smem:$0x3F7E];
	s0 =	simm.s32 @p1 $0x1  }
0x15: {  	[smem:$0x3F9B] =	sst s0;
	s0 =	simm.s32 @!p2 $0x0  }
0x16: {  	s3 =	sld [smem:$0x3FDB];
	s0 =	simm.s32 @p2 $0x1  }
0x17: {  	s4 =	simm.s32 $0x1BF5;
	[smem:$0x3F9D] =	sst s0  }
0x18: {  	s0 =	sld [smem:$0x3F80];
	_ =	swait.ge [sflag:s4], $0x0  }
0x19: {  	s7 =	sld [smem:$0x3F81]  }
0x1a: {  	s8 =	sadd.s32 $0xFFFFE003, lr  }
0x1b: {  	s9 =	sadd.s32 $0xFFFFFEF7, lr;
	s5 =	simm.s32 $0xFFFFFFFF;
	p2 =	slt.u32 s8, $0xFFFFF086  }
0x1c: {  	p1 =	slt.u32 s9, $0xF7A;
	s5 =	simm.s32 @!p2 $0x0  }
0x1d: {  	s5 =	simm.s32 @p1 $0x1;
	p0 =	seq.s32 s7, s2  }
0x1e: {  	s7 =	smul.u32 @!p0 $0xF7A, s2;
	p2 =	seq.s32 @!p0 s5, $0x0  }
0x1f: {  	s9 =	smul.u32 $0xF7A, s1;
	s8 =	simm.s32 @!p0 $0x1BF5;
	p2 =	por !p2, p0  }
0x20: {  	[sflag:s8] =	ssyncset.s32 @!p0 $0xFFFFF086;
	s6 =	sadd.s32 @!p0 s3, s7;
	s7 =	simm.s32 @!p0 $0x108  }
0x21: {  	s3 =	sadd.s32 s3, s9;
	s6 =	sadd.s32 @!p0 $0x88, s6;
	s7 =	simm.s32 @p2 $0x1082  }
0x22: {  	[simem:s7], [sflag:s8] =	dma.local @!p0 [hbm:s6], $0xF7A  }
0x23: {  	s9 =	sor.u32 $0xD0000000, s2;
	s6 =	simm.s32 $0x108;
	_ =	swait.ge @!p0 [sflag:s8], $0x0  }
0x24: {  	s3 =	sadd.s32 $0x88, s3;
	s6 =	simm.s32 @!p1 $0x1082;
	[sflag:s4] =	ssyncset.s32 $0xFFFFF086  }
0x25: {  	[simem:s6], [sflag:s4] =	dma.local [hbm:s3], $0xF7A  }
0x26: {  	[smem:$0x3F81] =	sst s1;
	(tag) =	ssettag s2;
	_ =	strace s9  }
0x27: {  	s1 =	sld [smem:$0x3F91]  }
0x28: {  	s2 =	sld [smem:$0x3F92]  }
0x29: {  	s4 =	sld [smem:$0x3F94]  }
0x2a: {  	p0 =	seq.s32 s5, $0x0;
	s5 =	sld [smem:$0x3F95]  }
0x2b: {  	s6 =	sld [smem:$0x3F96]  }
0x2c: {  	s7 =	sld [smem:$0x3F97]  }
0x2d: {  	s3 =	simm.s32 $0x108;
	s8 =	sld [smem:$0x3F98]  }
0x2e: {  	s3 =	simm.s32 @!p0 $0x1082;
	s9 =	sld [smem:$0x3F99]  }
0x2f: {  	lr =	sadd.s32 s0, s3;
	s0 =	sld [smem:$0x3F90]  }
0x30: {  	s3 =	sld [smem:$0x3F93]  }
0x31: {  	[smem:$0x3F9C] =	sst s10  }
0x32: {  	s10 =	sld [smem:$0x3F9A];
	_ =	sdelay $0x3  }
0x33: {  	p0 =	seq.s32 s10, $0x1;
	s10 =	sld [smem:$0x3F9C];
	_ =	sdelay $0x3  }
0x34: {  	[smem:$0x3F9C] =	sst s10  }
0x35: {  	s10 =	sld [smem:$0x3F9B];
	_ =	sdelay $0x3  }
0x36: {  	p1 =	seq.s32 s10, $0x1;
	s10 =	sld [smem:$0x3F9C];
	_ =	sdelay $0x3  }
0x37: {  	[smem:$0x3F9C] =	sst s10  }
0x38: {  	s10 =	sld [smem:$0x3F9D]  }
0x39: {  	_ = 	snop;
	(pc) =	sbr.ind lr, $3  }
0x3a: {  	_ = 	snop  }
0x3b: {  	_ = 	snop  }
0x3c: {  	p2 =	seq.s32 s10, $0x1;
	s10 =	sld [smem:$0x3F9C]  }
0x3d: {  	_ =	shalt  }
0x3e: {  	_ =	shalt  }
0x3f: {  	_ =	shalt  }
0x40: {  	_ =	shalt  }
0x41: {  	_ =	shalt  }
0x42: {  	_ =	shalt  }
0x43: {  	_ =	shalt  }
0x44: {  	_ =	shalt  }
0x45: {  	_ =	shalt  }
0x46: {  	_ =	shalt  }
0x47: {  	_ =	shalt  }
0x48: {  	_ =	shalt  }
0x49: {  	_ =	shalt  }
0x4a: {  	_ =	shalt  }
0x4b: {  	_ =	shalt  }
0x4c: {  	_ =	shalt  }
0x4d: {  	_ =	shalt  }
0x4e: {  	_ =	shalt  }
0x4f: {  	_ =	shalt  }
0x50: {  	_ =	shalt  }
0x51: {  	_ =	shalt  }
0x52: {  	_ =	shalt  }
0x53: {  	_ =	shalt  }
0x54: {  	_ =	shalt  }
0x55: {  	_ =	shalt  }
0x56: {  	_ =	shalt  }
0x57: {  	_ =	shalt  }
0x58: {  	_ =	shalt  }
0x59: {  	_ =	shalt  }
0x5a: {  	_ =	shalt  }
0x5b: {  	_ =	shalt  }
0x5c: {  	_ =	shalt  }
0x5d: {  	_ =	shalt  }
0x5e: {  	_ =	shalt  }
0x5f: {  	_ =	shalt  }
0x60: {  	_ =	shalt  }
0x61: {  	_ =	shalt  }
0x62: {  	_ =	shalt  }
0x63: {  	_ =	shalt  }
0x64: {  	_ =	shalt  }
0x65: {  	_ =	shalt  }
0x66: {  	_ =	shalt  }
0x67: {  	_ =	shalt  }
0x68: {  	_ =	shalt  }
0x69: {  	_ =	shalt  }
0x6a: {  	_ =	shalt  }
0x6b: {  	_ =	shalt  }
0x6c: {  	_ =	shalt  }
0x6d: {  	_ =	shalt  }
0x6e: {  	_ =	shalt  }
0x6f: {  	_ =	shalt  }
0x70: {  	_ =	shalt  }
0x71: {  	_ =	shalt  }
0x72: {  	_ =	shalt  }
0x73: {  	_ =	shalt  }
0x74: {  	_ =	shalt  }
0x75: {  	_ =	shalt  }
0x76: {  	_ =	shalt  }
0x77: {  	_ =	shalt  }
0x78: {  	_ =	shalt  }
0x79: {  	_ =	shalt  }
0x7a: {  	_ =	shalt  }
0x7b: {  	_ =	shalt  }
0x7c: {  	_ =	shalt  }
0x7d: {  	_ =	shalt  }
0x7e: {  	_ =	shalt  }
0x7f: {  	_ =	shalt  }
0x80: {  	_ =	shalt  }
0x81: {  	_ =	shalt  }
0x82: {  	_ =	shalt  }
0x83: {  	_ =	shalt  }
0x84: {  	_ =	shalt  }
0x85: {  	_ =	shalt  }
0x86: {  	_ =	shalt  }
0x87: {  	_ =	shalt  }
.Lfunc_end0:
.L_simem_size_0:
called_computation.2_lowered:
.L_overlay_start_0:
0x88: {  	s2 =	sld [smem:$0x3FD9]  }
0x89: {  	s3 =	sld [smem:$0x3FFE];
	_ =	sdelay $0x1  }
0x8a: {  	s1 =	srdreg.scid  }
0x8b: {  	s0 =	sand.u32 $0x1, s1  }
0x8c: {  	s16 =	sshll.u32 s0, $0xA;
	s2 =	sadd.s32 s3, s2  }
0x8d: {  	s2 =	sadd.s32 s2, s16  }
0x8e: {  	[smem:$0x3FA8] =	sst s2  }
0x8f: {  	_ = 	snop  }
0x90: {  	(tm) =	ssettm $0x1  }
0x91: {  	s17 =	sld [smem:$0x3FFB];
	_ =	sdelay $0x3  }
0x92: {  	_ =	strace s17  }
0x93: {  	s2 =	sld [smem:$0x3FFC];
	_ =	sdelay $0x3  }
0x94: {  	_ =	strace s2  }
0x95: {  	s2 =	sld [smem:$0x3FFD];
	_ =	sdelay $0x3  }
0x96: {  	_ =	strace s2  }
0x97: {  	_ =	strace $0x8FFFFFFF  }
0x98: {  	s18 =	sld [smem:$0x3FDB];
	_ =	sdelay $0x1  }
0x99: {  	s19 =	simm.s32 $_scs_section_size  }
0x9a: {  	s4 =	simm.s32 $_size__tile_overlayer_lowered;
	s5 =	simm.s32 $_tile_overlayer_lowered  }
0x9b: {  	s22 =	simm.s32 $0x1BFF;
	s21 =	sshll.u32 s5, $0x1;
	s2 =	sadd.s32 s19, s18  }
0x9c: {  	s6 =	simm.s32 $0x0;
	s20 =	sshll.u32 s4, $0x1;
	s4 =	sadd.s32 s21, s2  }
0x9d: {  	[timem:s6], [sflag:s22] =	dma.local [hbm:s4], s20  }
0x9e: {  	_ =	swait.ge [sflag:s22], s20  }
0x9f: {  	s3 =	ssub.s32 $0x0, s20;
	[sflag:s22] =	ssyncset.done $0x0  }
0xa0: {  	[sflag:s22] =	ssyncadd.s32 s3;
	_ =	sdelay $0x1  }
0xa1: {  	s23 =	simm.s32 $0x1B8B  }
0xa2: {  	_ =	swait.ge [sflag:s23], $0x1  }
0xa3: {  	[sflag:s23] =	ssyncset.done $0x0  }
0xa4: {  	s25 =	simm.s32 $0x1B8E;
	s24 =	sld [smem:$0x3FFE];
	[sflag:s23] =	ssyncadd.s32 $0xFFFFFFFF  }
0xa5: {  	s26 =	simm.s32 $execute0_lowered;
	[smem:$0x3FD2] =	sst s25  }
0xa6: {  	s4 =	sshll.u32 s26, $0x1;
	_ =	strace $0x8000004C;
	[dreg:$0x1] =	wrdreg $0xFFFFFFFF  }
0xa7: {  	s28 =	simm.s32 $_size_execute0_lowered;
	s2 =	sadd.s32 s2, s4;
	[dreg:$0x0] =	wrdreg $0x0  }
0xa8: {  	s4 =	sshll.u32 s28, $0x1;
	[dreg:$0x2] =	wrdreg s2  }
0xa9: {  	[dreg:$0x3] =	wrdreg s4  }
0xaa: {  	[dreg:$0x4] =	wrdreg $0xC0  }
0xab: {  	_ =	task [dreg:s6], $0x5FFFF  }
0xac: {  	[dreg:$0x1] =	wrdreg $0xFFFFFFFF  }
0xad: {  	[dreg:$0x0] =	wrdreg $0x60  }
0xae: {  	[dreg:$0x2] =	wrdreg s24  }
0xaf: {  	[dreg:$0x3] =	wrdreg $0xA8000  }
0xb0: {  	[dreg:$0x4] =	wrdreg $0x9  }
0xb1: {  	_ =	task.clear_ibuf [dreg:s6], $0x5FFFF;
	_ =	strace $0x9000004C  }
0xb2: {  	s29 =	simm.s32 $0x9;
	_ =	strace $0x8000004E  }
0xb3: {  	_ =	swait.ge [sflag:s29], $0x1  }
0xb4: {  	[sflag:s29] =	ssyncadd.s32 $0xFFFFFFFF  }
0xb5: {  	_ =	strace $0x9000004E  }
0xb6: {  	_ =	sfence  }
0xb7: {  	s30 =	sld [smem:$0x0];
	_ =	sdelay $0x2  }
0xb8: {  	s31 =	sshll.u32 s1, $0xD;
	s1 =	sshrl.u32 s1, $0x2  }
0xb9: {  	s3 =	sand.u32 $0x4000, s31;
	s1 =	sadd.s32 s1, s30  }
0xba: {  	s0 =	sor.u32 s3, s0;
	s1 =	sshll.u32 s1, $0x11  }
0xbb: {  	s0 =	sor.u32 s1, s0  }
0xbc: {  	s0 =	sadd.s32 $0x8F2B, s0  }
0xbd: {  	[sflag:s0] =	ssyncadd.remote.s32 $0x1  }
0xbe: {  	_ =	sfence.sel $0xFFFF  }
0xbf: {  	[dreg:$0x0] =	wrdreg $0xFFFFFFFF;
	(pc) =	sbr.abs _section_cstart, $3  }
0xc0: {  	[dreg:$0x1] =	wrdreg $0xFFFFFFFF  }
0xc1: {  	_ =	task.clear_ibuf [dreg:s6], $0x2FFFF;
	_ =	strace $0x9FFFFFFF  }
0xc2: {  	(tm) =	ssettm $0x7FFFFFFF  }
0xc3: {  	_ =	shalt  }
tec
execute0_lowered:
.L_overlay_start_1:
0x0: {  	(tag) =	ssettag $0x1  }
0x1: {  	s6 =	rddreg [dreg:$0x0]  }
0x2: {  	s2 =	rddreg [dreg:$0x1]  }
0x3: {  	s0 =	rddreg [dreg:$0x2];
	s3 =	simm.s32 $0x0;
	s4 =	srdreg.scid  }
0x4: {  	s1 =	stileid.u32;
	s17 =	simm.s32 $0x1;
	s18 =	simm.s32 $0x3  }
0x5: {  	s19 =	simm.s32 $0x1400;
	s20 =	simm.s32 $0x80;
	s21 =	simm.s32 $0x6800  }
0x6: {  	s22 =	simm.s32 $0x2;
	s23 =	simm.s32 $0x1380;
	s24 =	simm.s32 $0x2700  }
0x7: {  	s25 =	simm.s32 $0x2780;
	[smem:$0x7FF] =	sst s3;
	s7 =	smul.u32 $0x2800, s1  }
0x8: {  	s5 =	sand.u32 $0x1, s4;
	s4 =	sadd.s32 $0x6C00, s6;
	s9 =	smul.u32 $0x50000, s1  }
0x9: {  	s12 =	sadd.s32 $0x38C00, s6;
	s13 =	sadd.s32 $0x2EC00, s6;
	s8 =	smul.u32 $0x28000, s5  }
0xa: {  	s29 =	sshll.u32 s1, $0x1;
	_ =	strace $0x8000004D;
	s10 =	ssub.s32 $0x2, s5  }
0xb: {  	s30 =	sshrl.u32 s9, $0x2;
	s31 =	sshrl.u32 s10, $0x1;
	s7 =	sadd.s32 s7, s8  }
0xc: {  	s8 =	sor.u32 s5, s29;
	s5 =	sadd.s32 s30, s2;
	s15 =	ssub.s32 s10, s31  }
0xd: {  	s11 =	smul.u32 $0x2800, s8;
	s14 =	sadd.s32 s7, s6;
	s6 =	sadd.s32 $0x4000, s5  }
0xe: {  	s7 =	sadd.s32 $0x8000, s5;
	s8 =	sadd.s32 $0xC000, s5;
	s9 =	sadd.s32 $0x10000, s5  }
0xf: {  	s15 =	smax.u32 s15, $0x1;
	s14 =	sadd.s32 $0x42C00, s14;
	s11 =	sshrl.u32 s11, $0x3  }
0x10: {  	s10 =	sadd.s32 s12, s11;
	s16 =	sadd.s32 $0x280, s11;
	s11 =	sadd.s32 s13, s11  }
0x11: {  	v0 =	vimm.f32 $0.0e+00;
	s12 =	sadd.s32 s12, s16;
	s13 =	sadd.s32 s13, s16;
	s16 =	simm.s32 $0x2800  }
.LBB2_1:
0x12: {  	s26 =	simm.s32 $0x0;
	s28 =	simm.s32 $0x200  }
.LBB2_2:
0x13: {  	p0 =	sne.s32 s28, $0xFE00;
	[tilespmem:s26+$0x2870] =	vst v0  }
0x14: {  	[tilespmem:s26+$0x2800] =	vst v0  }
0x15: {  	[tilespmem:s26+$0x2810] =	vst v0  }
.Ltmp0:
0x16: {  	[tilespmem:s26+$0x2820] =	vst v0;
	(pc) =	sbr.rel @p0 .LBB2_2-.Ltmp0, $4  }
0x17: {  	[tilespmem:s26+$0x2830] =	vst v0  }
0x18: {  	[tilespmem:s26+$0x2840] =	vst v0  }
0x19: {  	[tilespmem:s26+$0x2850] =	vst v0  }
0x1a: {  	[tilespmem:s26+$0x2860] =	vst v0;
	s26 =	sshra.s32 s28, $0x2;
	s28 =	sadd.s32 $0x200, s28  }
0x1b: {  	[tilespmem:s26+$0x2870] =	vst v0  }
0x1c: {  	[tilespmem:s26+$0x2800] =	vst v0  }
0x1d: {  	[tilespmem:s26+$0x2810] =	vst v0  }
0x1e: {  	[tilespmem:s26+$0x2820] =	vst v0  }
0x1f: {  	[tilespmem:s26+$0x2830] =	vst v0  }
0x20: {  	[tilespmem:s26+$0x2840] =	vst v0  }
0x21: {  	[tilespmem:s26+$0x2850] =	vst v0  }
0x22: {  	[tilespmem:s26+$0x2860] =	vst v0  }
0x23: {  	[spmem:s5] =	stream.linear.scatter [tilespmem:s16], [sflag:$0x1], $0x4000, $0x38;
	[tilespmem:$0x1E800] =	vst v63  }
0x24: {  	_ = 	snop  }
0x25: {  	[spmem:s6] =	stream.linear.scatter [tilespmem:s16], [sflag:$0x1], $0x4000, $0x38;
	[tilespmem:$0x1E800] =	vst v63  }
0x26: {  	_ = 	snop  }
0x27: {  	[spmem:s7] =	stream.linear.scatter [tilespmem:s16], [sflag:$0x1], $0x4000, $0x38;
	[tilespmem:$0x1E800] =	vst v63  }
0x28: {  	_ = 	snop  }
0x29: {  	[spmem:s8] =	stream.linear.scatter [tilespmem:s16], [sflag:$0x1], $0x4000, $0x38;
	[tilespmem:$0x1E800] =	vst v63  }
0x2a: {  	_ = 	snop  }
0x2b: {  	[spmem:s9] =	stream.linear.scatter [tilespmem:s16], [sflag:$0x1], $0x4000, $0x38;
	[tilespmem:$0x1E800] =	vst v63  }
0x2c: {  	_ =	swait.ge [sflag:s17], $0x4000  }
0x2d: {  	[sflag:s17] =	ssyncset.done $0x0  }
0x2e: {  	[sflag:s17] =	ssyncadd.s32 $0xFFFFC000  }
0x2f: {  	_ =	swait.ge [sflag:s17], $0x4000  }
0x30: {  	[sflag:s17] =	ssyncset.done $0x0  }
0x31: {  	[sflag:s17] =	ssyncadd.s32 $0xFFFFC000  }
0x32: {  	_ =	swait.ge [sflag:s17], $0x4000  }
0x33: {  	[sflag:s17] =	ssyncset.done $0x0  }
0x34: {  	[sflag:s17] =	ssyncadd.s32 $0xFFFFC000  }
0x35: {  	_ =	swait.ge [sflag:s17], $0x4000  }
0x36: {  	[sflag:s17] =	ssyncset.done $0x0  }
0x37: {  	[sflag:s17] =	ssyncadd.s32 $0xFFFFC000  }
0x38: {  	_ =	swait.ge [sflag:s17], $0x4000  }
0x39: {  	[sflag:s17] =	ssyncset.done $0x0  }
0x3a: {  	[sflag:s17] =	ssyncadd.s32 $0xFFFFC000  }
0x3b: {  	s31 =	simm.s32 $0x0;
	[bflag:$0x0] =	sbarrier.arrive $0xFFFF  }
0x3c: {  	[tilespmem:s31], [sflag:$0x3] =	stream.linear.gather [hbm4b:s10+s31], $0x1400, $0x38;
	[tilespmem:$0x1E800] =	vst v63  }
0x3d: {  	_ =	swait.ge [sflag:s18], $0x1400  }
0x3e: {  	[sflag:s18] =	ssyncset.done $0x0  }
0x3f: {  	[sflag:s18] =	ssyncadd.s32 $0xFFFFEC00  }
0x40: {  	[tilespmem:s19], [sflag:$0x3] =	stream.linear.gather [hbm4b:s11+s31], $0x1400, $0x38;
	[tilespmem:$0x1E800] =	vst v63  }
0x41: {  	_ =	swait.ge [sflag:s18], $0x1400  }
0x42: {  	[sflag:s18] =	ssyncset.done $0x0  }
0x43: {  	[sflag:s18] =	ssyncadd.s32 $0xFFFFEC00  }
0x44: {  	[tilespmem:s16], [sflag:$0x1] =	stream.indirect.gather [hbm4b:s4+s20], $0x80, s31, s20, $0xb8;
	[tilespmem:$0x1E800] =	vst v63  }
0x45: {  	_ =	swait.ge [sflag:s17], $0x4000  }
0x46: {  	[sflag:s17] =	ssyncset.done $0x0  }
0x47: {  	s28 =	simm.s32 $0x80;
	[sflag:s17] =	ssyncadd.s32 $0xFFFFC000  }
0x48: {  	[tilespmem:s21], [sflag:$0x2] =	stream.indirect.gather [hbm4b:s4+s20], $0x80, s28, s20, $0xb8;
	[tilespmem:$0x1E800] =	vst v63  }
0x49: {  	s29 =	simm.s32 $0x1400  }
0x4a: {  	[spmem:s2] =	stream.indirect.scatter.add.f32 [tilespmem:s16], [sflag:$0x3], $0x80, s29, s20, $0xb8;
	[tilespmem:$0x1E800] =	vst v63  }
0x4b: {  	_ =	swait.ge [sflag:s18], $0x4000  }
0x4c: {  	[sflag:s18] =	ssyncset.done $0x0  }
0x4d: {  	[sflag:s18] =	ssyncadd.s32 $0xFFFFC000  }
0x4e: {  	_ =	swait.ge [sflag:s22], $0x4000  }
0x4f: {  	[sflag:s22] =	ssyncset.done $0x0  }
0x50: {  	s30 =	simm.s32 $0x100;
	[sflag:s22] =	ssyncadd.s32 $0xFFFFC000  }
0x51: {  	[tilespmem:s16], [sflag:$0x1] =	stream.indirect.gather [hbm4b:s4+s20], $0x80, s30, s20, $0xb8;
	[tilespmem:$0x1E800] =	vst v63  }
0x52: {  	s31 =	simm.s32 $0x1480  }
0x53: {  	[spmem:s2] =	stream.indirect.scatter.add.f32 [tilespmem:s21], [sflag:$0x3], $0x80, s31, s20, $0xb8;
	[tilespmem:$0x1E800] =	vst v63  }
0x54: {  	_ =	swait.ge [sflag:s18], $0x4000  }
0x55: {  	s26 =	simm.s32 $0x400;
	[sflag:s18] =	ssyncset.done $0x0  }
.LBB2_4:
0x56: {  	p0 =	sne.s32 s26, $0x4800  }
0x57: {  	[sflag:s18] =	ssyncadd.s32 $0xFFFFC000;
	s28 =	smov.u32 s26;
	s26 =	sadd.s32 $0x400, s26  }
0x58: {  	_ = 	snop  }
0x59: {  	_ =	swait.ge [sflag:s17], $0x4000  }
0x5a: {  	s28 =	sshra.s32 s28, $0x2;
	[sflag:s17] =	ssyncset.done $0x0  }
0x5b: {  	s29 =	sadd.s32 $0x80, s28;
	[sflag:s17] =	ssyncadd.s32 $0xFFFFC000  }
0x5c: {  	[tilespmem:s21], [sflag:$0x2] =	stream.indirect.gather [hbm4b:s4+s20], $0x80, s29, s20, $0xb8;
	[tilespmem:$0x1E800] =	vst v63  }
0x5d: {  	s29 =	sadd.s32 $0x1400, s28  }
0x5e: {  	[spmem:s2] =	stream.indirect.scatter.add.f32 [tilespmem:s16], [sflag:$0x3], $0x80, s29, s20, $0xb8;
	[tilespmem:$0x1E800] =	vst v63  }
0x5f: {  	_ =	swait.ge [sflag:s18], $0x4000  }
0x60: {  	[sflag:s18] =	ssyncset.done $0x0  }
0x61: {  	[sflag:s18] =	ssyncadd.s32 $0xFFFFC000  }
0x62: {  	_ =	swait.ge [sflag:s22], $0x4000  }
0x63: {  	[sflag:s22] =	ssyncset.done $0x0  }
0x64: {  	s29 =	sadd.s32 $0x100, s28;
	[sflag:s22] =	ssyncadd.s32 $0xFFFFC000  }
0x65: {  	[tilespmem:s16], [sflag:$0x1] =	stream.indirect.gather [hbm4b:s4+s20], $0x80, s29, s20, $0xb8;
	[tilespmem:$0x1E800] =	vst v63  }
.Ltmp1:
0x66: {  	_ = 	snop;
	(pc) =	sbr.rel @p0 .LBB2_4-.Ltmp1, $4  }
0x67: {  	s28 =	sadd.s32 $0x1480, s28  }
0x68: {  	[spmem:s2] =	stream.indirect.scatter.add.f32 [tilespmem:s21], [sflag:$0x3], $0x80, s28, s20, $0xb8;
	[tilespmem:$0x1E800] =	vst v63  }
0x69: {  	_ =	swait.ge [sflag:s18], $0x4000  }
0x6a: {  	[sflag:s18] =	ssyncset.done $0x0  }
0x6b: {  	[sflag:s18] =	ssyncadd.s32 $0xFFFFC000  }
0x6c: {  	_ =	swait.ge [sflag:s17], $0x4000  }
0x6d: {  	[sflag:s17] =	ssyncset.done $0x0  }
0x6e: {  	[sflag:s17] =	ssyncadd.s32 $0xFFFFC000  }
0x6f: {  	[tilespmem:s21], [sflag:$0x2] =	stream.indirect.gather [hbm4b:s4+s20], $0x80, s23, s20, $0xb8;
	[tilespmem:$0x1E800] =	vst v63  }
0x70: {  	_ = 	snop  }
0x71: {  	[spmem:s2] =	stream.indirect.scatter.add.f32 [tilespmem:s16], [sflag:$0x3], $0x80, s24, s20, $0xb8;
	[tilespmem:$0x1E800] =	vst v63  }
0x72: {  	_ =	swait.ge [sflag:s18], $0x4000  }
0x73: {  	[sflag:s18] =	ssyncset.done $0x0  }
0x74: {  	[sflag:s18] =	ssyncadd.s32 $0xFFFFC000  }
0x75: {  	_ =	swait.ge [sflag:s22], $0x4000  }
0x76: {  	[sflag:s22] =	ssyncset.done $0x0  }
0x77: {  	[sflag:s22] =	ssyncadd.s32 $0xFFFFC000  }
0x78: {  	[spmem:s2] =	stream.indirect.scatter.add.f32 [tilespmem:s21], [sflag:$0x3], $0x80, s25, s20, $0xb8;
	[tilespmem:$0x1E800] =	vst v63  }
0x79: {  	_ =	swait.ge [sflag:s18], $0x4000  }
0x7a: {  	[sflag:s18] =	ssyncset.done $0x0  }
0x7b: {  	s26 =	simm.s32 $0x0;
	[sflag:s18] =	ssyncadd.s32 $0xFFFFC000  }
0x7c: {  	[tilespmem:s26], [sflag:$0x3] =	stream.linear.gather [hbm4b:s12+s26], $0x1400, $0x38;
	[tilespmem:$0x1E800] =	vst v63  }
0x7d: {  	_ =	swait.ge [sflag:s18], $0x1400  }
0x7e: {  	[sflag:s18] =	ssyncset.done $0x0  }
0x7f: {  	[sflag:s18] =	ssyncadd.s32 $0xFFFFEC00  }
0x80: {  	[tilespmem:s19], [sflag:$0x3] =	stream.linear.gather [hbm4b:s13+s26], $0x1400, $0x38;
	[tilespmem:$0x1E800] =	vst v63  }
0x81: {  	_ =	swait.ge [sflag:s18], $0x1400  }
0x82: {  	[sflag:s18] =	ssyncset.done $0x0  }
0x83: {  	[sflag:s18] =	ssyncadd.s32 $0xFFFFEC00  }
0x84: {  	[tilespmem:s16], [sflag:$0x1] =	stream.indirect.gather [hbm4b:s4+s20], $0x80, s26, s20, $0xb8;
	[tilespmem:$0x1E800] =	vst v63  }
0x85: {  	_ =	swait.ge [sflag:s17], $0x4000  }
0x86: {  	[sflag:s17] =	ssyncset.done $0x0  }
0x87: {  	s28 =	simm.s32 $0x80;
	[sflag:s17] =	ssyncadd.s32 $0xFFFFC000  }
0x88: {  	[tilespmem:s21], [sflag:$0x2] =	stream.indirect.gather [hbm4b:s4+s20], $0x80, s28, s20, $0xb8;
	[tilespmem:$0x1E800] =	vst v63  }
0x89: {  	s29 =	simm.s32 $0x1400  }
0x8a: {  	[spmem:s2] =	stream.indirect.scatter.add.f32 [tilespmem:s16], [sflag:$0x3], $0x80, s29, s20, $0xb8;
	[tilespmem:$0x1E800] =	vst v63  }
0x8b: {  	_ =	swait.ge [sflag:s18], $0x4000  }
0x8c: {  	[sflag:s18] =	ssyncset.done $0x0  }
0x8d: {  	[sflag:s18] =	ssyncadd.s32 $0xFFFFC000  }
0x8e: {  	_ =	swait.ge [sflag:s22], $0x4000  }
0x8f: {  	[sflag:s22] =	ssyncset.done $0x0  }
0x90: {  	s30 =	simm.s32 $0x100;
	[sflag:s22] =	ssyncadd.s32 $0xFFFFC000  }
0x91: {  	[tilespmem:s16], [sflag:$0x1] =	stream.indirect.gather [hbm4b:s4+s20], $0x80, s30, s20, $0xb8;
	[tilespmem:$0x1E800] =	vst v63  }
0x92: {  	s31 =	simm.s32 $0x1480  }
0x93: {  	[spmem:s2] =	stream.indirect.scatter.add.f32 [tilespmem:s21], [sflag:$0x3], $0x80, s31, s20, $0xb8;
	[tilespmem:$0x1E800] =	vst v63  }
0x94: {  	_ =	swait.ge [sflag:s18], $0x4000  }
0x95: {  	s26 =	simm.s32 $0x400;
	[sflag:s18] =	ssyncset.done $0x0  }
.LBB2_6:
0x96: {  	p0 =	sne.s32 s26, $0x4800  }
0x97: {  	[sflag:s18] =	ssyncadd.s32 $0xFFFFC000;
	s28 =	smov.u32 s26;
	s26 =	sadd.s32 $0x400, s26  }
0x98: {  	_ = 	snop  }
0x99: {  	_ =	swait.ge [sflag:s17], $0x4000  }
0x9a: {  	s28 =	sshra.s32 s28, $0x2;
	[sflag:s17] =	ssyncset.done $0x0  }
0x9b: {  	s29 =	sadd.s32 $0x80, s28;
	[sflag:s17] =	ssyncadd.s32 $0xFFFFC000  }
0x9c: {  	[tilespmem:s21], [sflag:$0x2] =	stream.indirect.gather [hbm4b:s4+s20], $0x80, s29, s20, $0xb8;
	[tilespmem:$0x1E800] =	vst v63  }
0x9d: {  	s29 =	sadd.s32 $0x1400, s28  }
0x9e: {  	[spmem:s2] =	stream.indirect.scatter.add.f32 [tilespmem:s16], [sflag:$0x3], $0x80, s29, s20, $0xb8;
	[tilespmem:$0x1E800] =	vst v63  }
0x9f: {  	_ =	swait.ge [sflag:s18], $0x4000  }
0xa0: {  	[sflag:s18] =	ssyncset.done $0x0  }
0xa1: {  	[sflag:s18] =	ssyncadd.s32 $0xFFFFC000  }
0xa2: {  	_ =	swait.ge [sflag:s22], $0x4000  }
0xa3: {  	[sflag:s22] =	ssyncset.done $0x0  }
0xa4: {  	s29 =	sadd.s32 $0x100, s28;
	[sflag:s22] =	ssyncadd.s32 $0xFFFFC000  }
0xa5: {  	[tilespmem:s16], [sflag:$0x1] =	stream.indirect.gather [hbm4b:s4+s20], $0x80, s29, s20, $0xb8;
	[tilespmem:$0x1E800] =	vst v63  }
.Ltmp2:
0xa6: {  	_ = 	snop;
	(pc) =	sbr.rel @p0 .LBB2_6-.Ltmp2, $4  }
0xa7: {  	s28 =	sadd.s32 $0x1480, s28  }
0xa8: {  	[spmem:s2] =	stream.indirect.scatter.add.f32 [tilespmem:s21], [sflag:$0x3], $0x80, s28, s20, $0xb8;
	[tilespmem:$0x1E800] =	vst v63  }
0xa9: {  	_ =	swait.ge [sflag:s18], $0x4000  }
0xaa: {  	[sflag:s18] =	ssyncset.done $0x0  }
0xab: {  	[sflag:s18] =	ssyncadd.s32 $0xFFFFC000  }
0xac: {  	_ =	swait.ge [sflag:s17], $0x4000  }
0xad: {  	[sflag:s17] =	ssyncset.done $0x0  }
0xae: {  	[sflag:s17] =	ssyncadd.s32 $0xFFFFC000  }
0xaf: {  	[tilespmem:s21], [sflag:$0x2] =	stream.indirect.gather [hbm4b:s4+s20], $0x80, s23, s20, $0xb8;
	[tilespmem:$0x1E800] =	vst v63  }
0xb0: {  	_ = 	snop  }
0xb1: {  	[spmem:s2] =	stream.indirect.scatter.add.f32 [tilespmem:s16], [sflag:$0x3], $0x80, s24, s20, $0xb8;
	[tilespmem:$0x1E800] =	vst v63  }
0xb2: {  	_ =	swait.ge [sflag:s18], $0x4000  }
0xb3: {  	[sflag:s18] =	ssyncset.done $0x0  }
0xb4: {  	[sflag:s18] =	ssyncadd.s32 $0xFFFFC000  }
0xb5: {  	_ =	swait.ge [sflag:s22], $0x4000  }
0xb6: {  	[sflag:s22] =	ssyncset.done $0x0  }
0xb7: {  	[sflag:s22] =	ssyncadd.s32 $0xFFFFC000  }
0xb8: {  	[spmem:s2] =	stream.indirect.scatter.add.f32 [tilespmem:s21], [sflag:$0x3], $0x80, s25, s20, $0xb8;
	[tilespmem:$0x1E800] =	vst v63  }
0xb9: {  	_ =	swait.ge [sflag:s18], $0x4000  }
0xba: {  	s26 =	sshll.u32 s1, $0x6;
	s3 =	sadd.s32 $0x1, s3;
	[sflag:s18] =	ssyncset.done $0x0  }
0xbb: {  	s28 =	sshrl.u32 s5, $0x3;
	p0 =	sne.s32 s3, s15;
	[sflag:s18] =	ssyncadd.s32 $0xFFFFC000  }
.Ltmp3:
0xbc: {  	s26 =	sor.u32 $0x1C03, s26;
	[bflag:$0x0] =	sbarrier.arrive $0xFFFF;
	(pc) =	sbr.rel @p0 .LBB2_1-.Ltmp3, $4  }
0xbd: {  	[hbm:s14], [sflag:s26] =	dma.local [spmem:s28], $0x2800  }
0xbe: {  	_ =	swait.ge [sflag:s18], $0x2800  }
0xbf: {  	[sflag:s18] =	ssyncset.done $0x0  }
0xc0: {  	[sflag:s18] =	ssyncadd.s32 $0xFFFFD800  }
0xc1: {  	_ =	sfence.sel $0x180000  }
0xc2: {  	[bflag:$0x0] =	sbarrier.arrive $0xFFFF  }
0xc3: {  	p0 =	sne.s32 s1, $0x0;
	_ =	strace $0x9000004D  }
0xc4: {  	s0 =	sadd.s32 @!p0 $0x100000, s0;
	[bflag:$0x2] =	sbarrier.arrive $0xFFFF  }
0xc5: {  	[sflag:s0] =	ssyncadd.tile.s32 @!p0 $0x1;
	_ =	shalt  }
.Lfunc_end2:
_tile_overlayer_lowered:
.L_overlay_start_2:
0xc6: {  	(tag) =	ssettag $0x2  }
0xc7: {  	s0 =	rddreg [dreg:$0x0];
	s2 =	stileid.u32  }
0xc8: {  	s1 =	rddreg [dreg:$0x1];
	p0 =	sne.s32 s2, $0x0  }
0xc9: {  	s3 =	rddreg [dreg:$0x2];
	[bflag:$0x3] =	sbarrier.arrive $0xFFFF;
	s2 =	simm.s32 @!p0 $0x1C03  }
0xca: {  	[timem:s3], [sflag:s2] =	dma.local @!p0 [hbm:s0], s1  }
0xcb: {  	s0 =	simm.s32 @!p0 $0x3  }
0xcc: {  	_ =	swait.ge @!p0 [sflag:s0], s1  }
0xcd: {  	s1 =	ssub.s32 @!p0 $0x0, s1;
	[sflag:s0] =	ssyncset.done @!p0 $0x0  }
0xce: {  	[sflag:s0] =	ssyncadd.s32 @!p0 s1  }
0xcf: {  	[bflag:$0x3] =	sbarrier.arrive $0xFFFF  }
0xd0: {  	_ =	shalt  }

// kernel: kernel.9.cloned.1.call-start
scs
__scs_entry_jumppad:
0x0: {  	(pc) =	sbr.rel $0x88, $3  }
0x1: {  	(tag) =	ssettag $0x0;
	lr =	simm.s32 $0x1  }
0x2: {  	[smem:$0x3F81] =	sst lr;
	_ =	strace $0xD0000000  }
0x3: {  	_ = 	snop  }
0x4: {  	_ = 	snop  }
0x5: {  	_ = 	snop  }
0x6: {  	_ = 	snop  }
0x7: {  	_ = 	snop  }
__scs_overlays_trampoline_lowered:
0x8: {  	[smem:$0x3F90] =	sst s0  }
0x9: {  	[smem:$0x3F91] =	sst s1  }
0xa: {  	[smem:$0x3F92] =	sst s2  }
0xb: {  	[smem:$0x3F93] =	sst s3  }
0xc: {  	[smem:$0x3F94] =	sst s4  }
0xd: {  	[smem:$0x3F95] =	sst s5  }
0xe: {  	[smem:$0x3F96] =	sst s6  }
0xf: {  	[smem:$0x3F97] =	sst s7  }
0x10: {  	[smem:$0x3F98] =	sst s8  }
0x11: {  	[smem:$0x3F99] =	sst s9;
	s0 =	simm.s32 @!p0 $0x0  }
0x12: {  	s1 =	sld [smem:$0x3F7F];
	s0 =	simm.s32 @p0 $0x1  }
0x13: {  	[smem:$0x3F9A] =	sst s0;
	s0 =	simm.s32 @!p1 $0x0  }
0x14: {  	s2 =	sld [smem:$0x3F7E];
	s0 =	simm.s32 @p1 $0x1  }
0x15: {  	[smem:$0x3F9B] =	sst s0;
	s0 =	simm.s32 @!p2 $0x0  }
0x16: {  	s3 =	sld [smem:$0x3FDB];
	s0 =	simm.s32 @p2 $0x1  }
0x17: {  	s4 =	simm.s32 $0x1BF5;
	[smem:$0x3F9D] =	sst s0  }
0x18: {  	s0 =	sld [smem:$0x3F80];
	_ =	swait.ge [sflag:s4], $0x0  }
0x19: {  	s7 =	sld [smem:$0x3F81]  }
0x1a: {  	s8 =	sadd.s32 $0xFFFFE003, lr  }
0x1b: {  	s9 =	sadd.s32 $0xFFFFFEF7, lr;
	s5 =	simm.s32 $0xFFFFFFFF;
	p2 =	slt.u32 s8, $0xFFFFF086  }
0x1c: {  	p1 =	slt.u32 s9, $0xF7A;
	s5 =	simm.s32 @!p2 $0x0  }
0x1d: {  	s5 =	simm.s32 @p1 $0x1;
	p0 =	seq.s32 s7, s2  }
0x1e: {  	s7 =	smul.u32 @!p0 $0xF7A, s2;
	p2 =	seq.s32 @!p0 s5, $0x0  }
0x1f: {  	s9 =	smul.u32 $0xF7A, s1;
	s8 =	simm.s32 @!p0 $0x1BF5;
	p2 =	por !p2, p0  }
0x20: {  	[sflag:s8] =	ssyncset.s32 @!p0 $0xFFFFF086;
	s6 =	sadd.s32 @!p0 s3, s7;
	s7 =	simm.s32 @!p0 $0x108  }
0x21: {  	s3 =	sadd.s32 s3, s9;
	s6 =	sadd.s32 @!p0 $0x88, s6;
	s7 =	simm.s32 @p2 $0x1082  }
0x22: {  	[simem:s7], [sflag:s8] =	dma.local @!p0 [hbm:s6], $0xF7A  }
0x23: {  	s9 =	sor.u32 $0xD0000000, s2;
	s6 =	simm.s32 $0x108;
	_ =	swait.ge @!p0 [sflag:s8], $0x0  }
0x24: {  	s3 =	sadd.s32 $0x88, s3;
	s6 =	simm.s32 @!p1 $0x1082;
	[sflag:s4] =	ssyncset.s32 $0xFFFFF086  }
0x25: {  	[simem:s6], [sflag:s4] =	dma.local [hbm:s3], $0xF7A  }
0x26: {  	[smem:$0x3F81] =	sst s1;
	(tag) =	ssettag s2;
	_ =	strace s9  }
0x27: {  	s1 =	sld [smem:$0x3F91]  }
0x28: {  	s2 =	sld [smem:$0x3F92]  }
0x29: {  	s4 =	sld [smem:$0x3F94]  }
0x2a: {  	p0 =	seq.s32 s5, $0x0;
	s5 =	sld [smem:$0x3F95]  }
0x2b: {  	s6 =	sld [smem:$0x3F96]  }
0x2c: {  	s7 =	sld [smem:$0x3F97]  }
0x2d: {  	s3 =	simm.s32 $0x108;
	s8 =	sld [smem:$0x3F98]  }
0x2e: {  	s3 =	simm.s32 @!p0 $0x1082;
	s9 =	sld [smem:$0x3F99]  }
0x2f: {  	lr =	sadd.s32 s0, s3;
	s0 =	sld [smem:$0x3F90]  }
0x30: {  	s3 =	sld [smem:$0x3F93]  }
0x31: {  	[smem:$0x3F9C] =	sst s10  }
0x32: {  	s10 =	sld [smem:$0x3F9A];
	_ =	sdelay $0x3  }
0x33: {  	p0 =	seq.s32 s10, $0x1;
	s10 =	sld [smem:$0x3F9C];
	_ =	sdelay $0x3  }
0x34: {  	[smem:$0x3F9C] =	sst s10  }
0x35: {  	s10 =	sld [smem:$0x3F9B];
	_ =	sdelay $0x3  }
0x36: {  	p1 =	seq.s32 s10, $0x1;
	s10 =	sld [smem:$0x3F9C];
	_ =	sdelay $0x3  }
0x37: {  	[smem:$0x3F9C] =	sst s10  }
0x38: {  	s10 =	sld [smem:$0x3F9D]  }
0x39: {  	_ = 	snop;
	(pc) =	sbr.ind lr, $3  }
0x3a: {  	_ = 	snop  }
0x3b: {  	_ = 	snop  }
0x3c: {  	p2 =	seq.s32 s10, $0x1;
	s10 =	sld [smem:$0x3F9C]  }
0x3d: {  	_ =	shalt  }
0x3e: {  	_ =	shalt  }
0x3f: {  	_ =	shalt  }
0x40: {  	_ =	shalt  }
0x41: {  	_ =	shalt  }
0x42: {  	_ =	shalt  }
0x43: {  	_ =	shalt  }
0x44: {  	_ =	shalt  }
0x45: {  	_ =	shalt  }
0x46: {  	_ =	shalt  }
0x47: {  	_ =	shalt  }
0x48: {  	_ =	shalt  }
0x49: {  	_ =	shalt  }
0x4a: {  	_ =	shalt  }
0x4b: {  	_ =	shalt  }
0x4c: {  	_ =	shalt  }
0x4d: {  	_ =	shalt  }
0x4e: {  	_ =	shalt  }
0x4f: {  	_ =	shalt  }
0x50: {  	_ =	shalt  }
0x51: {  	_ =	shalt  }
0x52: {  	_ =	shalt  }
0x53: {  	_ =	shalt  }
0x54: {  	_ =	shalt  }
0x55: {  	_ =	shalt  }
0x56: {  	_ =	shalt  }
0x57: {  	_ =	shalt  }
0x58: {  	_ =	shalt  }
0x59: {  	_ =	shalt  }
0x5a: {  	_ =	shalt  }
0x5b: {  	_ =	shalt  }
0x5c: {  	_ =	shalt  }
0x5d: {  	_ =	shalt  }
0x5e: {  	_ =	shalt  }
0x5f: {  	_ =	shalt  }
0x60: {  	_ =	shalt  }
0x61: {  	_ =	shalt  }
0x62: {  	_ =	shalt  }
0x63: {  	_ =	shalt  }
0x64: {  	_ =	shalt  }
0x65: {  	_ =	shalt  }
0x66: {  	_ =	shalt  }
0x67: {  	_ =	shalt  }
0x68: {  	_ =	shalt  }
0x69: {  	_ =	shalt  }
0x6a: {  	_ =	shalt  }
0x6b: {  	_ =	shalt  }
0x6c: {  	_ =	shalt  }
0x6d: {  	_ =	shalt  }
0x6e: {  	_ =	shalt  }
0x6f: {  	_ =	shalt  }
0x70: {  	_ =	shalt  }
0x71: {  	_ =	shalt  }
0x72: {  	_ =	shalt  }
0x73: {  	_ =	shalt  }
0x74: {  	_ =	shalt  }
0x75: {  	_ =	shalt  }
0x76: {  	_ =	shalt  }
0x77: {  	_ =	shalt  }
0x78: {  	_ =	shalt  }
0x79: {  	_ =	shalt  }
0x7a: {  	_ =	shalt  }
0x7b: {  	_ =	shalt  }
0x7c: {  	_ =	shalt  }
0x7d: {  	_ =	shalt  }
0x7e: {  	_ =	shalt  }
0x7f: {  	_ =	shalt  }
0x80: {  	_ =	shalt  }
0x81: {  	_ =	shalt  }
0x82: {  	_ =	shalt  }
0x83: {  	_ =	shalt  }
0x84: {  	_ =	shalt  }
0x85: {  	_ =	shalt  }
0x86: {  	_ =	shalt  }
0x87: {  	_ =	shalt  }
.Lfunc_end0:
.L_simem_size_0:
called_computation_lowered:
.L_overlay_start_0:
0x88: {  	s2 =	sld [smem:$0x3FD9]  }
0x89: {  	s3 =	sld [smem:$0x3FFE];
	_ =	sdelay $0x1  }
0x8a: {  	s1 =	srdreg.scid  }
0x8b: {  	s0 =	sand.u32 $0x1, s1  }
0x8c: {  	s16 =	sshll.u32 s0, $0xA;
	s2 =	sadd.s32 s3, s2  }
0x8d: {  	s2 =	sadd.s32 s2, s16  }
0x8e: {  	[smem:$0x3FA8] =	sst s2  }
0x8f: {  	_ = 	snop  }
0x90: {  	(tm) =	ssettm $0x1  }
0x91: {  	s17 =	sld [smem:$0x3FFB];
	_ =	sdelay $0x3  }
0x92: {  	_ =	strace s17  }
0x93: {  	s2 =	sld [smem:$0x3FFC];
	_ =	sdelay $0x3  }
0x94: {  	_ =	strace s2  }
0x95: {  	s2 =	sld [smem:$0x3FFD];
	_ =	sdelay $0x3  }
0x96: {  	_ =	strace s2  }
0x97: {  	_ =	strace $0x8FFFFFFF  }
0x98: {  	s18 =	sld [smem:$0x3FDB];
	_ =	sdelay $0x1  }
0x99: {  	s19 =	simm.s32 $_scs_section_size  }
0x9a: {  	s4 =	simm.s32 $_size__tile_overlayer_lowered;
	s5 =	simm.s32 $_tile_overlayer_lowered  }
0x9b: {  	s22 =	simm.s32 $0x1BFF;
	s21 =	sshll.u32 s5, $0x1;
	s2 =	sadd.s32 s19, s18  }
0x9c: {  	s6 =	simm.s32 $0x0;
	s20 =	sshll.u32 s4, $0x1;
	s4 =	sadd.s32 s21, s2  }
0x9d: {  	[timem:s6], [sflag:s22] =	dma.local [hbm:s4], s20  }
0x9e: {  	_ =	swait.ge [sflag:s22], s20  }
0x9f: {  	s3 =	ssub.s32 $0x0, s20;
	[sflag:s22] =	ssyncset.done $0x0  }
0xa0: {  	[sflag:s22] =	ssyncadd.s32 s3;
	_ =	sdelay $0x1  }
0xa1: {  	s23 =	simm.s32 $0x1B8B  }
0xa2: {  	_ =	swait.ge [sflag:s23], $0x1  }
0xa3: {  	[sflag:s23] =	ssyncset.done $0x0  }
0xa4: {  	s25 =	simm.s32 $0x1B8E;
	s24 =	sld [smem:$0x3FFE];
	[sflag:s23] =	ssyncadd.s32 $0xFFFFFFFF  }
0xa5: {  	s26 =	simm.s32 $execute0_lowered;
	[smem:$0x3FD2] =	sst s25  }
0xa6: {  	s4 =	sshll.u32 s26, $0x1;
	_ =	strace $0x80000046;
	[dreg:$0x1] =	wrdreg $0xFFFFFFFF  }
0xa7: {  	s28 =	simm.s32 $_size_execute0_lowered;
	s2 =	sadd.s32 s2, s4;
	[dreg:$0x0] =	wrdreg $0x0  }
0xa8: {  	s4 =	sshll.u32 s28, $0x1;
	[dreg:$0x2] =	wrdreg s2  }
0xa9: {  	[dreg:$0x3] =	wrdreg s4  }
0xaa: {  	[dreg:$0x4] =	wrdreg $0xC0  }
0xab: {  	_ =	task [dreg:s6], $0x5FFFF  }
0xac: {  	[dreg:$0x1] =	wrdreg $0xFFFFFFFF  }
0xad: {  	[dreg:$0x0] =	wrdreg $0x60  }
0xae: {  	[dreg:$0x2] =	wrdreg s24  }
0xaf: {  	[dreg:$0x3] =	wrdreg $0xA8000  }
0xb0: {  	[dreg:$0x4] =	wrdreg $0x9  }
0xb1: {  	_ =	task.clear_ibuf [dreg:s6], $0x5FFFF;
	_ =	strace $0x90000046  }
0xb2: {  	s29 =	simm.s32 $0x9;
	_ =	strace $0x80000048  }
0xb3: {  	_ =	swait.ge [sflag:s29], $0x1  }
0xb4: {  	[sflag:s29] =	ssyncadd.s32 $0xFFFFFFFF  }
0xb5: {  	_ =	strace $0x90000048  }
0xb6: {  	_ =	sfence  }
0xb7: {  	s30 =	sld [smem:$0x0];
	_ =	sdelay $0x2  }
0xb8: {  	s31 =	sshll.u32 s1, $0xD;
	s1 =	sshrl.u32 s1, $0x2  }
0xb9: {  	s3 =	sand.u32 $0x4000, s31;
	s1 =	sadd.s32 s1, s30  }
0xba: {  	s0 =	sor.u32 s3, s0;
	s1 =	sshll.u32 s1, $0x11  }
0xbb: {  	s0 =	sor.u32 s1, s0  }
0xbc: {  	s0 =	sadd.s32 $0x8F2B, s0  }
0xbd: {  	[sflag:s0] =	ssyncadd.remote.s32 $0x1  }
0xbe: {  	_ =	sfence.sel $0xFFFF  }
0xbf: {  	[dreg:$0x0] =	wrdreg $0xFFFFFFFF;
	(pc) =	sbr.abs _section_cstart, $3  }
0xc0: {  	[dreg:$0x1] =	wrdreg $0xFFFFFFFF  }
0xc1: {  	_ =	task.clear_ibuf [dreg:s6], $0x2FFFF;
	_ =	strace $0x9FFFFFFF  }
0xc2: {  	(tm) =	ssettm $0x7FFFFFFF  }
0xc3: {  	_ =	shalt  }
tec
execute0_lowered:
.L_overlay_start_1:
0x0: {  	(tag) =	ssettag $0x1  }
0x1: {  	s6 =	rddreg [dreg:$0x0]  }
0x2: {  	s2 =	rddreg [dreg:$0x1]  }
0x3: {  	s0 =	rddreg [dreg:$0x2];
	s3 =	simm.s32 $0x0;
	s4 =	srdreg.scid  }
0x4: {  	s1 =	stileid.u32;
	s17 =	simm.s32 $0x1;
	s18 =	simm.s32 $0x3  }
0x5: {  	s19 =	simm.s32 $0x1400;
	s20 =	simm.s32 $0x80;
	s21 =	simm.s32 $0x6800  }
0x6: {  	s22 =	simm.s32 $0x2;
	s23 =	simm.s32 $0x1380;
	s24 =	simm.s32 $0x2700  }
0x7: {  	s25 =	simm.s32 $0x2780;
	[smem:$0x7FF] =	sst s3;
	s7 =	smul.u32 $0x2800, s1  }
0x8: {  	s5 =	sand.u32 $0x1, s4;
	s4 =	sadd.s32 $0x6C00, s6;
	s9 =	smul.u32 $0x50000, s1  }
0x9: {  	s12 =	sadd.s32 $0x38C00, s6;
	s13 =	sadd.s32 $0x2EC00, s6;
	s8 =	smul.u32 $0x28000, s5  }
0xa: {  	s29 =	sshll.u32 s1, $0x1;
	_ =	strace $0x80000047;
	s10 =	ssub.s32 $0x2, s5  }
0xb: {  	s30 =	sshrl.u32 s9, $0x2;
	s31 =	sshrl.u32 s10, $0x1;
	s7 =	sadd.s32 s7, s8  }
0xc: {  	s8 =	sor.u32 s5, s29;
	s5 =	sadd.s32 s30, s2;
	s15 =	ssub.s32 s10, s31  }
0xd: {  	s11 =	smul.u32 $0x2800, s8;
	s14 =	sadd.s32 s7, s6;
	s6 =	sadd.s32 $0x4000, s5  }
0xe: {  	s7 =	sadd.s32 $0x8000, s5;
	s8 =	sadd.s32 $0xC000, s5;
	s9 =	sadd.s32 $0x10000, s5  }
0xf: {  	s15 =	smax.u32 s15, $0x1;
	s14 =	sadd.s32 $0x42C00, s14;
	s11 =	sshrl.u32 s11, $0x3  }
0x10: {  	s10 =	sadd.s32 s12, s11;
	s16 =	sadd.s32 $0x280, s11;
	s11 =	sadd.s32 s13, s11  }
0x11: {  	v0 =	vimm.f32 $0.0e+00;
	s12 =	sadd.s32 s12, s16;
	s13 =	sadd.s32 s13, s16;
	s16 =	simm.s32 $0x2800  }
.LBB2_1:
0x12: {  	s26 =	simm.s32 $0x0;
	s28 =	simm.s32 $0x200  }
.LBB2_2:
0x13: {  	p0 =	sne.s32 s28, $0xFE00;
	[tilespmem:s26+$0x2870] =	vst v0  }
0x14: {  	[tilespmem:s26+$0x2800] =	vst v0  }
0x15: {  	[tilespmem:s26+$0x2810] =	vst v0  }
.Ltmp0:
0x16: {  	[tilespmem:s26+$0x2820] =	vst v0;
	(pc) =	sbr.rel @p0 .LBB2_2-.Ltmp0, $4  }
0x17: {  	[tilespmem:s26+$0x2830] =	vst v0  }
0x18: {  	[tilespmem:s26+$0x2840] =	vst v0  }
0x19: {  	[tilespmem:s26+$0x2850] =	vst v0  }
0x1a: {  	[tilespmem:s26+$0x2860] =	vst v0;
	s26 =	sshra.s32 s28, $0x2;
	s28 =	sadd.s32 $0x200, s28  }
0x1b: {  	[tilespmem:s26+$0x2870] =	vst v0  }
0x1c: {  	[tilespmem:s26+$0x2800] =	vst v0  }
0x1d: {  	[tilespmem:s26+$0x2810] =	vst v0  }
0x1e: {  	[tilespmem:s26+$0x2820] =	vst v0  }
0x1f: {  	[tilespmem:s26+$0x2830] =	vst v0  }
0x20: {  	[tilespmem:s26+$0x2840] =	vst v0  }
0x21: {  	[tilespmem:s26+$0x2850] =	vst v0  }
0x22: {  	[tilespmem:s26+$0x2860] =	vst v0  }
0x23: {  	[spmem:s5] =	stream.linear.scatter [tilespmem:s16], [sflag:$0x1], $0x4000, $0x38;
	[tilespmem:$0x1E800] =	vst v63  }
0x24: {  	_ = 	snop  }
0x25: {  	[spmem:s6] =	stream.linear.scatter [tilespmem:s16], [sflag:$0x1], $0x4000, $0x38;
	[tilespmem:$0x1E800] =	vst v63  }
0x26: {  	_ = 	snop  }
0x27: {  	[spmem:s7] =	stream.linear.scatter [tilespmem:s16], [sflag:$0x1], $0x4000, $0x38;
	[tilespmem:$0x1E800] =	vst v63  }
0x28: {  	_ = 	snop  }
0x29: {  	[spmem:s8] =	stream.linear.scatter [tilespmem:s16], [sflag:$0x1], $0x4000, $0x38;
	[tilespmem:$0x1E800] =	vst v63  }
0x2a: {  	_ = 	snop  }
0x2b: {  	[spmem:s9] =	stream.linear.scatter [tilespmem:s16], [sflag:$0x1], $0x4000, $0x38;
	[tilespmem:$0x1E800] =	vst v63  }
0x2c: {  	_ =	swait.ge [sflag:s17], $0x4000  }
0x2d: {  	[sflag:s17] =	ssyncset.done $0x0  }
0x2e: {  	[sflag:s17] =	ssyncadd.s32 $0xFFFFC000  }
0x2f: {  	_ =	swait.ge [sflag:s17], $0x4000  }
0x30: {  	[sflag:s17] =	ssyncset.done $0x0  }
0x31: {  	[sflag:s17] =	ssyncadd.s32 $0xFFFFC000  }
0x32: {  	_ =	swait.ge [sflag:s17], $0x4000  }
0x33: {  	[sflag:s17] =	ssyncset.done $0x0  }
0x34: {  	[sflag:s17] =	ssyncadd.s32 $0xFFFFC000  }
0x35: {  	_ =	swait.ge [sflag:s17], $0x4000  }
0x36: {  	[sflag:s17] =	ssyncset.done $0x0  }
0x37: {  	[sflag:s17] =	ssyncadd.s32 $0xFFFFC000  }
0x38: {  	_ =	swait.ge [sflag:s17], $0x4000  }
0x39: {  	[sflag:s17] =	ssyncset.done $0x0  }
0x3a: {  	[sflag:s17] =	ssyncadd.s32 $0xFFFFC000  }
0x3b: {  	s31 =	simm.s32 $0x0;
	[bflag:$0x0] =	sbarrier.arrive $0xFFFF  }
0x3c: {  	[tilespmem:s31], [sflag:$0x3] =	stream.linear.gather [hbm4b:s10+s31], $0x1400, $0x38;
	[tilespmem:$0x1E800] =	vst v63  }
0x3d: {  	_ =	swait.ge [sflag:s18], $0x1400  }
0x3e: {  	[sflag:s18] =	ssyncset.done $0x0  }
0x3f: {  	[sflag:s18] =	ssyncadd.s32 $0xFFFFEC00  }
0x40: {  	[tilespmem:s19], [sflag:$0x3] =	stream.linear.gather [hbm4b:s11+s31], $0x1400, $0x38;
	[tilespmem:$0x1E800] =	vst v63  }
0x41: {  	_ =	swait.ge [sflag:s18], $0x1400  }
0x42: {  	[sflag:s18] =	ssyncset.done $0x0  }
0x43: {  	[sflag:s18] =	ssyncadd.s32 $0xFFFFEC00  }
0x44: {  	[tilespmem:s16], [sflag:$0x1] =	stream.indirect.gather [hbm4b:s4+s20], $0x80, s31, s20, $0xb8;
	[tilespmem:$0x1E800] =	vst v63  }
0x45: {  	_ =	swait.ge [sflag:s17], $0x4000  }
0x46: {  	[sflag:s17] =	ssyncset.done $0x0  }
0x47: {  	s28 =	simm.s32 $0x80;
	[sflag:s17] =	ssyncadd.s32 $0xFFFFC000  }
0x48: {  	[tilespmem:s21], [sflag:$0x2] =	stream.indirect.gather [hbm4b:s4+s20], $0x80, s28, s20, $0xb8;
	[tilespmem:$0x1E800] =	vst v63  }
0x49: {  	s29 =	simm.s32 $0x1400  }
0x4a: {  	[spmem:s2] =	stream.indirect.scatter.add.f32 [tilespmem:s16], [sflag:$0x3], $0x80, s29, s20, $0xb8;
	[tilespmem:$0x1E800] =	vst v63  }
0x4b: {  	_ =	swait.ge [sflag:s18], $0x4000  }
0x4c: {  	[sflag:s18] =	ssyncset.done $0x0  }
0x4d: {  	[sflag:s18] =	ssyncadd.s32 $0xFFFFC000  }
0x4e: {  	_ =	swait.ge [sflag:s22], $0x4000  }
0x4f: {  	[sflag:s22] =	ssyncset.done $0x0  }
0x50: {  	s30 =	simm.s32 $0x100;
	[sflag:s22] =	ssyncadd.s32 $0xFFFFC000  }
0x51: {  	[tilespmem:s16], [sflag:$0x1] =	stream.indirect.gather [hbm4b:s4+s20], $0x80, s30, s20, $0xb8;
	[tilespmem:$0x1E800] =	vst v63  }
0x52: {  	s31 =	simm.s32 $0x1480  }
0x53: {  	[spmem:s2] =	stream.indirect.scatter.add.f32 [tilespmem:s21], [sflag:$0x3], $0x80, s31, s20, $0xb8;
	[tilespmem:$0x1E800] =	vst v63  }
0x54: {  	_ =	swait.ge [sflag:s18], $0x4000  }
0x55: {  	s26 =	simm.s32 $0x400;
	[sflag:s18] =	ssyncset.done $0x0  }
.LBB2_4:
0x56: {  	p0 =	sne.s32 s26, $0x4800  }
0x57: {  	[sflag:s18] =	ssyncadd.s32 $0xFFFFC000;
	s28 =	smov.u32 s26;
	s26 =	sadd.s32 $0x400, s26  }
0x58: {  	_ = 	snop  }
0x59: {  	_ =	swait.ge [sflag:s17], $0x4000  }
0x5a: {  	s28 =	sshra.s32 s28, $0x2;
	[sflag:s17] =	ssyncset.done $0x0  }
0x5b: {  	s29 =	sadd.s32 $0x80, s28;
	[sflag:s17] =	ssyncadd.s32 $0xFFFFC000  }
0x5c: {  	[tilespmem:s21], [sflag:$0x2] =	stream.indirect.gather [hbm4b:s4+s20], $0x80, s29, s20, $0xb8;
	[tilespmem:$0x1E800] =	vst v63  }
0x5d: {  	s29 =	sadd.s32 $0x1400, s28  }
0x5e: {  	[spmem:s2] =	stream.indirect.scatter.add.f32 [tilespmem:s16], [sflag:$0x3], $0x80, s29, s20, $0xb8;
	[tilespmem:$0x1E800] =	vst v63  }
0x5f: {  	_ =	swait.ge [sflag:s18], $0x4000  }
0x60: {  	[sflag:s18] =	ssyncset.done $0x0  }
0x61: {  	[sflag:s18] =	ssyncadd.s32 $0xFFFFC000  }
0x62: {  	_ =	swait.ge [sflag:s22], $0x4000  }
0x63: {  	[sflag:s22] =	ssyncset.done $0x0  }
0x64: {  	s29 =	sadd.s32 $0x100, s28;
	[sflag:s22] =	ssyncadd.s32 $0xFFFFC000  }
0x65: {  	[tilespmem:s16], [sflag:$0x1] =	stream.indirect.gather [hbm4b:s4+s20], $0x80, s29, s20, $0xb8;
	[tilespmem:$0x1E800] =	vst v63  }
.Ltmp1:
0x66: {  	_ = 	snop;
	(pc) =	sbr.rel @p0 .LBB2_4-.Ltmp1, $4  }
0x67: {  	s28 =	sadd.s32 $0x1480, s28  }
0x68: {  	[spmem:s2] =	stream.indirect.scatter.add.f32 [tilespmem:s21], [sflag:$0x3], $0x80, s28, s20, $0xb8;
	[tilespmem:$0x1E800] =	vst v63  }
0x69: {  	_ =	swait.ge [sflag:s18], $0x4000  }
0x6a: {  	[sflag:s18] =	ssyncset.done $0x0  }
0x6b: {  	[sflag:s18] =	ssyncadd.s32 $0xFFFFC000  }
0x6c: {  	_ =	swait.ge [sflag:s17], $0x4000  }
0x6d: {  	[sflag:s17] =	ssyncset.done $0x0  }
0x6e: {  	[sflag:s17] =	ssyncadd.s32 $0xFFFFC000  }
0x6f: {  	[tilespmem:s21], [sflag:$0x2] =	stream.indirect.gather [hbm4b:s4+s20], $0x80, s23, s20, $0xb8;
	[tilespmem:$0x1E800] =	vst v63  }
0x70: {  	_ = 	snop  }
0x71: {  	[spmem:s2] =	stream.indirect.scatter.add.f32 [tilespmem:s16], [sflag:$0x3], $0x80, s24, s20, $0xb8;
	[tilespmem:$0x1E800] =	vst v63  }
0x72: {  	_ =	swait.ge [sflag:s18], $0x4000  }
0x73: {  	[sflag:s18] =	ssyncset.done $0x0  }
0x74: {  	[sflag:s18] =	ssyncadd.s32 $0xFFFFC000  }
0x75: {  	_ =	swait.ge [sflag:s22], $0x4000  }
0x76: {  	[sflag:s22] =	ssyncset.done $0x0  }
0x77: {  	[sflag:s22] =	ssyncadd.s32 $0xFFFFC000  }
0x78: {  	[spmem:s2] =	stream.indirect.scatter.add.f32 [tilespmem:s21], [sflag:$0x3], $0x80, s25, s20, $0xb8;
	[tilespmem:$0x1E800] =	vst v63  }
0x79: {  	_ =	swait.ge [sflag:s18], $0x4000  }
0x7a: {  	[sflag:s18] =	ssyncset.done $0x0  }
0x7b: {  	s26 =	simm.s32 $0x0;
	[sflag:s18] =	ssyncadd.s32 $0xFFFFC000  }
0x7c: {  	[tilespmem:s26], [sflag:$0x3] =	stream.linear.gather [hbm4b:s12+s26], $0x1400, $0x38;
	[tilespmem:$0x1E800] =	vst v63  }
0x7d: {  	_ =	swait.ge [sflag:s18], $0x1400  }
0x7e: {  	[sflag:s18] =	ssyncset.done $0x0  }
0x7f: {  	[sflag:s18] =	ssyncadd.s32 $0xFFFFEC00  }
0x80: {  	[tilespmem:s19], [sflag:$0x3] =	stream.linear.gather [hbm4b:s13+s26], $0x1400, $0x38;
	[tilespmem:$0x1E800] =	vst v63  }
0x81: {  	_ =	swait.ge [sflag:s18], $0x1400  }
0x82: {  	[sflag:s18] =	ssyncset.done $0x0  }
0x83: {  	[sflag:s18] =	ssyncadd.s32 $0xFFFFEC00  }
0x84: {  	[tilespmem:s16], [sflag:$0x1] =	stream.indirect.gather [hbm4b:s4+s20], $0x80, s26, s20, $0xb8;
	[tilespmem:$0x1E800] =	vst v63  }
0x85: {  	_ =	swait.ge [sflag:s17], $0x4000  }
0x86: {  	[sflag:s17] =	ssyncset.done $0x0  }
0x87: {  	s28 =	simm.s32 $0x80;
	[sflag:s17] =	ssyncadd.s32 $0xFFFFC000  }
0x88: {  	[tilespmem:s21], [sflag:$0x2] =	stream.indirect.gather [hbm4b:s4+s20], $0x80, s28, s20, $0xb8;
	[tilespmem:$0x1E800] =	vst v63  }
0x89: {  	s29 =	simm.s32 $0x1400  }
0x8a: {  	[spmem:s2] =	stream.indirect.scatter.add.f32 [tilespmem:s16], [sflag:$0x3], $0x80, s29, s20, $0xb8;
	[tilespmem:$0x1E800] =	vst v63  }
0x8b: {  	_ =	swait.ge [sflag:s18], $0x4000  }
0x8c: {  	[sflag:s18] =	ssyncset.done $0x0  }
0x8d: {  	[sflag:s18] =	ssyncadd.s32 $0xFFFFC000  }
0x8e: {  	_ =	swait.ge [sflag:s22], $0x4000  }
0x8f: {  	[sflag:s22] =	ssyncset.done $0x0  }
0x90: {  	s30 =	simm.s32 $0x100;
	[sflag:s22] =	ssyncadd.s32 $0xFFFFC000  }
0x91: {  	[tilespmem:s16], [sflag:$0x1] =	stream.indirect.gather [hbm4b:s4+s20], $0x80, s30, s20, $0xb8;
	[tilespmem:$0x1E800] =	vst v63  }
0x92: {  	s31 =	simm.s32 $0x1480  }
0x93: {  	[spmem:s2] =	stream.indirect.scatter.add.f32 [tilespmem:s21], [sflag:$0x3], $0x80, s31, s20, $0xb8;
	[tilespmem:$0x1E800] =	vst v63  }
0x94: {  	_ =	swait.ge [sflag:s18], $0x4000  }
0x95: {  	s26 =	simm.s32 $0x400;
	[sflag:s18] =	ssyncset.done $0x0  }
.LBB2_6:
0x96: {  	p0 =	sne.s32 s26, $0x4800  }
0x97: {  	[sflag:s18] =	ssyncadd.s32 $0xFFFFC000;
	s28 =	smov.u32 s26;
	s26 =	sadd.s32 $0x400, s26  }
0x98: {  	_ = 	snop  }
0x99: {  	_ =	swait.ge [sflag:s17], $0x4000  }
0x9a: {  	s28 =	sshra.s32 s28, $0x2;
	[sflag:s17] =	ssyncset.done $0x0  }
0x9b: {  	s29 =	sadd.s32 $0x80, s28;
	[sflag:s17] =	ssyncadd.s32 $0xFFFFC000  }
0x9c: {  	[tilespmem:s21], [sflag:$0x2] =	stream.indirect.gather [hbm4b:s4+s20], $0x80, s29, s20, $0xb8;
	[tilespmem:$0x1E800] =	vst v63  }
0x9d: {  	s29 =	sadd.s32 $0x1400, s28  }
0x9e: {  	[spmem:s2] =	stream.indirect.scatter.add.f32 [tilespmem:s16], [sflag:$0x3], $0x80, s29, s20, $0xb8;
	[tilespmem:$0x1E800] =	vst v63  }
0x9f: {  	_ =	swait.ge [sflag:s18], $0x4000  }
0xa0: {  	[sflag:s18] =	ssyncset.done $0x0  }
0xa1: {  	[sflag:s18] =	ssyncadd.s32 $0xFFFFC000  }
0xa2: {  	_ =	swait.ge [sflag:s22], $0x4000  }
0xa3: {  	[sflag:s22] =	ssyncset.done $0x0  }
0xa4: {  	s29 =	sadd.s32 $0x100, s28;
	[sflag:s22] =	ssyncadd.s32 $0xFFFFC000  }
0xa5: {  	[tilespmem:s16], [sflag:$0x1] =	stream.indirect.gather [hbm4b:s4+s20], $0x80, s29, s20, $0xb8;
	[tilespmem:$0x1E800] =	vst v63  }
.Ltmp2:
0xa6: {  	_ = 	snop;
	(pc) =	sbr.rel @p0 .LBB2_6-.Ltmp2, $4  }
0xa7: {  	s28 =	sadd.s32 $0x1480, s28  }
0xa8: {  	[spmem:s2] =	stream.indirect.scatter.add.f32 [tilespmem:s21], [sflag:$0x3], $0x80, s28, s20, $0xb8;
	[tilespmem:$0x1E800] =	vst v63  }
0xa9: {  	_ =	swait.ge [sflag:s18], $0x4000  }
0xaa: {  	[sflag:s18] =	ssyncset.done $0x0  }
0xab: {  	[sflag:s18] =	ssyncadd.s32 $0xFFFFC000  }
0xac: {  	_ =	swait.ge [sflag:s17], $0x4000  }
0xad: {  	[sflag:s17] =	ssyncset.done $0x0  }
0xae: {  	[sflag:s17] =	ssyncadd.s32 $0xFFFFC000  }
0xaf: {  	[tilespmem:s21], [sflag:$0x2] =	stream.indirect.gather [hbm4b:s4+s20], $0x80, s23, s20, $0xb8;
	[tilespmem:$0x1E800] =	vst v63  }
0xb0: {  	_ = 	snop  }
0xb1: {  	[spmem:s2] =	stream.indirect.scatter.add.f32 [tilespmem:s16], [sflag:$0x3], $0x80, s24, s20, $0xb8;
	[tilespmem:$0x1E800] =	vst v63  }
0xb2: {  	_ =	swait.ge [sflag:s18], $0x4000  }
0xb3: {  	[sflag:s18] =	ssyncset.done $0x0  }
0xb4: {  	[sflag:s18] =	ssyncadd.s32 $0xFFFFC000  }
0xb5: {  	_ =	swait.ge [sflag:s22], $0x4000  }
0xb6: {  	[sflag:s22] =	ssyncset.done $0x0  }
0xb7: {  	[sflag:s22] =	ssyncadd.s32 $0xFFFFC000  }
0xb8: {  	[spmem:s2] =	stream.indirect.scatter.add.f32 [tilespmem:s21], [sflag:$0x3], $0x80, s25, s20, $0xb8;
	[tilespmem:$0x1E800] =	vst v63  }
0xb9: {  	_ =	swait.ge [sflag:s18], $0x4000  }
0xba: {  	s26 =	sshll.u32 s1, $0x6;
	s3 =	sadd.s32 $0x1, s3;
	[sflag:s18] =	ssyncset.done $0x0  }
0xbb: {  	s28 =	sshrl.u32 s5, $0x3;
	p0 =	sne.s32 s3, s15;
	[sflag:s18] =	ssyncadd.s32 $0xFFFFC000  }
.Ltmp3:
0xbc: {  	s26 =	sor.u32 $0x1C03, s26;
	[bflag:$0x0] =	sbarrier.arrive $0xFFFF;
	(pc) =	sbr.rel @p0 .LBB2_1-.Ltmp3, $4  }
0xbd: {  	[hbm:s14], [sflag:s26] =	dma.local [spmem:s28], $0x2800  }
0xbe: {  	_ =	swait.ge [sflag:s18], $0x2800  }
0xbf: {  	[sflag:s18] =	ssyncset.done $0x0  }
0xc0: {  	[sflag:s18] =	ssyncadd.s32 $0xFFFFD800  }
0xc1: {  	_ =	sfence.sel $0x180000  }
0xc2: {  	[bflag:$0x0] =	sbarrier.arrive $0xFFFF  }
0xc3: {  	p0 =	sne.s32 s1, $0x0;
	_ =	strace $0x90000047  }
0xc4: {  	s0 =	sadd.s32 @!p0 $0x100000, s0;
	[bflag:$0x2] =	sbarrier.arrive $0xFFFF  }
0xc5: {  	[sflag:s0] =	ssyncadd.tile.s32 @!p0 $0x1;
	_ =	shalt  }
.Lfunc_end2:
_tile_overlayer_lowered:
.L_overlay_start_2:
0xc6: {  	(tag) =	ssettag $0x2  }
0xc7: {  	s0 =	rddreg [dreg:$0x0];
	s2 =	stileid.u32  }
0xc8: {  	s1 =	rddreg [dreg:$0x1];
	p0 =	sne.s32 s2, $0x0  }
0xc9: {  	s3 =	rddreg [dreg:$0x2];
	[bflag:$0x3] =	sbarrier.arrive $0xFFFF;
	s2 =	simm.s32 @!p0 $0x1C03  }
0xca: {  	[timem:s3], [sflag:s2] =	dma.local @!p0 [hbm:s0], s1  }
0xcb: {  	s0 =	simm.s32 @!p0 $0x3  }
0xcc: {  	_ =	swait.ge @!p0 [sflag:s0], s1  }
0xcd: {  	s1 =	ssub.s32 @!p0 $0x0, s1;
	[sflag:s0] =	ssyncset.done @!p0 $0x0  }
0xce: {  	[sflag:s0] =	ssyncadd.s32 @!p0 s1  }
0xcf: {  	[bflag:$0x3] =	sbarrier.arrive $0xFFFF  }
0xd0: {  	_ =	shalt  }

</sc_bundles>
